<compile_context>
chip_gen: v7x
topology: tpu7x:2x2x1
jax: 0.10.2.dev20260603
libtpu: 0.0.44.dev20260713+nightly
codegen_flags: <defaults>
</compile_context>

<pallas_src>
import functools
import math

import numpy as np
import jax
import jax.numpy as jnp
from jax import lax
from jax.experimental import pallas as pl
from jax.experimental.pallas import tpu as pltpu
from jax.experimental.pallas import tpu_sc as plsc

N_NODES = 10000
N_EDGES = 160000
D_FEAT = 128
N_GROUPS = 4
GW = 32
IW = 128
SCALE = 1.0 / math.sqrt(16.0)

_P_SPREAD = np.zeros((3, 3 * D_FEAT), np.float32)
for _k in range(3):
    _P_SPREAD[_k, np.arange(D_FEAT) * 3 + _k] = 1.0


_TC_BLK = 2000


def _pack_pairs(lo_f32, hi_f32):
    ulo = jax.lax.bitcast_convert_type(lo_f32, jnp.uint32)
    uhi = jax.lax.bitcast_convert_type(hi_f32, jnp.uint32)
    rlo = (ulo + jnp.uint32(0x7FFF) + ((ulo >> 16) & jnp.uint32(1))) >> 16
    rhi = (uhi + jnp.uint32(0x7FFF) + ((uhi >> 16) & jnp.uint32(1))) \
        & jnp.uint32(0xFFFF0000)
    return jax.lax.bitcast_convert_type(rlo | rhi, jnp.float32)


def _tc_weights_body(vec_ref, rad_ref, w1_ref, w2_ref, w3_ref, w4slo_ref,
                     w4shi_ref, w4ilo_ref, w4ihi_ref, plo_ref, phi_ref,
                     out_ref):
    r = rad_ref[:]
    h = jax.nn.silu(jnp.dot(r, w1_ref[:], preferred_element_type=jnp.float32)
                    * (1.0 / math.sqrt(8.0)))
    h = jax.nn.silu(jnp.dot(h, w2_ref[:], preferred_element_type=jnp.float32)
                    * 0.125)
    h = jax.nn.silu(jnp.dot(h, w3_ref[:], preferred_element_type=jnp.float32)
                    * 0.125)
    v = vec_ref[:]
    norm = jnp.sqrt(jnp.sum(v * v, axis=-1, keepdims=True))
    sh = v / jnp.where(norm == 0.0, 1.0, norm) * math.sqrt(3.0)
    ws_lo = jnp.dot(h, w4slo_ref[:], preferred_element_type=jnp.float32)
    ws_hi = jnp.dot(h, w4shi_ref[:], preferred_element_type=jnp.float32)
    wv_lo = jnp.dot(h, w4ilo_ref[:], preferred_element_type=jnp.float32) \
        * jnp.dot(sh, plo_ref[:], preferred_element_type=jnp.float32)
    wv_hi = jnp.dot(h, w4ihi_ref[:], preferred_element_type=jnp.float32) \
        * jnp.dot(sh, phi_ref[:], preferred_element_type=jnp.float32)
    for g in range(N_GROUPS):
        lo_row = jnp.concatenate(
            [ws_lo[:, 16 * g:16 * (g + 1)],
             wv_lo[:, 48 * g:48 * (g + 1)]], axis=-1)
        hi_row = jnp.concatenate(
            [ws_hi[:, 16 * g:16 * (g + 1)],
             wv_hi[:, 48 * g:48 * (g + 1)]], axis=-1)
        out_ref[g] = _pack_pairs(lo_row, hi_row)


def _tc_weights(vectors, radial_embedding, W1, W2, W3, mats):
    grid = (N_EDGES // _TC_BLK,)
    return pl.pallas_call(
        _tc_weights_body,
        grid=grid,
        in_specs=[
            pl.BlockSpec((_TC_BLK, 3), lambda i: (i, 0)),
            pl.BlockSpec((_TC_BLK, 8), lambda i: (i, 0)),
            pl.BlockSpec((8, 64), lambda i: (0, 0)),
            pl.BlockSpec((64, 64), lambda i: (0, 0)),
            pl.BlockSpec((64, 64), lambda i: (0, 0)),
            pl.BlockSpec((64, 64), lambda i: (0, 0)),
            pl.BlockSpec((64, 64), lambda i: (0, 0)),
            pl.BlockSpec((64, 192), lambda i: (0, 0)),
            pl.BlockSpec((64, 192), lambda i: (0, 0)),
            pl.BlockSpec((3, 192), lambda i: (0, 0)),
            pl.BlockSpec((3, 192), lambda i: (0, 0)),
        ],
        out_specs=pl.BlockSpec((N_GROUPS, _TC_BLK, IW // 2),
                               lambda i: (0, i, 0)),
        out_shape=jax.ShapeDtypeStruct((N_GROUPS, N_EDGES, IW // 2),
                                       jnp.float32),
    )(vectors, radial_embedding, W1, W2, W3, *mats)



_NT_BLK = 2000


def _nf_table_body(nf_ref, slo_ref, shi_ref, out_ref):
    nf = nf_ref[:]
    lo = jnp.dot(nf, slo_ref[0], preferred_element_type=jnp.float32)
    hi = jnp.dot(nf, shi_ref[0], preferred_element_type=jnp.float32)
    out_ref[:] = _pack_pairs(lo, hi)


def _nf_table(node_feats, S_lo, S_hi):
    grid = (N_GROUPS, N_NODES // _NT_BLK)
    return pl.pallas_call(
        _nf_table_body,
        grid=grid,
        in_specs=[
            pl.BlockSpec((_NT_BLK, D_FEAT), lambda g, i: (i, 0)),
            pl.BlockSpec((1, D_FEAT, IW // 2), lambda g, i: (g, 0, 0)),
            pl.BlockSpec((1, D_FEAT, IW // 2), lambda g, i: (g, 0, 0)),
        ],
        out_specs=pl.BlockSpec(
            (_NT_BLK, IW // 2),
            lambda g, i: (g * (N_NODES // _NT_BLK) + i, 0)),
        out_shape=jax.ShapeDtypeStruct((N_GROUPS * N_NODES, IW // 2),
                                       jnp.float32),
    )(node_feats, S_lo, S_hi)


def _build_nf_sel():
    S_lo = np.zeros((N_GROUPS, D_FEAT, IW // 2), np.float32)
    S_hi = np.zeros((N_GROUPS, D_FEAT, IW // 2), np.float32)
    for g in range(N_GROUPS):
        for q in range(4):
            for j in range(16):
                w = 16 * q + j
                if q == 0:
                    S_lo[g, 32 * g + j, w] = 1.0
                    S_hi[g, 32 * g + j + 16, w] = 1.0
                else:
                    c_lo = 32 * (q - 1) + j
                    c_hi = c_lo + 16
                    S_lo[g, 32 * g + c_lo // 3, w] = 1.0
                    S_hi[g, 32 * g + c_hi // 3, w] = 1.0
    return jnp.asarray(S_lo), jnp.asarray(S_hi)



_B = 80
_CHUNK_BLKS = 25
_CHUNKS = 5
_ZROWS = N_NODES // 5
_NPAIR = (_CHUNK_BLKS - 1) // 2


def _sc_body(nf_hbm, w_hbm, snd_hbm, rcv_hbm, zeros_hbm, out_hbm,
             snd2d, rcv2d, g0, w0, g1, w1, m0, m1, acc,
             semA, semB, semS0, semS1):
    c = lax.axis_index("c")
    s = lax.axis_index("s")

    def start_gw(b, e0_base, gbuf, wbuf, sem, grp):
        pltpu.async_copy(nf_hbm.at[snd2d.at[b]], gbuf, sem)
        pltpu.async_copy(w_hbm.at[pl.ds(grp * N_EDGES + e0_base + b * _B, _B)],
                         wbuf, sem)

    def wait_gw(b, e0_base, gbuf, wbuf, sem, grp):
        pltpu.make_async_copy(nf_hbm.at[snd2d.at[b]], gbuf, sem).wait()
        pltpu.make_async_copy(
            w_hbm.at[pl.ds(grp * N_EDGES + e0_base + b * _B, _B)],
            wbuf, sem).wait()

    def mul(gbuf, wbuf, mbuf):
        @plsc.parallel_loop(0, _B, unroll=2)
        def _(i):
            for q in range(IW // GW):
                gq = plsc.bitcast(gbuf[i, pl.ds(16 * q, 16)], jnp.bfloat16)
                wq = plsc.bitcast(wbuf[i, pl.ds(16 * q, 16)], jnp.bfloat16)
                ga, gb = plsc.unpack(gq, format=plsc.PackFormat.INTERLEAVED,
                                     preferred_element_type=jnp.float32)
                wa, wb = plsc.unpack(wq, format=plsc.PackFormat.INTERLEAVED,
                                     preferred_element_type=jnp.float32)
                mbuf[i, pl.ds(GW * q, 16)] = ga * wa
                mbuf[i, pl.ds(GW * q + 16, 16)] = gb * wb

    def scat_start(b, mbuf, sem):
        pltpu.async_copy(mbuf, acc.at[rcv2d.at[b]], sem, add=True)

    def scat_wait(b, mbuf, sem):
        pltpu.make_async_copy(mbuf, acc.at[rcv2d.at[b]], sem).wait()

    def round_body(r, _):
        grp = 2 * r + c

        @pl.when(s < 5)
        def _zero():
            pltpu.sync_copy(zeros_hbm, acc.at[pl.ds(s * _ZROWS, _ZROWS)])
        plsc.subcore_barrier()

        def chunk_body(k, _):
            row0 = s * (_CHUNK_BLKS * _CHUNKS) + k * _CHUNK_BLKS
            e0_base = row0 * _B
            pltpu.sync_copy(snd_hbm.at[pl.ds(row0, _CHUNK_BLKS)], snd2d)
            pltpu.sync_copy(rcv_hbm.at[pl.ds(row0, _CHUNK_BLKS)], rcv2d)

            @plsc.parallel_loop(0, _CHUNK_BLKS)
            def _(i):
                for h in range(_B // 16):
                    sl = pl.ds(16 * h, 16)
                    snd2d[i, sl] = snd2d[i, sl] + grp * N_NODES

            start_gw(0, e0_base, g0, w0, semA, grp)
            start_gw(1, e0_base, g1, w1, semB, grp)

            def pair_body(j, _):
                b = 2 * j
                wait_gw(b, e0_base, g0, w0, semA, grp)

                @pl.when(j > 0)
                def _():
                    scat_wait(b - 2, m0, semS0)
                mul(g0, w0, m0)
                scat_start(b, m0, semS0)
                start_gw(b + 2, e0_base, g0, w0, semA, grp)
                wait_gw(b + 1, e0_base, g1, w1, semB, grp)

                @pl.when(j > 0)
                def _():
                    scat_wait(b - 1, m1, semS1)
                mul(g1, w1, m1)
                scat_start(b + 1, m1, semS1)

                @pl.when(j < _NPAIR - 1)
                def _():
                    start_gw(b + 3, e0_base, g1, w1, semB, grp)
                return 0

            lax.fori_loop(0, _NPAIR, pair_body, 0)
            bl = _CHUNK_BLKS - 1
            wait_gw(bl, e0_base, g0, w0, semA, grp)
            scat_wait(bl - 2, m0, semS0)
            mul(g0, w0, m0)
            scat_start(bl, m0, semS0)
            scat_wait(bl - 1, m1, semS1)
            scat_wait(bl, m0, semS0)
            return 0

        lax.fori_loop(0, _CHUNKS, chunk_body, 0)
        plsc.subcore_barrier()

        @pl.when(s < 5)
        def _writeout():
            r0 = s * _ZROWS
            pltpu.sync_copy(acc.at[pl.ds(r0, _ZROWS), pl.ds(0, GW)],
                            out_hbm.at[pl.ds(r0, _ZROWS), pl.ds(GW * grp, GW)])
            pltpu.sync_copy(
                acc.at[pl.ds(r0, _ZROWS), pl.ds(GW, 3 * GW)],
                out_hbm.at[pl.ds(r0, _ZROWS),
                           pl.ds(D_FEAT + 3 * GW * grp, 3 * GW)])
        plsc.subcore_barrier()
        return 0

    lax.fori_loop(0, 2, round_body, 0)


def _sc_scatter(nf_t, w_t, snd2, rcv2, zeros):
    mesh = plsc.VectorSubcoreMesh(core_axis_name="c", subcore_axis_name="s",
                                  num_cores=2, num_subcores=16)
    f = functools.partial(
        pl.kernel,
        out_type=jax.ShapeDtypeStruct((N_NODES, 4 * D_FEAT), jnp.float32),
        mesh=mesh,
        compiler_params=pltpu.CompilerParams(use_tc_tiling_on_sc=False,
                                             needs_layout_passes=False),
        scratch_types=[
            pltpu.VMEM((_CHUNK_BLKS, _B), jnp.int32),
            pltpu.VMEM((_CHUNK_BLKS, _B), jnp.int32),
            pltpu.VMEM((_B, IW // 2), jnp.float32),
            pltpu.VMEM((_B, IW // 2), jnp.float32),
            pltpu.VMEM((_B, IW // 2), jnp.float32),
            pltpu.VMEM((_B, IW // 2), jnp.float32),
            pltpu.VMEM((_B, IW), jnp.float32),
            pltpu.VMEM((_B, IW), jnp.float32),
            pltpu.VMEM_SHARED((N_NODES, IW), jnp.float32),
            pltpu.SemaphoreType.DMA,
            pltpu.SemaphoreType.DMA,
            pltpu.SemaphoreType.DMA,
            pltpu.SemaphoreType.DMA,
        ],
    )(_sc_body)
    return f(nf_t, w_t, snd2, rcv2, zeros)


def kernel(vectors, node_feats, radial_embedding, senders, receivers,
           W1, W2, W3, W4):
    s = 0.125 * SCALE
    W4s = W4[:, :D_FEAT] * s
    W4sr = W4s.reshape(64, N_GROUPS, 2, 16)
    W4slo = W4sr[:, :, 0, :].reshape(64, 64)
    W4shi = W4sr[:, :, 1, :].reshape(64, 64)
    W4i = jnp.repeat(W4[:, D_FEAT:] * s, 3, axis=1)
    W4ir = W4i.reshape(64, 12, 2, 16)
    W4ilo = W4ir[:, :, 0, :].reshape(64, 192)
    W4ihi = W4ir[:, :, 1, :].reshape(64, 192)
    Pr = jnp.asarray(_P_SPREAD).reshape(3, 12, 2, 16)
    Plo = Pr[:, :, 0, :].reshape(3, 192)
    Phi = Pr[:, :, 1, :].reshape(3, 192)
    w_edge = _tc_weights(vectors, radial_embedding, W1, W2, W3,
                         (W4slo, W4shi, W4ilo, W4ihi, Plo, Phi))
    w_flat = w_edge.reshape(N_GROUPS * N_EDGES, IW // 2)
    S_lo, S_hi = _build_nf_sel()
    nf_t = _nf_table(node_feats, S_lo, S_hi)
    snd2 = senders.astype(jnp.int32).reshape(N_EDGES // _B, _B)
    rcv2 = receivers.astype(jnp.int32).reshape(N_EDGES // _B, _B)
    zeros = jnp.zeros((_ZROWS, IW), jnp.float32)
    return _sc_scatter(nf_t, w_flat, snd2, rcv2, zeros)

# --- scband reference (transcript-rebuilt; emitter-appended) ---
"""Pipeline reference for scband-message-passing-convolution-84859963834518 (READ-ONLY COPY).

The authoritative reference and input builder live on the scoring server;
editing this copy changes nothing except your own understanding.
"""

import jax, jax.numpy as jnp
import numpy as np

N_NODES = 10000
N_EDGES = 160000
D_FEAT = 128
N_RADIAL = 8
AVG_NUM_NEIGHBORS = 16.0


def setup_inputs(seed: int = 0) -> dict:
    key = jax.random.key(seed)
    ks = jax.random.split(key, 9)
    vectors = jax.random.normal(ks[0], (N_EDGES, 3), dtype=jnp.float32)
    node_feats = jax.random.normal(ks[1], (N_NODES, D_FEAT), dtype=jnp.float32)
    radial_embedding = jax.random.normal(ks[2], (N_EDGES, N_RADIAL), dtype=jnp.float32)
    senders = jax.random.randint(ks[3], (N_EDGES,), 0, N_NODES)
    receivers = jax.random.randint(ks[4], (N_EDGES,), 0, N_NODES)
    # e3nn.flax.MultiLayerPerceptron params: 3*[64] + [num_irreps=256], no biases
    W1 = jax.random.normal(ks[5], (N_RADIAL, 64), dtype=jnp.float32)
    W2 = jax.random.normal(ks[6], (64, 64), dtype=jnp.float32)
    W3 = jax.random.normal(ks[7], (64, 64), dtype=jnp.float32)
    W4 = jax.random.normal(ks[8], (64, 2 * D_FEAT), dtype=jnp.float32)
    return {"vectors": vectors, "node_feats": node_feats, "radial_embedding": radial_embedding,
            "senders": senders, "receivers": receivers,
            "W1": W1, "W2": W2, "W3": W3, "W4": W4}


def _mlp(h, W1, W2, W3, W4):
    # e3nn MLP: linear layers normalized by 1/sqrt(fan_in), gate activation, no output activation
    h = jax.nn.silu(h @ W1 / jnp.sqrt(W1.shape[0]))
    h = jax.nn.silu(h @ W2 / jnp.sqrt(W2.shape[0]))
    h = jax.nn.silu(h @ W3 / jnp.sqrt(W3.shape[0]))
    return h @ W4 / jnp.sqrt(W4.shape[0])


def _forward(vectors, node_feats, radial_embedding, senders, receivers, W1, W2, W3, W4):
    N, C = node_feats.shape
    E = senders.shape[0]
    # messages = node_feats[senders]  (gather; node_feats irreps = 128x0e)
    msg_scalar = node_feats[senders]  # [E, C] -> the filter(target_irreps) 0e part
    # spherical harmonics l=1, normalize=True, component normalization: sqrt(3) * x_hat
    norm = jnp.linalg.norm(vectors, axis=-1, keepdims=True)
    sh = vectors / jnp.where(norm == 0.0, 1.0, norm) * jnp.sqrt(3.0)  # [E, 3] (1o)
    # tensor_product(128x0e, 1o) filtered to target -> 128x1o
    msg_vector = msg_scalar[:, :, None] * sh[:, None, :]  # [E, C, 3]
    # radial MLP produces one weight per irrep (num_irreps = 2*C)
    mix = _mlp(radial_embedding, W1, W2, W3, W4)  # [E, 2C]
    msg_scalar = msg_scalar * mix[:, :C]
    msg_vector = msg_vector * mix[:, C:, None]
    messages = jnp.concatenate([msg_scalar, msg_vector.reshape(E, 3 * C)], axis=-1)  # [E, 4C]
    # scatter-add into zeros at receivers
    out = jnp.zeros((N, messages.shape[-1]), messages.dtype).at[receivers].add(messages)
    return out / jnp.sqrt(AVG_NUM_NEIGHBORS)


def reference(vectors, node_feats, radial_embedding, senders, receivers, W1, W2, W3, W4):
    return _forward(vectors, node_feats, radial_embedding, senders, receivers, W1, W2, W3, W4)

if __name__ == "__main__":
    import jax
    _d = setup_inputs()
    print(jax.jit(kernel)(*tuple(_d.values())))

</pallas_src>

<mosaic_0001>
#map = affine_map<(d0, d1) -> (0, 0)>
module attributes {stable_mosaic.version = 14 : i64} {
  func.func @_sc_body(%arg0: i32, %arg1: i32, %arg2: memref<40000x64xf32, #tpu.memory_space<hbm>>, %arg3: memref<640000x64xf32, #tpu.memory_space<hbm>>, %arg4: memref<2000x80xi32, #tpu.memory_space<hbm>>, %arg5: memref<2000x80xi32, #tpu.memory_space<hbm>>, %arg6: memref<2000x128xf32, #tpu.memory_space<hbm>>, %arg7: memref<10000x512xf32, #tpu.memory_space<hbm>>, %arg8: memref<25x80xi32, #tpu.memory_space<vmem>>, %arg9: memref<25x80xi32, #tpu.memory_space<vmem>>, %arg10: memref<80x64xf32, #tpu.memory_space<vmem>>, %arg11: memref<80x64xf32, #tpu.memory_space<vmem>>, %arg12: memref<80x64xf32, #tpu.memory_space<vmem>>, %arg13: memref<80x64xf32, #tpu.memory_space<vmem>>, %arg14: memref<80x128xf32, #tpu.memory_space<vmem>>, %arg15: memref<80x128xf32, #tpu.memory_space<vmem>>, %arg16: memref<10000x128xf32, #tpu.memory_space<vmem_shared>>, %arg17: memref<!tpu.dma_semaphore, #tpu.memory_space<semaphore_mem>>, %arg18: memref<!tpu.dma_semaphore, #tpu.memory_space<semaphore_mem>>, %arg19: memref<!tpu.dma_semaphore, #tpu.memory_space<semaphore_mem>>, %arg20: memref<!tpu.dma_semaphore, #tpu.memory_space<semaphore_mem>>) attributes {dimension_semantics = [#tpu.dimension_semantics<core_parallel>, #tpu.dimension_semantics<subcore_parallel>], iteration_bounds = array<i64: 2, 16>, scalar_prefetch = 0 : i64, scratch_operands = 13 : i64, tpu.core_type = #tpu.core_type<sc_vector_subcore>, window_params = [{transform_indices = #map}, {transform_indices = #map}, {transform_indices = #map}, {transform_indices = #map}, {transform_indices = #map}, {transform_indices = #map}]} {
    %scan3A = arith.constant 0 : i32
    %scan3A_0 = arith.constant 0 : i32
    %scan3A_1 = arith.constant 2 : i32
    %scan3A_2 = arith.addi %scan3A_0, %scan3A_1 : i32
    %scan3A_3 = arith.constant 1 : i32
    %scan3A_4 = scf.for %scan3A_6 = %scan3A_0 to %scan3A_2 step %scan3A_3 iter_args(%scan3A_7 = %scan3A) -> (i32)  : i32 {
      %mul3A = arith.constant 2 : i32
      %mul3A_8 = arith.muli %mul3A, %scan3A_6 : i32
      %add3A = arith.addi %mul3A_8, %arg0 : i32
      %lt3A = arith.constant 5 : i32
      %lt3A_9 = arith.cmpi slt, %arg1, %lt3A : i32
      %convert_element_type3A = arith.extui %lt3A_9 : i1 to i32
      %cond3A = arith.constant 0 : i32
      %cond3A_10 = arith.cmpi ne, %convert_element_type3A, %cond3A : i32
      scf.if %cond3A_10 {
        %mul3A_26 = arith.constant 2000 : i32
        %mul3A_27 = arith.muli %arg1, %mul3A_26 : i32
        "tpu.region"() ({
          %run_scoped3A = tpu.sem_alloc : memref<!tpu.dma_semaphore, #tpu.memory_space<semaphore_mem>>
          %dma_start3A = arith.constant 0 : i32
          %dma_start3A_28 = tpu.memref_slice %arg16[%mul3A_27, %dma_start3A] : memref<10000x128xf32, #tpu.memory_space<vmem_shared>> -> memref<2000x128xf32, #tpu.memory_space<vmem_shared>>
          tpu.enqueue_dma source(%arg6 : memref<2000x128xf32, #tpu.memory_space<hbm>>) target(%dma_start3A_28 : memref<2000x128xf32, #tpu.memory_space<vmem_shared>>) target_semaphore(%run_scoped3A : memref<!tpu.dma_semaphore, #tpu.memory_space<semaphore_mem>>)
          %dma_wait3A = arith.constant 0 : i32
          %dma_wait3A_29 = tpu.memref_slice %arg16[%mul3A_27, %dma_wait3A] : memref<10000x128xf32, #tpu.memory_space<vmem_shared>> -> memref<2000x128xf32, #tpu.memory_space<vmem_shared>>
          tpu.wait_dma2 semaphore(%run_scoped3A : memref<!tpu.dma_semaphore, #tpu.memory_space<semaphore_mem>>) src(%arg6 : memref<2000x128xf32, #tpu.memory_space<hbm>>) dst(%dma_wait3A_29 : memref<2000x128xf32, #tpu.memory_space<vmem_shared>>)
          tpu.yield
        }) : () -> ()
      } else {
      }
      %barrier3A = arith.constant 0 : index
      tpu.barrier barrier_id(%barrier3A)
      %scan3A_11 = arith.constant 0 : i32
      %scan3A_12 = arith.constant 0 : i32
      %scan3A_13 = arith.constant 5 : i32
      %scan3A_14 = arith.addi %scan3A_12, %scan3A_13 : i32
      %scan3A_15 = arith.constant 1 : i32
      %scan3A_16 = scf.for %scan3A_26 = %scan3A_12 to %scan3A_14 step %scan3A_15 iter_args(%scan3A_27 = %scan3A_11) -> (i32)  : i32 {
        %mul3A_28 = arith.constant 125 : i32
        %mul3A_29 = arith.muli %arg1, %mul3A_28 : i32
        %mul3A_30 = arith.constant 25 : i32
        %mul3A_31 = arith.muli %scan3A_26, %mul3A_30 : i32
        %add3A_32 = arith.addi %mul3A_29, %mul3A_31 : i32
        %mul3A_33 = arith.constant 80 : i32
        %mul3A_34 = arith.muli %add3A_32, %mul3A_33 : i32
        "tpu.region"() ({
          %run_scoped3A = tpu.sem_alloc : memref<!tpu.dma_semaphore, #tpu.memory_space<semaphore_mem>>
          %dma_start3A_122 = arith.constant 0 : i32
          %dma_start3A_123 = tpu.memref_slice %arg4[%add3A_32, %dma_start3A_122] : memref<2000x80xi32, #tpu.memory_space<hbm>> -> memref<25x80xi32, #tpu.memory_space<hbm>>
          %dma_start3A_124 = arith.constant 0 : i32
          %dma_start3A_125 = tpu.memref_slice %arg4[%add3A_32, %dma_start3A_124] : memref<2000x80xi32, #tpu.memory_space<hbm>> -> memref<25x80xi32, #tpu.memory_space<hbm>>
          tpu.enqueue_dma source(%dma_start3A_125 : memref<25x80xi32, #tpu.memory_space<hbm>>) target(%arg8 : memref<25x80xi32, #tpu.memory_space<vmem>>) target_semaphore(%run_scoped3A : memref<!tpu.dma_semaphore, #tpu.memory_space<semaphore_mem>>)
          %dma_wait3A_126 = arith.constant 0 : i32
          %dma_wait3A_127 = tpu.memref_slice %arg4[%add3A_32, %dma_wait3A_126] : memref<2000x80xi32, #tpu.memory_space<hbm>> -> memref<25x80xi32, #tpu.memory_space<hbm>>
          %dma_wait3A_128 = arith.constant 0 : i32
          %dma_wait3A_129 = tpu.memref_slice %arg4[%add3A_32, %dma_wait3A_128] : memref<2000x80xi32, #tpu.memory_space<hbm>> -> memref<25x80xi32, #tpu.memory_space<hbm>>
          tpu.wait_dma2 semaphore(%run_scoped3A : memref<!tpu.dma_semaphore, #tpu.memory_space<semaphore_mem>>) src(%dma_wait3A_129 : memref<25x80xi32, #tpu.memory_space<hbm>>) dst(%arg8 : memref<25x80xi32, #tpu.memory_space<vmem>>)
          tpu.yield
        }) : () -> ()
        "tpu.region"() ({
          %run_scoped3A = tpu.sem_alloc : memref<!tpu.dma_semaphore, #tpu.memory_space<semaphore_mem>>
          %dma_start3A_122 = arith.constant 0 : i32
          %dma_start3A_123 = tpu.memref_slice %arg5[%add3A_32, %dma_start3A_122] : memref<2000x80xi32, #tpu.memory_space<hbm>> -> memref<25x80xi32, #tpu.memory_space<hbm>>
          %dma_start3A_124 = arith.constant 0 : i32
          %dma_start3A_125 = tpu.memref_slice %arg5[%add3A_32, %dma_start3A_124] : memref<2000x80xi32, #tpu.memory_space<hbm>> -> memref<25x80xi32, #tpu.memory_space<hbm>>
          tpu.enqueue_dma source(%dma_start3A_125 : memref<25x80xi32, #tpu.memory_space<hbm>>) target(%arg9 : memref<25x80xi32, #tpu.memory_space<vmem>>) target_semaphore(%run_scoped3A : memref<!tpu.dma_semaphore, #tpu.memory_space<semaphore_mem>>)
          %dma_wait3A_126 = arith.constant 0 : i32
          %dma_wait3A_127 = tpu.memref_slice %arg5[%add3A_32, %dma_wait3A_126] : memref<2000x80xi32, #tpu.memory_space<hbm>> -> memref<25x80xi32, #tpu.memory_space<hbm>>
          %dma_wait3A_128 = arith.constant 0 : i32
          %dma_wait3A_129 = tpu.memref_slice %arg5[%add3A_32, %dma_wait3A_128] : memref<2000x80xi32, #tpu.memory_space<hbm>> -> memref<25x80xi32, #tpu.memory_space<hbm>>
          tpu.wait_dma2 semaphore(%run_scoped3A : memref<!tpu.dma_semaphore, #tpu.memory_space<semaphore_mem>>) src(%dma_wait3A_129 : memref<25x80xi32, #tpu.memory_space<hbm>>) dst(%arg9 : memref<25x80xi32, #tpu.memory_space<vmem>>)
          tpu.yield
        }) : () -> ()
        %parallel_loop3A = arith.constant 0 : i32
        %parallel_loop3A_35 = arith.constant 25 : i32
        %parallel_loop3A_36 = arith.constant 1 : i32
        scf.for %parallel_loop3A_122 = %parallel_loop3A to %parallel_loop3A_35 step %parallel_loop3A_36  : i32 {
          %parallel_loop3A_123 = arith.index_cast %parallel_loop3A_122 : i32 to index
          %parallel_loop3A_124 = arith.constant 0 : index
          %parallel_loop3A_125 = tpu.vector_load %arg8[%parallel_loop3A_123, %parallel_loop3A_124] {strides = array<i32>} : memref<25x80xi32, #tpu.memory_space<vmem>>, vector<16xi32>,
          %parallel_loop3A_126 = arith.constant 10000 : i32
          %parallel_loop3A_127 = arith.muli %add3A, %parallel_loop3A_126 : i32
          %parallel_loop3A_128 = vector.broadcast %parallel_loop3A_127 : i32 to vector<16xi32>
          %parallel_loop3A_129 = arith.addi %parallel_loop3A_125, %parallel_loop3A_128 : vector<16xi32>
          %parallel_loop3A_130 = arith.index_cast %parallel_loop3A_122 : i32 to index
          %parallel_loop3A_131 = arith.constant 0 : index
          %parallel_loop3A_132 = tpu.vector_load %arg8[%parallel_loop3A_130, %parallel_loop3A_131] {strides = array<i32>} : memref<25x80xi32, #tpu.memory_space<vmem>>, vector<16xi32>,
          tpu.vector_store %arg8[%parallel_loop3A_130, %parallel_loop3A_131], %parallel_loop3A_129 {strides = array<i32>} : memref<25x80xi32, #tpu.memory_space<vmem>>, vector<16xi32>,
          %parallel_loop3A_133 = arith.index_cast %parallel_loop3A_122 : i32 to index
          %parallel_loop3A_134 = arith.constant 16 : index
          %parallel_loop3A_135 = tpu.vector_load %arg8[%parallel_loop3A_133, %parallel_loop3A_134] {strides = array<i32>} : memref<25x80xi32, #tpu.memory_space<vmem>>, vector<16xi32>,
          %parallel_loop3A_136 = arith.constant 10000 : i32
          %parallel_loop3A_137 = arith.muli %add3A, %parallel_loop3A_136 : i32
          %parallel_loop3A_138 = vector.broadcast %parallel_loop3A_137 : i32 to vector<16xi32>
          %parallel_loop3A_139 = arith.addi %parallel_loop3A_135, %parallel_loop3A_138 : vector<16xi32>
          %parallel_loop3A_140 = arith.index_cast %parallel_loop3A_122 : i32 to index
          %parallel_loop3A_141 = arith.constant 16 : index
          %parallel_loop3A_142 = tpu.vector_load %arg8[%parallel_loop3A_140, %parallel_loop3A_141] {strides = array<i32>} : memref<25x80xi32, #tpu.memory_space<vmem>>, vector<16xi32>,
          tpu.vector_store %arg8[%parallel_loop3A_140, %parallel_loop3A_141], %parallel_loop3A_139 {strides = array<i32>} : memref<25x80xi32, #tpu.memory_space<vmem>>, vector<16xi32>,
          %parallel_loop3A_143 = arith.index_cast %parallel_loop3A_122 : i32 to index
          %parallel_loop3A_144 = arith.constant 32 : index
          %parallel_loop3A_145 = tpu.vector_load %arg8[%parallel_loop3A_143, %parallel_loop3A_144] {strides = array<i32>} : memref<25x80xi32, #tpu.memory_space<vmem>>, vector<16xi32>,
          %parallel_loop3A_146 = arith.constant 10000 : i32
          %parallel_loop3A_147 = arith.muli %add3A, %parallel_loop3A_146 : i32
          %parallel_loop3A_148 = vector.broadcast %parallel_loop3A_147 : i32 to vector<16xi32>
          %parallel_loop3A_149 = arith.addi %parallel_loop3A_145, %parallel_loop3A_148 : vector<16xi32>
          %parallel_loop3A_150 = arith.index_cast %parallel_loop3A_122 : i32 to index
          %parallel_loop3A_151 = arith.constant 32 : index
          %parallel_loop3A_152 = tpu.vector_load %arg8[%parallel_loop3A_150, %parallel_loop3A_151] {strides = array<i32>} : memref<25x80xi32, #tpu.memory_space<vmem>>, vector<16xi32>,
          tpu.vector_store %arg8[%parallel_loop3A_150, %parallel_loop3A_151], %parallel_loop3A_149 {strides = array<i32>} : memref<25x80xi32, #tpu.memory_space<vmem>>, vector<16xi32>,
          %parallel_loop3A_153 = arith.index_cast %parallel_loop3A_122 : i32 to index
          %parallel_loop3A_154 = arith.constant 48 : index
          %parallel_loop3A_155 = tpu.vector_load %arg8[%parallel_loop3A_153, %parallel_loop3A_154] {strides = array<i32>} : memref<25x80xi32, #tpu.memory_space<vmem>>, vector<16xi32>,
          %parallel_loop3A_156 = arith.constant 10000 : i32
          %parallel_loop3A_157 = arith.muli %add3A, %parallel_loop3A_156 : i32
          %parallel_loop3A_158 = vector.broadcast %parallel_loop3A_157 : i32 to vector<16xi32>
          %parallel_loop3A_159 = arith.addi %parallel_loop3A_155, %parallel_loop3A_158 : vector<16xi32>
          %parallel_loop3A_160 = arith.index_cast %parallel_loop3A_122 : i32 to index
          %parallel_loop3A_161 = arith.constant 48 : index
          %parallel_loop3A_162 = tpu.vector_load %arg8[%parallel_loop3A_160, %parallel_loop3A_161] {strides = array<i32>} : memref<25x80xi32, #tpu.memory_space<vmem>>, vector<16xi32>,
          tpu.vector_store %arg8[%parallel_loop3A_160, %parallel_loop3A_161], %parallel_loop3A_159 {strides = array<i32>} : memref<25x80xi32, #tpu.memory_space<vmem>>, vector<16xi32>,
          %parallel_loop3A_163 = arith.index_cast %parallel_loop3A_122 : i32 to index
          %parallel_loop3A_164 = arith.constant 64 : index
          %parallel_loop3A_165 = tpu.vector_load %arg8[%parallel_loop3A_163, %parallel_loop3A_164] {strides = array<i32>} : memref<25x80xi32, #tpu.memory_space<vmem>>, vector<16xi32>,
          %parallel_loop3A_166 = arith.constant 10000 : i32
          %parallel_loop3A_167 = arith.muli %add3A, %parallel_loop3A_166 : i32
          %parallel_loop3A_168 = vector.broadcast %parallel_loop3A_167 : i32 to vector<16xi32>
          %parallel_loop3A_169 = arith.addi %parallel_loop3A_165, %parallel_loop3A_168 : vector<16xi32>
          %parallel_loop3A_170 = arith.index_cast %parallel_loop3A_122 : i32 to index
          %parallel_loop3A_171 = arith.constant 64 : index
          %parallel_loop3A_172 = tpu.vector_load %arg8[%parallel_loop3A_170, %parallel_loop3A_171] {strides = array<i32>} : memref<25x80xi32, #tpu.memory_space<vmem>>, vector<16xi32>,
          tpu.vector_store %arg8[%parallel_loop3A_170, %parallel_loop3A_171], %parallel_loop3A_169 {strides = array<i32>} : memref<25x80xi32, #tpu.memory_space<vmem>>, vector<16xi32>,
        } {sc.loop_unroll_factor = 1 : i64, sc.parallel_access}
        %dma_start3A = arith.constant 0 : i32
        %dma_start3A_37 = arith.constant 0 : i32
        %dma_start3A_38 = tpu.memref_slice %arg8[%dma_start3A, %dma_start3A_37] : memref<25x80xi32, #tpu.memory_space<vmem>> -> memref<1x80xi32, #tpu.memory_space<vmem>>
        %dma_start3A_39 = tpu.memref_squeeze %dma_start3A_38 : memref<1x80xi32, #tpu.memory_space<vmem>> -> memref<80xi32, #tpu.memory_space<vmem>>
        %dma_start3A_40 = arith.constant 0 : i32
        %dma_start3A_41 = arith.constant 0 : i32
        %dma_start3A_42 = tpu.memref_slice %arg2[%dma_start3A_40, %dma_start3A_41] : memref<40000x64xf32, #tpu.memory_space<hbm>> -> memref<40000x64xf32, #tpu.memory_space<hbm>>
        tpu.enqueue_indirect_dma source(%dma_start3A_42 : memref<40000x64xf32, #tpu.memory_space<hbm>>) target(%arg10 : memref<80x64xf32, #tpu.memory_space<vmem>>) offsets(%dma_start3A_39 : memref<80xi32, #tpu.memory_space<vmem>>) semaphore(%arg17 : memref<!tpu.dma_semaphore, #tpu.memory_space<semaphore_mem>>)
        %mul3A_43 = arith.constant 160000 : i32
        %mul3A_44 = arith.muli %add3A, %mul3A_43 : i32
        %add3A_45 = arith.addi %mul3A_44, %mul3A_34 : i32
        %add3A_46 = arith.constant 0 : i32
        %add3A_47 = arith.addi %add3A_45, %add3A_46 : i32
        %dma_start3A_48 = arith.constant 0 : i32
        %dma_start3A_49 = tpu.memref_slice %arg3[%add3A_47, %dma_start3A_48] : memref<640000x64xf32, #tpu.memory_space<hbm>> -> memref<80x64xf32, #tpu.memory_space<hbm>>
        %dma_start3A_50 = arith.constant 0 : i32
        %dma_start3A_51 = tpu.memref_slice %arg3[%add3A_47, %dma_start3A_50] : memref<640000x64xf32, #tpu.memory_space<hbm>> -> memref<80x64xf32, #tpu.memory_space<hbm>>
        tpu.enqueue_dma source(%dma_start3A_51 : memref<80x64xf32, #tpu.memory_space<hbm>>) target(%arg11 : memref<80x64xf32, #tpu.memory_space<vmem>>) target_semaphore(%arg17 : memref<!tpu.dma_semaphore, #tpu.memory_space<semaphore_mem>>)
        %dma_start3A_52 = arith.constant 1 : i32
        %dma_start3A_53 = arith.constant 0 : i32
        %dma_start3A_54 = tpu.memref_slice %arg8[%dma_start3A_52, %dma_start3A_53] : memref<25x80xi32, #tpu.memory_space<vmem>> -> memref<1x80xi32, #tpu.memory_space<vmem>>
        %dma_start3A_55 = tpu.memref_squeeze %dma_start3A_54 : memref<1x80xi32, #tpu.memory_space<vmem>> -> memref<80xi32, #tpu.memory_space<vmem>>
        %dma_start3A_56 = arith.constant 0 : i32
        %dma_start3A_57 = arith.constant 0 : i32
        %dma_start3A_58 = tpu.memref_slice %arg2[%dma_start3A_56, %dma_start3A_57] : memref<40000x64xf32, #tpu.memory_space<hbm>> -> memref<40000x64xf32, #tpu.memory_space<hbm>>
        tpu.enqueue_indirect_dma source(%dma_start3A_58 : memref<40000x64xf32, #tpu.memory_space<hbm>>) target(%arg12 : memref<80x64xf32, #tpu.memory_space<vmem>>) offsets(%dma_start3A_55 : memref<80xi32, #tpu.memory_space<vmem>>) semaphore(%arg18 : memref<!tpu.dma_semaphore, #tpu.memory_space<semaphore_mem>>)
        %mul3A_59 = arith.constant 160000 : i32
        %mul3A_60 = arith.muli %add3A, %mul3A_59 : i32
        %add3A_61 = arith.addi %mul3A_60, %mul3A_34 : i32
        %add3A_62 = arith.constant 80 : i32
        %add3A_63 = arith.addi %add3A_61, %add3A_62 : i32
        %dma_start3A_64 = arith.constant 0 : i32
        %dma_start3A_65 = tpu.memref_slice %arg3[%add3A_63, %dma_start3A_64] : memref<640000x64xf32, #tpu.memory_space<hbm>> -> memref<80x64xf32, #tpu.memory_space<hbm>>
        %dma_start3A_66 = arith.constant 0 : i32
        %dma_start3A_67 = tpu.memref_slice %arg3[%add3A_63, %dma_start3A_66] : memref<640000x64xf32, #tpu.memory_space<hbm>> -> memref<80x64xf32, #tpu.memory_space<hbm>>
        tpu.enqueue_dma source(%dma_start3A_67 : memref<80x64xf32, #tpu.memory_space<hbm>>) target(%arg13 : memref<80x64xf32, #tpu.memory_space<vmem>>) target_semaphore(%arg18 : memref<!tpu.dma_semaphore, #tpu.memory_space<semaphore_mem>>)
        %scan3A_68 = arith.constant 0 : i32
        %scan3A_69 = arith.constant 0 : i32
        %scan3A_70 = arith.constant 12 : i32
        %scan3A_71 = arith.addi %scan3A_69, %scan3A_70 : i32
        %scan3A_72 = arith.constant 1 : i32
        %scan3A_73 = scf.for %scan3A_122 = %scan3A_69 to %scan3A_71 step %scan3A_72 iter_args(%scan3A_123 = %scan3A_68) -> (i32)  : i32 {
          %mul3A_124 = arith.constant 2 : i32
          %mul3A_125 = arith.muli %mul3A_124, %scan3A_122 : i32
          %dma_wait3A_126 = arith.constant 0 : i32
          %dma_wait3A_127 = tpu.memref_slice %arg8[%mul3A_125, %dma_wait3A_126] : memref<25x80xi32, #tpu.memory_space<vmem>> -> memref<1x80xi32, #tpu.memory_space<vmem>>
          %dma_wait3A_128 = tpu.memref_squeeze %dma_wait3A_127 : memref<1x80xi32, #tpu.memory_space<vmem>> -> memref<80xi32, #tpu.memory_space<vmem>>
          %dma_wait3A_129 = arith.constant 0 : i32
          %dma_wait3A_130 = arith.constant 0 : i32
          %dma_wait3A_131 = tpu.memref_slice %arg2[%dma_wait3A_129, %dma_wait3A_130] : memref<40000x64xf32, #tpu.memory_space<hbm>> -> memref<40000x64xf32, #tpu.memory_space<hbm>>
          tpu.wait_indirect_dma semaphore(%arg17 : memref<!tpu.dma_semaphore, #tpu.memory_space<semaphore_mem>>) src(%dma_wait3A_131 : memref<40000x64xf32, #tpu.memory_space<hbm>>) dst(%arg10 : memref<80x64xf32, #tpu.memory_space<vmem>>)
          %mul3A_132 = arith.constant 160000 : i32
          %mul3A_133 = arith.muli %add3A, %mul3A_132 : i32
          %add3A_134 = arith.addi %mul3A_133, %mul3A_34 : i32
          %mul3A_135 = arith.constant 80 : i32
          %mul3A_136 = arith.muli %mul3A_125, %mul3A_135 : i32
          %add3A_137 = arith.addi %add3A_134, %mul3A_136 : i32
          %dma_wait3A_138 = arith.constant 0 : i32
          %dma_wait3A_139 = tpu.memref_slice %arg3[%add3A_137, %dma_wait3A_138] : memref<640000x64xf32, #tpu.memory_space<hbm>> -> memref<80x64xf32, #tpu.memory_space<hbm>>
          %dma_wait3A_140 = arith.constant 0 : i32
          %dma_wait3A_141 = tpu.memref_slice %arg3[%add3A_137, %dma_wait3A_140] : memref<640000x64xf32, #tpu.memory_space<hbm>> -> memref<80x64xf32, #tpu.memory_space<hbm>>
          tpu.wait_dma2 semaphore(%arg17 : memref<!tpu.dma_semaphore, #tpu.memory_space<semaphore_mem>>) src(%dma_wait3A_141 : memref<80x64xf32, #tpu.memory_space<hbm>>) dst(%arg11 : memref<80x64xf32, #tpu.memory_space<vmem>>)
          %gt3A = arith.constant 0 : i32
          %gt3A_142 = arith.cmpi sgt, %scan3A_122, %gt3A : i32
          %convert_element_type3A_143 = arith.extui %gt3A_142 : i1 to i32
          %cond3A_144 = arith.constant 0 : i32
          %cond3A_145 = arith.cmpi ne, %convert_element_type3A_143, %cond3A_144 : i32
          scf.if %cond3A_145 {
            %sub3A = arith.constant 2 : i32
            %sub3A_213 = arith.subi %mul3A_125, %sub3A : i32
            %dma_wait3A_214 = arith.constant 0 : i32
            %dma_wait3A_215 = tpu.memref_slice %arg9[%sub3A_213, %dma_wait3A_214] : memref<25x80xi32, #tpu.memory_space<vmem>> -> memref<1x80xi32, #tpu.memory_space<vmem>>
            %dma_wait3A_216 = tpu.memref_squeeze %dma_wait3A_215 : memref<1x80xi32, #tpu.memory_space<vmem>> -> memref<80xi32, #tpu.memory_space<vmem>>
            %dma_wait3A_217 = arith.constant 0 : i32
            %dma_wait3A_218 = arith.constant 0 : i32
            %dma_wait3A_219 = tpu.memref_slice %arg16[%dma_wait3A_217, %dma_wait3A_218] : memref<10000x128xf32, #tpu.memory_space<vmem_shared>> -> memref<10000x128xf32, #tpu.memory_space<vmem_shared>>
            tpu.wait_indirect_dma semaphore(%arg19 : memref<!tpu.dma_semaphore, #tpu.memory_space<semaphore_mem>>) src(%arg14 : memref<80x128xf32, #tpu.memory_space<vmem>>) dst(%dma_wait3A_219 : memref<10000x128xf32, #tpu.memory_space<vmem_shared>>)
          } else {
          }
          %parallel_loop3A_146 = arith.constant 0 : i32
          %parallel_loop3A_147 = arith.constant 80 : i32
          %parallel_loop3A_148 = arith.constant 1 : i32
          scf.for %parallel_loop3A_213 = %parallel_loop3A_146 to %parallel_loop3A_147 step %parallel_loop3A_148  : i32 {
            %parallel_loop3A_214 = arith.index_cast %parallel_loop3A_213 : i32 to index
            %parallel_loop3A_215 = arith.constant 0 : index
            %parallel_loop3A_216 = tpu.vector_load %arg10[%parallel_loop3A_214, %parallel_loop3A_215] {strides = array<i32>} : memref<80x64xf32, #tpu.memory_space<vmem>>, vector<16xf32>,
            %parallel_loop3A_217 = vector.bitcast %parallel_loop3A_216 : vector<16xf32> to vector<32xbf16>
            %parallel_loop3A_218 = arith.index_cast %parallel_loop3A_213 : i32 to index
            %parallel_loop3A_219 = arith.constant 0 : index
            %parallel_loop3A_220 = tpu.vector_load %arg11[%parallel_loop3A_218, %parallel_loop3A_219] {strides = array<i32>} : memref<80x64xf32, #tpu.memory_space<vmem>>, vector<16xf32>,
            %parallel_loop3A_221 = vector.bitcast %parallel_loop3A_220 : vector<16xf32> to vector<32xbf16>
            %parallel_loop3A_222 = tpu.unpack_subelements %parallel_loop3A_217, 0 {pack_format = #tpu.pack_format<interleaved>} : vector<32xbf16> -> vector<16xf32>
            %parallel_loop3A_223 = tpu.unpack_subelements %parallel_loop3A_217, 1 {pack_format = #tpu.pack_format<interleaved>} : vector<32xbf16> -> vector<16xf32>
            %parallel_loop3A_224 = tpu.unpack_subelements %parallel_loop3A_221, 0 {pack_format = #tpu.pack_format<interleaved>} : vector<32xbf16> -> vector<16xf32>
            %parallel_loop3A_225 = tpu.unpack_subelements %parallel_loop3A_221, 1 {pack_format = #tpu.pack_format<interleaved>} : vector<32xbf16> -> vector<16xf32>
            %parallel_loop3A_226 = arith.mulf %parallel_loop3A_222, %parallel_loop3A_224 : vector<16xf32>
            %parallel_loop3A_227 = arith.index_cast %parallel_loop3A_213 : i32 to index
            %parallel_loop3A_228 = arith.constant 0 : index
            %parallel_loop3A_229 = tpu.vector_load %arg14[%parallel_loop3A_227, %parallel_loop3A_228] {strides = array<i32>} : memref<80x128xf32, #tpu.memory_space<vmem>>, vector<16xf32>,
            tpu.vector_store %arg14[%parallel_loop3A_227, %parallel_loop3A_228], %parallel_loop3A_226 {strides = array<i32>} : memref<80x128xf32, #tpu.memory_space<vmem>>, vector<16xf32>,
            %parallel_loop3A_230 = arith.mulf %parallel_loop3A_223, %parallel_loop3A_225 : vector<16xf32>
            %parallel_loop3A_231 = arith.index_cast %parallel_loop3A_213 : i32 to index
            %parallel_loop3A_232 = arith.constant 16 : index
            %parallel_loop3A_233 = tpu.vector_load %arg14[%parallel_loop3A_231, %parallel_loop3A_232] {strides = array<i32>} : memref<80x128xf32, #tpu.memory_space<vmem>>, vector<16xf32>,
            tpu.vector_store %arg14[%parallel_loop3A_231, %parallel_loop3A_232], %parallel_loop3A_230 {strides = array<i32>} : memref<80x128xf32, #tpu.memory_space<vmem>>, vector<16xf32>,
            %parallel_loop3A_234 = arith.index_cast %parallel_loop3A_213 : i32 to index
            %parallel_loop3A_235 = arith.constant 16 : index
            %parallel_loop3A_236 = tpu.vector_load %arg10[%parallel_loop3A_234, %parallel_loop3A_235] {strides = array<i32>} : memref<80x64xf32, #tpu.memory_space<vmem>>, vector<16xf32>,
            %parallel_loop3A_237 = vector.bitcast %parallel_loop3A_236 : vector<16xf32> to vector<32xbf16>
            %parallel_loop3A_238 = arith.index_cast %parallel_loop3A_213 : i32 to index
            %parallel_loop3A_239 = arith.constant 16 : index
            %parallel_loop3A_240 = tpu.vector_load %arg11[%parallel_loop3A_238, %parallel_loop3A_239] {strides = array<i32>} : memref<80x64xf32, #tpu.memory_space<vmem>>, vector<16xf32>,
            %parallel_loop3A_241 = vector.bitcast %parallel_loop3A_240 : vector<16xf32> to vector<32xbf16>
            %parallel_loop3A_242 = tpu.unpack_subelements %parallel_loop3A_237, 0 {pack_format = #tpu.pack_format<interleaved>} : vector<32xbf16> -> vector<16xf32>
            %parallel_loop3A_243 = tpu.unpack_subelements %parallel_loop3A_237, 1 {pack_format = #tpu.pack_format<interleaved>} : vector<32xbf16> -> vector<16xf32>
            %parallel_loop3A_244 = tpu.unpack_subelements %parallel_loop3A_241, 0 {pack_format = #tpu.pack_format<interleaved>} : vector<32xbf16> -> vector<16xf32>
            %parallel_loop3A_245 = tpu.unpack_subelements %parallel_loop3A_241, 1 {pack_format = #tpu.pack_format<interleaved>} : vector<32xbf16> -> vector<16xf32>
            %parallel_loop3A_246 = arith.mulf %parallel_loop3A_242, %parallel_loop3A_244 : vector<16xf32>
            %parallel_loop3A_247 = arith.index_cast %parallel_loop3A_213 : i32 to index
            %parallel_loop3A_248 = arith.constant 32 : index
            %parallel_loop3A_249 = tpu.vector_load %arg14[%parallel_loop3A_247, %parallel_loop3A_248] {strides = array<i32>} : memref<80x128xf32, #tpu.memory_space<vmem>>, vector<16xf32>,
            tpu.vector_store %arg14[%parallel_loop3A_247, %parallel_loop3A_248], %parallel_loop3A_246 {strides = array<i32>} : memref<80x128xf32, #tpu.memory_space<vmem>>, vector<16xf32>,
            %parallel_loop3A_250 = arith.mulf %parallel_loop3A_243, %parallel_loop3A_245 : vector<16xf32>
            %parallel_loop3A_251 = arith.index_cast %parallel_loop3A_213 : i32 to index
            %parallel_loop3A_252 = arith.constant 48 : index
            %parallel_loop3A_253 = tpu.vector_load %arg14[%parallel_loop3A_251, %parallel_loop3A_252] {strides = array<i32>} : memref<80x128xf32, #tpu.memory_space<vmem>>, vector<16xf32>,
            tpu.vector_store %arg14[%parallel_loop3A_251, %parallel_loop3A_252], %parallel_loop3A_250 {strides = array<i32>} : memref<80x128xf32, #tpu.memory_space<vmem>>, vector<16xf32>,
            %parallel_loop3A_254 = arith.index_cast %parallel_loop3A_213 : i32 to index
            %parallel_loop3A_255 = arith.constant 32 : index
            %parallel_loop3A_256 = tpu.vector_load %arg10[%parallel_loop3A_254, %parallel_loop3A_255] {strides = array<i32>} : memref<80x64xf32, #tpu.memory_space<vmem>>, vector<16xf32>,
            %parallel_loop3A_257 = vector.bitcast %parallel_loop3A_256 : vector<16xf32> to vector<32xbf16>
            %parallel_loop3A_258 = arith.index_cast %parallel_loop3A_213 : i32 to index
            %parallel_loop3A_259 = arith.constant 32 : index
            %parallel_loop3A_260 = tpu.vector_load %arg11[%parallel_loop3A_258, %parallel_loop3A_259] {strides = array<i32>} : memref<80x64xf32, #tpu.memory_space<vmem>>, vector<16xf32>,
            %parallel_loop3A_261 = vector.bitcast %parallel_loop3A_260 : vector<16xf32> to vector<32xbf16>
            %parallel_loop3A_262 = tpu.unpack_subelements %parallel_loop3A_257, 0 {pack_format = #tpu.pack_format<interleaved>} : vector<32xbf16> -> vector<16xf32>
            %parallel_loop3A_263 = tpu.unpack_subelements %parallel_loop3A_257, 1 {pack_format = #tpu.pack_format<interleaved>} : vector<32xbf16> -> vector<16xf32>
            %parallel_loop3A_264 = tpu.unpack_subelements %parallel_loop3A_261, 0 {pack_format = #tpu.pack_format<interleaved>} : vector<32xbf16> -> vector<16xf32>
            %parallel_loop3A_265 = tpu.unpack_subelements %parallel_loop3A_261, 1 {pack_format = #tpu.pack_format<interleaved>} : vector<32xbf16> -> vector<16xf32>
            %parallel_loop3A_266 = arith.mulf %parallel_loop3A_262, %parallel_loop3A_264 : vector<16xf32>
            %parallel_loop3A_267 = arith.index_cast %parallel_loop3A_213 : i32 to index
            %parallel_loop3A_268 = arith.constant 64 : index
            %parallel_loop3A_269 = tpu.vector_load %arg14[%parallel_loop3A_267, %parallel_loop3A_268] {strides = array<i32>} : memref<80x128xf32, #tpu.memory_space<vmem>>, vector<16xf32>,
            tpu.vector_store %arg14[%parallel_loop3A_267, %parallel_loop3A_268], %parallel_loop3A_266 {strides = array<i32>} : memref<80x128xf32, #tpu.memory_space<vmem>>, vector<16xf32>,
            %parallel_loop3A_270 = arith.mulf %parallel_loop3A_263, %parallel_loop3A_265 : vector<16xf32>
            %parallel_loop3A_271 = arith.index_cast %parallel_loop3A_213 : i32 to index
            %parallel_loop3A_272 = arith.constant 80 : index
            %parallel_loop3A_273 = tpu.vector_load %arg14[%parallel_loop3A_271, %parallel_loop3A_272] {strides = array<i32>} : memref<80x128xf32, #tpu.memory_space<vmem>>, vector<16xf32>,
            tpu.vector_store %arg14[%parallel_loop3A_271, %parallel_loop3A_272], %parallel_loop3A_270 {strides = array<i32>} : memref<80x128xf32, #tpu.memory_space<vmem>>, vector<16xf32>,
            %parallel_loop3A_274 = arith.index_cast %parallel_loop3A_213 : i32 to index
            %parallel_loop3A_275 = arith.constant 48 : index
            %parallel_loop3A_276 = tpu.vector_load %arg10[%parallel_loop3A_274, %parallel_loop3A_275] {strides = array<i32>} : memref<80x64xf32, #tpu.memory_space<vmem>>, vector<16xf32>,
            %parallel_loop3A_277 = vector.bitcast %parallel_loop3A_276 : vector<16xf32> to vector<32xbf16>
            %parallel_loop3A_278 = arith.index_cast %parallel_loop3A_213 : i32 to index
            %parallel_loop3A_279 = arith.constant 48 : index
            %parallel_loop3A_280 = tpu.vector_load %arg11[%parallel_loop3A_278, %parallel_loop3A_279] {strides = array<i32>} : memref<80x64xf32, #tpu.memory_space<vmem>>, vector<16xf32>,
            %parallel_loop3A_281 = vector.bitcast %parallel_loop3A_280 : vector<16xf32> to vector<32xbf16>
            %parallel_loop3A_282 = tpu.unpack_subelements %parallel_loop3A_277, 0 {pack_format = #tpu.pack_format<interleaved>} : vector<32xbf16> -> vector<16xf32>
            %parallel_loop3A_283 = tpu.unpack_subelements %parallel_loop3A_277, 1 {pack_format = #tpu.pack_format<interleaved>} : vector<32xbf16> -> vector<16xf32>
            %parallel_loop3A_284 = tpu.unpack_subelements %parallel_loop3A_281, 0 {pack_format = #tpu.pack_format<interleaved>} : vector<32xbf16> -> vector<16xf32>
            %parallel_loop3A_285 = tpu.unpack_subelements %parallel_loop3A_281, 1 {pack_format = #tpu.pack_format<interleaved>} : vector<32xbf16> -> vector<16xf32>
            %parallel_loop3A_286 = arith.mulf %parallel_loop3A_282, %parallel_loop3A_284 : vector<16xf32>
            %parallel_loop3A_287 = arith.index_cast %parallel_loop3A_213 : i32 to index
            %parallel_loop3A_288 = arith.constant 96 : index
            %parallel_loop3A_289 = tpu.vector_load %arg14[%parallel_loop3A_287, %parallel_loop3A_288] {strides = array<i32>} : memref<80x128xf32, #tpu.memory_space<vmem>>, vector<16xf32>,
            tpu.vector_store %arg14[%parallel_loop3A_287, %parallel_loop3A_288], %parallel_loop3A_286 {strides = array<i32>} : memref<80x128xf32, #tpu.memory_space<vmem>>, vector<16xf32>,
            %parallel_loop3A_290 = arith.mulf %parallel_loop3A_283, %parallel_loop3A_285 : vector<16xf32>
            %parallel_loop3A_291 = arith.index_cast %parallel_loop3A_213 : i32 to index
            %parallel_loop3A_292 = arith.constant 112 : index
            %parallel_loop3A_293 = tpu.vector_load %arg14[%parallel_loop3A_291, %parallel_loop3A_292] {strides = array<i32>} : memref<80x128xf32, #tpu.memory_space<vmem>>, vector<16xf32>,
            tpu.vector_store %arg14[%parallel_loop3A_291, %parallel_loop3A_292], %parallel_loop3A_290 {strides = array<i32>} : memref<80x128xf32, #tpu.memory_space<vmem>>, vector<16xf32>,
          } {sc.loop_unroll_factor = 2 : i64, sc.parallel_access}
          %dma_start3A_149 = arith.constant 0 : i32
          %dma_start3A_150 = tpu.memref_slice %arg9[%mul3A_125, %dma_start3A_149] : memref<25x80xi32, #tpu.memory_space<vmem>> -> memref<1x80xi32, #tpu.memory_space<vmem>>
          %dma_start3A_151 = tpu.memref_squeeze %dma_start3A_150 : memref<1x80xi32, #tpu.memory_space<vmem>> -> memref<80xi32, #tpu.memory_space<vmem>>
          %dma_start3A_152 = arith.constant 0 : i32
          %dma_start3A_153 = arith.constant 0 : i32
          %dma_start3A_154 = tpu.memref_slice %arg16[%dma_start3A_152, %dma_start3A_153] : memref<10000x128xf32, #tpu.memory_space<vmem_shared>> -> memref<10000x128xf32, #tpu.memory_space<vmem_shared>>
          tpu.enqueue_indirect_dma source(%arg14 : memref<80x128xf32, #tpu.memory_space<vmem>>) target(%dma_start3A_154 : memref<10000x128xf32, #tpu.memory_space<vmem_shared>>) offsets(%dma_start3A_151 : memref<80xi32, #tpu.memory_space<vmem>>) semaphore(%arg19 : memref<!tpu.dma_semaphore, #tpu.memory_space<semaphore_mem>>) {add = true}
          %add3A_155 = arith.constant 2 : i32
          %add3A_156 = arith.addi %mul3A_125, %add3A_155 : i32
          %dma_start3A_157 = arith.constant 0 : i32
          %dma_start3A_158 = tpu.memref_slice %arg8[%add3A_156, %dma_start3A_157] : memref<25x80xi32, #tpu.memory_space<vmem>> -> memref<1x80xi32, #tpu.memory_space<vmem>>
          %dma_start3A_159 = tpu.memref_squeeze %dma_start3A_158 : memref<1x80xi32, #tpu.memory_space<vmem>> -> memref<80xi32, #tpu.memory_space<vmem>>
          %dma_start3A_160 = arith.constant 0 : i32
          %dma_start3A_161 = arith.constant 0 : i32
          %dma_start3A_162 = tpu.memref_slice %arg2[%dma_start3A_160, %dma_start3A_161] : memref<40000x64xf32, #tpu.memory_space<hbm>> -> memref<40000x64xf32, #tpu.memory_space<hbm>>
          tpu.enqueue_indirect_dma source(%dma_start3A_162 : memref<40000x64xf32, #tpu.memory_space<hbm>>) target(%arg10 : memref<80x64xf32, #tpu.memory_space<vmem>>) offsets(%dma_start3A_159 : memref<80xi32, #tpu.memory_space<vmem>>) semaphore(%arg17 : memref<!tpu.dma_semaphore, #tpu.memory_space<semaphore_mem>>)
          %mul3A_163 = arith.constant 160000 : i32
          %mul3A_164 = arith.muli %add3A, %mul3A_163 : i32
          %add3A_165 = arith.addi %mul3A_164, %mul3A_34 : i32
          %mul3A_166 = arith.constant 80 : i32
          %mul3A_167 = arith.muli %add3A_156, %mul3A_166 : i32
          %add3A_168 = arith.addi %add3A_165, %mul3A_167 : i32
          %dma_start3A_169 = arith.constant 0 : i32
          %dma_start3A_170 = tpu.memref_slice %arg3[%add3A_168, %dma_start3A_169] : memref<640000x64xf32, #tpu.memory_space<hbm>> -> memref<80x64xf32, #tpu.memory_space<hbm>>
          %dma_start3A_171 = arith.constant 0 : i32
          %dma_start3A_172 = tpu.memref_slice %arg3[%add3A_168, %dma_start3A_171] : memref<640000x64xf32, #tpu.memory_space<hbm>> -> memref<80x64xf32, #tpu.memory_space<hbm>>
          tpu.enqueue_dma source(%dma_start3A_172 : memref<80x64xf32, #tpu.memory_space<hbm>>) target(%arg11 : memref<80x64xf32, #tpu.memory_space<vmem>>) target_semaphore(%arg17 : memref<!tpu.dma_semaphore, #tpu.memory_space<semaphore_mem>>)
          %add3A_173 = arith.constant 1 : i32
          %add3A_174 = arith.addi %mul3A_125, %add3A_173 : i32
          %dma_wait3A_175 = arith.constant 0 : i32
          %dma_wait3A_176 = tpu.memref_slice %arg8[%add3A_174, %dma_wait3A_175] : memref<25x80xi32, #tpu.memory_space<vmem>> -> memref<1x80xi32, #tpu.memory_space<vmem>>
          %dma_wait3A_177 = tpu.memref_squeeze %dma_wait3A_176 : memref<1x80xi32, #tpu.memory_space<vmem>> -> memref<80xi32, #tpu.memory_space<vmem>>
          %dma_wait3A_178 = arith.constant 0 : i32
          %dma_wait3A_179 = arith.constant 0 : i32
          %dma_wait3A_180 = tpu.memref_slice %arg2[%dma_wait3A_178, %dma_wait3A_179] : memref<40000x64xf32, #tpu.memory_space<hbm>> -> memref<40000x64xf32, #tpu.memory_space<hbm>>
          tpu.wait_indirect_dma semaphore(%arg18 : memref<!tpu.dma_semaphore, #tpu.memory_space<semaphore_mem>>) src(%dma_wait3A_180 : memref<40000x64xf32, #tpu.memory_space<hbm>>) dst(%arg12 : memref<80x64xf32, #tpu.memory_space<vmem>>)
          %mul3A_181 = arith.constant 160000 : i32
          %mul3A_182 = arith.muli %add3A, %mul3A_181 : i32
          %add3A_183 = arith.addi %mul3A_182, %mul3A_34 : i32
          %mul3A_184 = arith.constant 80 : i32
          %mul3A_185 = arith.muli %add3A_174, %mul3A_184 : i32
          %add3A_186 = arith.addi %add3A_183, %mul3A_185 : i32
          %dma_wait3A_187 = arith.constant 0 : i32
          %dma_wait3A_188 = tpu.memref_slice %arg3[%add3A_186, %dma_wait3A_187] : memref<640000x64xf32, #tpu.memory_space<hbm>> -> memref<80x64xf32, #tpu.memory_space<hbm>>
          %dma_wait3A_189 = arith.constant 0 : i32
          %dma_wait3A_190 = tpu.memref_slice %arg3[%add3A_186, %dma_wait3A_189] : memref<640000x64xf32, #tpu.memory_space<hbm>> -> memref<80x64xf32, #tpu.memory_space<hbm>>
          tpu.wait_dma2 semaphore(%arg18 : memref<!tpu.dma_semaphore, #tpu.memory_space<semaphore_mem>>) src(%dma_wait3A_190 : memref<80x64xf32, #tpu.memory_space<hbm>>) dst(%arg13 : memref<80x64xf32, #tpu.memory_space<vmem>>)
          %gt3A_191 = arith.constant 0 : i32
          %gt3A_192 = arith.cmpi sgt, %scan3A_122, %gt3A_191 : i32
          %convert_element_type3A_193 = arith.extui %gt3A_192 : i1 to i32
          %cond3A_194 = arith.constant 0 : i32
          %cond3A_195 = arith.cmpi ne, %convert_element_type3A_193, %cond3A_194 : i32
          scf.if %cond3A_195 {
            %sub3A = arith.constant 1 : i32
            %sub3A_213 = arith.subi %mul3A_125, %sub3A : i32
            %dma_wait3A_214 = arith.constant 0 : i32
            %dma_wait3A_215 = tpu.memref_slice %arg9[%sub3A_213, %dma_wait3A_214] : memref<25x80xi32, #tpu.memory_space<vmem>> -> memref<1x80xi32, #tpu.memory_space<vmem>>
            %dma_wait3A_216 = tpu.memref_squeeze %dma_wait3A_215 : memref<1x80xi32, #tpu.memory_space<vmem>> -> memref<80xi32, #tpu.memory_space<vmem>>
            %dma_wait3A_217 = arith.constant 0 : i32
            %dma_wait3A_218 = arith.constant 0 : i32
            %dma_wait3A_219 = tpu.memref_slice %arg16[%dma_wait3A_217, %dma_wait3A_218] : memref<10000x128xf32, #tpu.memory_space<vmem_shared>> -> memref<10000x128xf32, #tpu.memory_space<vmem_shared>>
            tpu.wait_indirect_dma semaphore(%arg20 : memref<!tpu.dma_semaphore, #tpu.memory_space<semaphore_mem>>) src(%arg15 : memref<80x128xf32, #tpu.memory_space<vmem>>) dst(%dma_wait3A_219 : memref<10000x128xf32, #tpu.memory_space<vmem_shared>>)
          } else {
          }
          %parallel_loop3A_196 = arith.constant 0 : i32
          %parallel_loop3A_197 = arith.constant 80 : i32
          %parallel_loop3A_198 = arith.constant 1 : i32
          scf.for %parallel_loop3A_213 = %parallel_loop3A_196 to %parallel_loop3A_197 step %parallel_loop3A_198  : i32 {
            %parallel_loop3A_214 = arith.index_cast %parallel_loop3A_213 : i32 to index
            %parallel_loop3A_215 = arith.constant 0 : index
            %parallel_loop3A_216 = tpu.vector_load %arg12[%parallel_loop3A_214, %parallel_loop3A_215] {strides = array<i32>} : memref<80x64xf32, #tpu.memory_space<vmem>>, vector<16xf32>,
            %parallel_loop3A_217 = vector.bitcast %parallel_loop3A_216 : vector<16xf32> to vector<32xbf16>
            %parallel_loop3A_218 = arith.index_cast %parallel_loop3A_213 : i32 to index
            %parallel_loop3A_219 = arith.constant 0 : index
            %parallel_loop3A_220 = tpu.vector_load %arg13[%parallel_loop3A_218, %parallel_loop3A_219] {strides = array<i32>} : memref<80x64xf32, #tpu.memory_space<vmem>>, vector<16xf32>,
            %parallel_loop3A_221 = vector.bitcast %parallel_loop3A_220 : vector<16xf32> to vector<32xbf16>
            %parallel_loop3A_222 = tpu.unpack_subelements %parallel_loop3A_217, 0 {pack_format = #tpu.pack_format<interleaved>} : vector<32xbf16> -> vector<16xf32>
            %parallel_loop3A_223 = tpu.unpack_subelements %parallel_loop3A_217, 1 {pack_format = #tpu.pack_format<interleaved>} : vector<32xbf16> -> vector<16xf32>
            %parallel_loop3A_224 = tpu.unpack_subelements %parallel_loop3A_221, 0 {pack_format = #tpu.pack_format<interleaved>} : vector<32xbf16> -> vector<16xf32>
            %parallel_loop3A_225 = tpu.unpack_subelements %parallel_loop3A_221, 1 {pack_format = #tpu.pack_format<interleaved>} : vector<32xbf16> -> vector<16xf32>
            %parallel_loop3A_226 = arith.mulf %parallel_loop3A_222, %parallel_loop3A_224 : vector<16xf32>
            %parallel_loop3A_227 = arith.index_cast %parallel_loop3A_213 : i32 to index
            %parallel_loop3A_228 = arith.constant 0 : index
            %parallel_loop3A_229 = tpu.vector_load %arg15[%parallel_loop3A_227, %parallel_loop3A_228] {strides = array<i32>} : memref<80x128xf32, #tpu.memory_space<vmem>>, vector<16xf32>,
            tpu.vector_store %arg15[%parallel_loop3A_227, %parallel_loop3A_228], %parallel_loop3A_226 {strides = array<i32>} : memref<80x128xf32, #tpu.memory_space<vmem>>, vector<16xf32>,
            %parallel_loop3A_230 = arith.mulf %parallel_loop3A_223, %parallel_loop3A_225 : vector<16xf32>
            %parallel_loop3A_231 = arith.index_cast %parallel_loop3A_213 : i32 to index
            %parallel_loop3A_232 = arith.constant 16 : index
            %parallel_loop3A_233 = tpu.vector_load %arg15[%parallel_loop3A_231, %parallel_loop3A_232] {strides = array<i32>} : memref<80x128xf32, #tpu.memory_space<vmem>>, vector<16xf32>,
            tpu.vector_store %arg15[%parallel_loop3A_231, %parallel_loop3A_232], %parallel_loop3A_230 {strides = array<i32>} : memref<80x128xf32, #tpu.memory_space<vmem>>, vector<16xf32>,
            %parallel_loop3A_234 = arith.index_cast %parallel_loop3A_213 : i32 to index
            %parallel_loop3A_235 = arith.constant 16 : index
            %parallel_loop3A_236 = tpu.vector_load %arg12[%parallel_loop3A_234, %parallel_loop3A_235] {strides = array<i32>} : memref<80x64xf32, #tpu.memory_space<vmem>>, vector<16xf32>,
            %parallel_loop3A_237 = vector.bitcast %parallel_loop3A_236 : vector<16xf32> to vector<32xbf16>
            %parallel_loop3A_238 = arith.index_cast %parallel_loop3A_213 : i32 to index
            %parallel_loop3A_239 = arith.constant 16 : index
            %parallel_loop3A_240 = tpu.vector_load %arg13[%parallel_loop3A_238, %parallel_loop3A_239] {strides = array<i32>} : memref<80x64xf32, #tpu.memory_space<vmem>>, vector<16xf32>,
            %parallel_loop3A_241 = vector.bitcast %parallel_loop3A_240 : vector<16xf32> to vector<32xbf16>
            %parallel_loop3A_242 = tpu.unpack_subelements %parallel_loop3A_237, 0 {pack_format = #tpu.pack_format<interleaved>} : vector<32xbf16> -> vector<16xf32>
            %parallel_loop3A_243 = tpu.unpack_subelements %parallel_loop3A_237, 1 {pack_format = #tpu.pack_format<interleaved>} : vector<32xbf16> -> vector<16xf32>
            %parallel_loop3A_244 = tpu.unpack_subelements %parallel_loop3A_241, 0 {pack_format = #tpu.pack_format<interleaved>} : vector<32xbf16> -> vector<16xf32>
            %parallel_loop3A_245 = tpu.unpack_subelements %parallel_loop3A_241, 1 {pack_format = #tpu.pack_format<interleaved>} : vector<32xbf16> -> vector<16xf32>
            %parallel_loop3A_246 = arith.mulf %parallel_loop3A_242, %parallel_loop3A_244 : vector<16xf32>
            %parallel_loop3A_247 = arith.index_cast %parallel_loop3A_213 : i32 to index
            %parallel_loop3A_248 = arith.constant 32 : index
            %parallel_loop3A_249 = tpu.vector_load %arg15[%parallel_loop3A_247, %parallel_loop3A_248] {strides = array<i32>} : memref<80x128xf32, #tpu.memory_space<vmem>>, vector<16xf32>,
            tpu.vector_store %arg15[%parallel_loop3A_247, %parallel_loop3A_248], %parallel_loop3A_246 {strides = array<i32>} : memref<80x128xf32, #tpu.memory_space<vmem>>, vector<16xf32>,
            %parallel_loop3A_250 = arith.mulf %parallel_loop3A_243, %parallel_loop3A_245 : vector<16xf32>
            %parallel_loop3A_251 = arith.index_cast %parallel_loop3A_213 : i32 to index
            %parallel_loop3A_252 = arith.constant 48 : index
            %parallel_loop3A_253 = tpu.vector_load %arg15[%parallel_loop3A_251, %parallel_loop3A_252] {strides = array<i32>} : memref<80x128xf32, #tpu.memory_space<vmem>>, vector<16xf32>,
            tpu.vector_store %arg15[%parallel_loop3A_251, %parallel_loop3A_252], %parallel_loop3A_250 {strides = array<i32>} : memref<80x128xf32, #tpu.memory_space<vmem>>, vector<16xf32>,
            %parallel_loop3A_254 = arith.index_cast %parallel_loop3A_213 : i32 to index
            %parallel_loop3A_255 = arith.constant 32 : index
            %parallel_loop3A_256 = tpu.vector_load %arg12[%parallel_loop3A_254, %parallel_loop3A_255] {strides = array<i32>} : memref<80x64xf32, #tpu.memory_space<vmem>>, vector<16xf32>,
            %parallel_loop3A_257 = vector.bitcast %parallel_loop3A_256 : vector<16xf32> to vector<32xbf16>
            %parallel_loop3A_258 = arith.index_cast %parallel_loop3A_213 : i32 to index
            %parallel_loop3A_259 = arith.constant 32 : index
            %parallel_loop3A_260 = tpu.vector_load %arg13[%parallel_loop3A_258, %parallel_loop3A_259] {strides = array<i32>} : memref<80x64xf32, #tpu.memory_space<vmem>>, vector<16xf32>,
            %parallel_loop3A_261 = vector.bitcast %parallel_loop3A_260 : vector<16xf32> to vector<32xbf16>
            %parallel_loop3A_262 = tpu.unpack_subelements %parallel_loop3A_257, 0 {pack_format = #tpu.pack_format<interleaved>} : vector<32xbf16> -> vector<16xf32>
            %parallel_loop3A_263 = tpu.unpack_subelements %parallel_loop3A_257, 1 {pack_format = #tpu.pack_format<interleaved>} : vector<32xbf16> -> vector<16xf32>
            %parallel_loop3A_264 = tpu.unpack_subelements %parallel_loop3A_261, 0 {pack_format = #tpu.pack_format<interleaved>} : vector<32xbf16> -> vector<16xf32>
            %parallel_loop3A_265 = tpu.unpack_subelements %parallel_loop3A_261, 1 {pack_format = #tpu.pack_format<interleaved>} : vector<32xbf16> -> vector<16xf32>
            %parallel_loop3A_266 = arith.mulf %parallel_loop3A_262, %parallel_loop3A_264 : vector<16xf32>
            %parallel_loop3A_267 = arith.index_cast %parallel_loop3A_213 : i32 to index
            %parallel_loop3A_268 = arith.constant 64 : index
            %parallel_loop3A_269 = tpu.vector_load %arg15[%parallel_loop3A_267, %parallel_loop3A_268] {strides = array<i32>} : memref<80x128xf32, #tpu.memory_space<vmem>>, vector<16xf32>,
            tpu.vector_store %arg15[%parallel_loop3A_267, %parallel_loop3A_268], %parallel_loop3A_266 {strides = array<i32>} : memref<80x128xf32, #tpu.memory_space<vmem>>, vector<16xf32>,
            %parallel_loop3A_270 = arith.mulf %parallel_loop3A_263, %parallel_loop3A_265 : vector<16xf32>
            %parallel_loop3A_271 = arith.index_cast %parallel_loop3A_213 : i32 to index
            %parallel_loop3A_272 = arith.constant 80 : index
            %parallel_loop3A_273 = tpu.vector_load %arg15[%parallel_loop3A_271, %parallel_loop3A_272] {strides = array<i32>} : memref<80x128xf32, #tpu.memory_space<vmem>>, vector<16xf32>,
            tpu.vector_store %arg15[%parallel_loop3A_271, %parallel_loop3A_272], %parallel_loop3A_270 {strides = array<i32>} : memref<80x128xf32, #tpu.memory_space<vmem>>, vector<16xf32>,
            %parallel_loop3A_274 = arith.index_cast %parallel_loop3A_213 : i32 to index
            %parallel_loop3A_275 = arith.constant 48 : index
            %parallel_loop3A_276 = tpu.vector_load %arg12[%parallel_loop3A_274, %parallel_loop3A_275] {strides = array<i32>} : memref<80x64xf32, #tpu.memory_space<vmem>>, vector<16xf32>,
            %parallel_loop3A_277 = vector.bitcast %parallel_loop3A_276 : vector<16xf32> to vector<32xbf16>
            %parallel_loop3A_278 = arith.index_cast %parallel_loop3A_213 : i32 to index
            %parallel_loop3A_279 = arith.constant 48 : index
            %parallel_loop3A_280 = tpu.vector_load %arg13[%parallel_loop3A_278, %parallel_loop3A_279] {strides = array<i32>} : memref<80x64xf32, #tpu.memory_space<vmem>>, vector<16xf32>,
            %parallel_loop3A_281 = vector.bitcast %parallel_loop3A_280 : vector<16xf32> to vector<32xbf16>
            %parallel_loop3A_282 = tpu.unpack_subelements %parallel_loop3A_277, 0 {pack_format = #tpu.pack_format<interleaved>} : vector<32xbf16> -> vector<16xf32>
            %parallel_loop3A_283 = tpu.unpack_subelements %parallel_loop3A_277, 1 {pack_format = #tpu.pack_format<interleaved>} : vector<32xbf16> -> vector<16xf32>
            %parallel_loop3A_284 = tpu.unpack_subelements %parallel_loop3A_281, 0 {pack_format = #tpu.pack_format<interleaved>} : vector<32xbf16> -> vector<16xf32>
            %parallel_loop3A_285 = tpu.unpack_subelements %parallel_loop3A_281, 1 {pack_format = #tpu.pack_format<interleaved>} : vector<32xbf16> -> vector<16xf32>
            %parallel_loop3A_286 = arith.mulf %parallel_loop3A_282, %parallel_loop3A_284 : vector<16xf32>
            %parallel_loop3A_287 = arith.index_cast %parallel_loop3A_213 : i32 to index
            %parallel_loop3A_288 = arith.constant 96 : index
            %parallel_loop3A_289 = tpu.vector_load %arg15[%parallel_loop3A_287, %parallel_loop3A_288] {strides = array<i32>} : memref<80x128xf32, #tpu.memory_space<vmem>>, vector<16xf32>,
            tpu.vector_store %arg15[%parallel_loop3A_287, %parallel_loop3A_288], %parallel_loop3A_286 {strides = array<i32>} : memref<80x128xf32, #tpu.memory_space<vmem>>, vector<16xf32>,
            %parallel_loop3A_290 = arith.mulf %parallel_loop3A_283, %parallel_loop3A_285 : vector<16xf32>
            %parallel_loop3A_291 = arith.index_cast %parallel_loop3A_213 : i32 to index
            %parallel_loop3A_292 = arith.constant 112 : index
            %parallel_loop3A_293 = tpu.vector_load %arg15[%parallel_loop3A_291, %parallel_loop3A_292] {strides = array<i32>} : memref<80x128xf32, #tpu.memory_space<vmem>>, vector<16xf32>,
            tpu.vector_store %arg15[%parallel_loop3A_291, %parallel_loop3A_292], %parallel_loop3A_290 {strides = array<i32>} : memref<80x128xf32, #tpu.memory_space<vmem>>, vector<16xf32>,
          } {sc.loop_unroll_factor = 2 : i64, sc.parallel_access}
          %add3A_199 = arith.constant 1 : i32
          %add3A_200 = arith.addi %mul3A_125, %add3A_199 : i32
          %dma_start3A_201 = arith.constant 0 : i32
          %dma_start3A_202 = tpu.memref_slice %arg9[%add3A_200, %dma_start3A_201] : memref<25x80xi32, #tpu.memory_space<vmem>> -> memref<1x80xi32, #tpu.memory_space<vmem>>
          %dma_start3A_203 = tpu.memref_squeeze %dma_start3A_202 : memref<1x80xi32, #tpu.memory_space<vmem>> -> memref<80xi32, #tpu.memory_space<vmem>>
          %dma_start3A_204 = arith.constant 0 : i32
          %dma_start3A_205 = arith.constant 0 : i32
          %dma_start3A_206 = tpu.memref_slice %arg16[%dma_start3A_204, %dma_start3A_205] : memref<10000x128xf32, #tpu.memory_space<vmem_shared>> -> memref<10000x128xf32, #tpu.memory_space<vmem_shared>>
          tpu.enqueue_indirect_dma source(%arg15 : memref<80x128xf32, #tpu.memory_space<vmem>>) target(%dma_start3A_206 : memref<10000x128xf32, #tpu.memory_space<vmem_shared>>) offsets(%dma_start3A_203 : memref<80xi32, #tpu.memory_space<vmem>>) semaphore(%arg20 : memref<!tpu.dma_semaphore, #tpu.memory_space<semaphore_mem>>) {add = true}
          %lt3A_207 = arith.constant 11 : i32
          %lt3A_208 = arith.cmpi slt, %scan3A_122, %lt3A_207 : i32
          %convert_element_type3A_209 = arith.extui %lt3A_208 : i1 to i32
          %cond3A_210 = arith.constant 0 : i32
          %cond3A_211 = arith.cmpi ne, %convert_element_type3A_209, %cond3A_210 : i32
          scf.if %cond3A_211 {
            %add3A_213 = arith.constant 3 : i32
            %add3A_214 = arith.addi %mul3A_125, %add3A_213 : i32
            %dma_start3A_215 = arith.constant 0 : i32
            %dma_start3A_216 = tpu.memref_slice %arg8[%add3A_214, %dma_start3A_215] : memref<25x80xi32, #tpu.memory_space<vmem>> -> memref<1x80xi32, #tpu.memory_space<vmem>>
            %dma_start3A_217 = tpu.memref_squeeze %dma_start3A_216 : memref<1x80xi32, #tpu.memory_space<vmem>> -> memref<80xi32, #tpu.memory_space<vmem>>
            %dma_start3A_218 = arith.constant 0 : i32
            %dma_start3A_219 = arith.constant 0 : i32
            %dma_start3A_220 = tpu.memref_slice %arg2[%dma_start3A_218, %dma_start3A_219] : memref<40000x64xf32, #tpu.memory_space<hbm>> -> memref<40000x64xf32, #tpu.memory_space<hbm>>
            tpu.enqueue_indirect_dma source(%dma_start3A_220 : memref<40000x64xf32, #tpu.memory_space<hbm>>) target(%arg12 : memref<80x64xf32, #tpu.memory_space<vmem>>) offsets(%dma_start3A_217 : memref<80xi32, #tpu.memory_space<vmem>>) semaphore(%arg18 : memref<!tpu.dma_semaphore, #tpu.memory_space<semaphore_mem>>)
            %mul3A_221 = arith.constant 160000 : i32
            %mul3A_222 = arith.muli %add3A, %mul3A_221 : i32
            %add3A_223 = arith.addi %mul3A_222, %mul3A_34 : i32
            %mul3A_224 = arith.constant 80 : i32
            %mul3A_225 = arith.muli %add3A_214, %mul3A_224 : i32
            %add3A_226 = arith.addi %add3A_223, %mul3A_225 : i32
            %dma_start3A_227 = arith.constant 0 : i32
            %dma_start3A_228 = tpu.memref_slice %arg3[%add3A_226, %dma_start3A_227] : memref<640000x64xf32, #tpu.memory_space<hbm>> -> memref<80x64xf32, #tpu.memory_space<hbm>>
            %dma_start3A_229 = arith.constant 0 : i32
            %dma_start3A_230 = tpu.memref_slice %arg3[%add3A_226, %dma_start3A_229] : memref<640000x64xf32, #tpu.memory_space<hbm>> -> memref<80x64xf32, #tpu.memory_space<hbm>>
            tpu.enqueue_dma source(%dma_start3A_230 : memref<80x64xf32, #tpu.memory_space<hbm>>) target(%arg13 : memref<80x64xf32, #tpu.memory_space<vmem>>) target_semaphore(%arg18 : memref<!tpu.dma_semaphore, #tpu.memory_space<semaphore_mem>>)
          } else {
          }
          %scan3A_212 = arith.constant 0 : i32
          scf.yield %scan3A_212 : i32
        }
        %scan3A_74 = arith.constant 12 : i32
        %dma_wait3A = arith.constant 24 : i32
        %dma_wait3A_75 = arith.constant 0 : i32
        %dma_wait3A_76 = tpu.memref_slice %arg8[%dma_wait3A, %dma_wait3A_75] : memref<25x80xi32, #tpu.memory_space<vmem>> -> memref<1x80xi32, #tpu.memory_space<vmem>>
        %dma_wait3A_77 = tpu.memref_squeeze %dma_wait3A_76 : memref<1x80xi32, #tpu.memory_space<vmem>> -> memref<80xi32, #tpu.memory_space<vmem>>
        %dma_wait3A_78 = arith.constant 0 : i32
        %dma_wait3A_79 = arith.constant 0 : i32
        %dma_wait3A_80 = tpu.memref_slice %arg2[%dma_wait3A_78, %dma_wait3A_79] : memref<40000x64xf32, #tpu.memory_space<hbm>> -> memref<40000x64xf32, #tpu.memory_space<hbm>>
        tpu.wait_indirect_dma semaphore(%arg17 : memref<!tpu.dma_semaphore, #tpu.memory_space<semaphore_mem>>) src(%dma_wait3A_80 : memref<40000x64xf32, #tpu.memory_space<hbm>>) dst(%arg10 : memref<80x64xf32, #tpu.memory_space<vmem>>)
        %mul3A_81 = arith.constant 160000 : i32
        %mul3A_82 = arith.muli %add3A, %mul3A_81 : i32
        %add3A_83 = arith.addi %mul3A_82, %mul3A_34 : i32
        %add3A_84 = arith.constant 1920 : i32
        %add3A_85 = arith.addi %add3A_83, %add3A_84 : i32
        %dma_wait3A_86 = arith.constant 0 : i32
        %dma_wait3A_87 = tpu.memref_slice %arg3[%add3A_85, %dma_wait3A_86] : memref<640000x64xf32, #tpu.memory_space<hbm>> -> memref<80x64xf32, #tpu.memory_space<hbm>>
        %dma_wait3A_88 = arith.constant 0 : i32
        %dma_wait3A_89 = tpu.memref_slice %arg3[%add3A_85, %dma_wait3A_88] : memref<640000x64xf32, #tpu.memory_space<hbm>> -> memref<80x64xf32, #tpu.memory_space<hbm>>
        tpu.wait_dma2 semaphore(%arg17 : memref<!tpu.dma_semaphore, #tpu.memory_space<semaphore_mem>>) src(%dma_wait3A_89 : memref<80x64xf32, #tpu.memory_space<hbm>>) dst(%arg11 : memref<80x64xf32, #tpu.memory_space<vmem>>)
        %dma_wait3A_90 = arith.constant 22 : i32
        %dma_wait3A_91 = arith.constant 0 : i32
        %dma_wait3A_92 = tpu.memref_slice %arg9[%dma_wait3A_90, %dma_wait3A_91] : memref<25x80xi32, #tpu.memory_space<vmem>> -> memref<1x80xi32, #tpu.memory_space<vmem>>
        %dma_wait3A_93 = tpu.memref_squeeze %dma_wait3A_92 : memref<1x80xi32, #tpu.memory_space<vmem>> -> memref<80xi32, #tpu.memory_space<vmem>>
        %dma_wait3A_94 = arith.constant 0 : i32
        %dma_wait3A_95 = arith.constant 0 : i32
        %dma_wait3A_96 = tpu.memref_slice %arg16[%dma_wait3A_94, %dma_wait3A_95] : memref<10000x128xf32, #tpu.memory_space<vmem_shared>> -> memref<10000x128xf32, #tpu.memory_space<vmem_shared>>
        tpu.wait_indirect_dma semaphore(%arg19 : memref<!tpu.dma_semaphore, #tpu.memory_space<semaphore_mem>>) src(%arg14 : memref<80x128xf32, #tpu.memory_space<vmem>>) dst(%dma_wait3A_96 : memref<10000x128xf32, #tpu.memory_space<vmem_shared>>)
        %parallel_loop3A_97 = arith.constant 0 : i32
        %parallel_loop3A_98 = arith.constant 80 : i32
        %parallel_loop3A_99 = arith.constant 1 : i32
        scf.for %parallel_loop3A_122 = %parallel_loop3A_97 to %parallel_loop3A_98 step %parallel_loop3A_99  : i32 {
          %parallel_loop3A_123 = arith.index_cast %parallel_loop3A_122 : i32 to index
          %parallel_loop3A_124 = arith.constant 0 : index
          %parallel_loop3A_125 = tpu.vector_load %arg10[%parallel_loop3A_123, %parallel_loop3A_124] {strides = array<i32>} : memref<80x64xf32, #tpu.memory_space<vmem>>, vector<16xf32>,
          %parallel_loop3A_126 = vector.bitcast %parallel_loop3A_125 : vector<16xf32> to vector<32xbf16>
          %parallel_loop3A_127 = arith.index_cast %parallel_loop3A_122 : i32 to index
          %parallel_loop3A_128 = arith.constant 0 : index
          %parallel_loop3A_129 = tpu.vector_load %arg11[%parallel_loop3A_127, %parallel_loop3A_128] {strides = array<i32>} : memref<80x64xf32, #tpu.memory_space<vmem>>, vector<16xf32>,
          %parallel_loop3A_130 = vector.bitcast %parallel_loop3A_129 : vector<16xf32> to vector<32xbf16>
          %parallel_loop3A_131 = tpu.unpack_subelements %parallel_loop3A_126, 0 {pack_format = #tpu.pack_format<interleaved>} : vector<32xbf16> -> vector<16xf32>
          %parallel_loop3A_132 = tpu.unpack_subelements %parallel_loop3A_126, 1 {pack_format = #tpu.pack_format<interleaved>} : vector<32xbf16> -> vector<16xf32>
          %parallel_loop3A_133 = tpu.unpack_subelements %parallel_loop3A_130, 0 {pack_format = #tpu.pack_format<interleaved>} : vector<32xbf16> -> vector<16xf32>
          %parallel_loop3A_134 = tpu.unpack_subelements %parallel_loop3A_130, 1 {pack_format = #tpu.pack_format<interleaved>} : vector<32xbf16> -> vector<16xf32>
          %parallel_loop3A_135 = arith.mulf %parallel_loop3A_131, %parallel_loop3A_133 : vector<16xf32>
          %parallel_loop3A_136 = arith.index_cast %parallel_loop3A_122 : i32 to index
          %parallel_loop3A_137 = arith.constant 0 : index
          %parallel_loop3A_138 = tpu.vector_load %arg14[%parallel_loop3A_136, %parallel_loop3A_137] {strides = array<i32>} : memref<80x128xf32, #tpu.memory_space<vmem>>, vector<16xf32>,
          tpu.vector_store %arg14[%parallel_loop3A_136, %parallel_loop3A_137], %parallel_loop3A_135 {strides = array<i32>} : memref<80x128xf32, #tpu.memory_space<vmem>>, vector<16xf32>,
          %parallel_loop3A_139 = arith.mulf %parallel_loop3A_132, %parallel_loop3A_134 : vector<16xf32>
          %parallel_loop3A_140 = arith.index_cast %parallel_loop3A_122 : i32 to index
          %parallel_loop3A_141 = arith.constant 16 : index
          %parallel_loop3A_142 = tpu.vector_load %arg14[%parallel_loop3A_140, %parallel_loop3A_141] {strides = array<i32>} : memref<80x128xf32, #tpu.memory_space<vmem>>, vector<16xf32>,
          tpu.vector_store %arg14[%parallel_loop3A_140, %parallel_loop3A_141], %parallel_loop3A_139 {strides = array<i32>} : memref<80x128xf32, #tpu.memory_space<vmem>>, vector<16xf32>,
          %parallel_loop3A_143 = arith.index_cast %parallel_loop3A_122 : i32 to index
          %parallel_loop3A_144 = arith.constant 16 : index
          %parallel_loop3A_145 = tpu.vector_load %arg10[%parallel_loop3A_143, %parallel_loop3A_144] {strides = array<i32>} : memref<80x64xf32, #tpu.memory_space<vmem>>, vector<16xf32>,
          %parallel_loop3A_146 = vector.bitcast %parallel_loop3A_145 : vector<16xf32> to vector<32xbf16>
          %parallel_loop3A_147 = arith.index_cast %parallel_loop3A_122 : i32 to index
          %parallel_loop3A_148 = arith.constant 16 : index
          %parallel_loop3A_149 = tpu.vector_load %arg11[%parallel_loop3A_147, %parallel_loop3A_148] {strides = array<i32>} : memref<80x64xf32, #tpu.memory_space<vmem>>, vector<16xf32>,
          %parallel_loop3A_150 = vector.bitcast %parallel_loop3A_149 : vector<16xf32> to vector<32xbf16>
          %parallel_loop3A_151 = tpu.unpack_subelements %parallel_loop3A_146, 0 {pack_format = #tpu.pack_format<interleaved>} : vector<32xbf16> -> vector<16xf32>
          %parallel_loop3A_152 = tpu.unpack_subelements %parallel_loop3A_146, 1 {pack_format = #tpu.pack_format<interleaved>} : vector<32xbf16> -> vector<16xf32>
          %parallel_loop3A_153 = tpu.unpack_subelements %parallel_loop3A_150, 0 {pack_format = #tpu.pack_format<interleaved>} : vector<32xbf16> -> vector<16xf32>
          %parallel_loop3A_154 = tpu.unpack_subelements %parallel_loop3A_150, 1 {pack_format = #tpu.pack_format<interleaved>} : vector<32xbf16> -> vector<16xf32>
          %parallel_loop3A_155 = arith.mulf %parallel_loop3A_151, %parallel_loop3A_153 : vector<16xf32>
          %parallel_loop3A_156 = arith.index_cast %parallel_loop3A_122 : i32 to index
          %parallel_loop3A_157 = arith.constant 32 : index
          %parallel_loop3A_158 = tpu.vector_load %arg14[%parallel_loop3A_156, %parallel_loop3A_157] {strides = array<i32>} : memref<80x128xf32, #tpu.memory_space<vmem>>, vector<16xf32>,
          tpu.vector_store %arg14[%parallel_loop3A_156, %parallel_loop3A_157], %parallel_loop3A_155 {strides = array<i32>} : memref<80x128xf32, #tpu.memory_space<vmem>>, vector<16xf32>,
          %parallel_loop3A_159 = arith.mulf %parallel_loop3A_152, %parallel_loop3A_154 : vector<16xf32>
          %parallel_loop3A_160 = arith.index_cast %parallel_loop3A_122 : i32 to index
          %parallel_loop3A_161 = arith.constant 48 : index
          %parallel_loop3A_162 = tpu.vector_load %arg14[%parallel_loop3A_160, %parallel_loop3A_161] {strides = array<i32>} : memref<80x128xf32, #tpu.memory_space<vmem>>, vector<16xf32>,
          tpu.vector_store %arg14[%parallel_loop3A_160, %parallel_loop3A_161], %parallel_loop3A_159 {strides = array<i32>} : memref<80x128xf32, #tpu.memory_space<vmem>>, vector<16xf32>,
          %parallel_loop3A_163 = arith.index_cast %parallel_loop3A_122 : i32 to index
          %parallel_loop3A_164 = arith.constant 32 : index
          %parallel_loop3A_165 = tpu.vector_load %arg10[%parallel_loop3A_163, %parallel_loop3A_164] {strides = array<i32>} : memref<80x64xf32, #tpu.memory_space<vmem>>, vector<16xf32>,
          %parallel_loop3A_166 = vector.bitcast %parallel_loop3A_165 : vector<16xf32> to vector<32xbf16>
          %parallel_loop3A_167 = arith.index_cast %parallel_loop3A_122 : i32 to index
          %parallel_loop3A_168 = arith.constant 32 : index
          %parallel_loop3A_169 = tpu.vector_load %arg11[%parallel_loop3A_167, %parallel_loop3A_168] {strides = array<i32>} : memref<80x64xf32, #tpu.memory_space<vmem>>, vector<16xf32>,
          %parallel_loop3A_170 = vector.bitcast %parallel_loop3A_169 : vector<16xf32> to vector<32xbf16>
          %parallel_loop3A_171 = tpu.unpack_subelements %parallel_loop3A_166, 0 {pack_format = #tpu.pack_format<interleaved>} : vector<32xbf16> -> vector<16xf32>
          %parallel_loop3A_172 = tpu.unpack_subelements %parallel_loop3A_166, 1 {pack_format = #tpu.pack_format<interleaved>} : vector<32xbf16> -> vector<16xf32>
          %parallel_loop3A_173 = tpu.unpack_subelements %parallel_loop3A_170, 0 {pack_format = #tpu.pack_format<interleaved>} : vector<32xbf16> -> vector<16xf32>
          %parallel_loop3A_174 = tpu.unpack_subelements %parallel_loop3A_170, 1 {pack_format = #tpu.pack_format<interleaved>} : vector<32xbf16> -> vector<16xf32>
          %parallel_loop3A_175 = arith.mulf %parallel_loop3A_171, %parallel_loop3A_173 : vector<16xf32>
          %parallel_loop3A_176 = arith.index_cast %parallel_loop3A_122 : i32 to index
          %parallel_loop3A_177 = arith.constant 64 : index
          %parallel_loop3A_178 = tpu.vector_load %arg14[%parallel_loop3A_176, %parallel_loop3A_177] {strides = array<i32>} : memref<80x128xf32, #tpu.memory_space<vmem>>, vector<16xf32>,
          tpu.vector_store %arg14[%parallel_loop3A_176, %parallel_loop3A_177], %parallel_loop3A_175 {strides = array<i32>} : memref<80x128xf32, #tpu.memory_space<vmem>>, vector<16xf32>,
          %parallel_loop3A_179 = arith.mulf %parallel_loop3A_172, %parallel_loop3A_174 : vector<16xf32>
          %parallel_loop3A_180 = arith.index_cast %parallel_loop3A_122 : i32 to index
          %parallel_loop3A_181 = arith.constant 80 : index
          %parallel_loop3A_182 = tpu.vector_load %arg14[%parallel_loop3A_180, %parallel_loop3A_181] {strides = array<i32>} : memref<80x128xf32, #tpu.memory_space<vmem>>, vector<16xf32>,
          tpu.vector_store %arg14[%parallel_loop3A_180, %parallel_loop3A_181], %parallel_loop3A_179 {strides = array<i32>} : memref<80x128xf32, #tpu.memory_space<vmem>>, vector<16xf32>,
          %parallel_loop3A_183 = arith.index_cast %parallel_loop3A_122 : i32 to index
          %parallel_loop3A_184 = arith.constant 48 : index
          %parallel_loop3A_185 = tpu.vector_load %arg10[%parallel_loop3A_183, %parallel_loop3A_184] {strides = array<i32>} : memref<80x64xf32, #tpu.memory_space<vmem>>, vector<16xf32>,
          %parallel_loop3A_186 = vector.bitcast %parallel_loop3A_185 : vector<16xf32> to vector<32xbf16>
          %parallel_loop3A_187 = arith.index_cast %parallel_loop3A_122 : i32 to index
          %parallel_loop3A_188 = arith.constant 48 : index
          %parallel_loop3A_189 = tpu.vector_load %arg11[%parallel_loop3A_187, %parallel_loop3A_188] {strides = array<i32>} : memref<80x64xf32, #tpu.memory_space<vmem>>, vector<16xf32>,
          %parallel_loop3A_190 = vector.bitcast %parallel_loop3A_189 : vector<16xf32> to vector<32xbf16>
          %parallel_loop3A_191 = tpu.unpack_subelements %parallel_loop3A_186, 0 {pack_format = #tpu.pack_format<interleaved>} : vector<32xbf16> -> vector<16xf32>
          %parallel_loop3A_192 = tpu.unpack_subelements %parallel_loop3A_186, 1 {pack_format = #tpu.pack_format<interleaved>} : vector<32xbf16> -> vector<16xf32>
          %parallel_loop3A_193 = tpu.unpack_subelements %parallel_loop3A_190, 0 {pack_format = #tpu.pack_format<interleaved>} : vector<32xbf16> -> vector<16xf32>
          %parallel_loop3A_194 = tpu.unpack_subelements %parallel_loop3A_190, 1 {pack_format = #tpu.pack_format<interleaved>} : vector<32xbf16> -> vector<16xf32>
          %parallel_loop3A_195 = arith.mulf %parallel_loop3A_191, %parallel_loop3A_193 : vector<16xf32>
          %parallel_loop3A_196 = arith.index_cast %parallel_loop3A_122 : i32 to index
          %parallel_loop3A_197 = arith.constant 96 : index
          %parallel_loop3A_198 = tpu.vector_load %arg14[%parallel_loop3A_196, %parallel_loop3A_197] {strides = array<i32>} : memref<80x128xf32, #tpu.memory_space<vmem>>, vector<16xf32>,
          tpu.vector_store %arg14[%parallel_loop3A_196, %parallel_loop3A_197], %parallel_loop3A_195 {strides = array<i32>} : memref<80x128xf32, #tpu.memory_space<vmem>>, vector<16xf32>,
          %parallel_loop3A_199 = arith.mulf %parallel_loop3A_192, %parallel_loop3A_194 : vector<16xf32>
          %parallel_loop3A_200 = arith.index_cast %parallel_loop3A_122 : i32 to index
          %parallel_loop3A_201 = arith.constant 112 : index
          %parallel_loop3A_202 = tpu.vector_load %arg14[%parallel_loop3A_200, %parallel_loop3A_201] {strides = array<i32>} : memref<80x128xf32, #tpu.memory_space<vmem>>, vector<16xf32>,
          tpu.vector_store %arg14[%parallel_loop3A_200, %parallel_loop3A_201], %parallel_loop3A_199 {strides = array<i32>} : memref<80x128xf32, #tpu.memory_space<vmem>>, vector<16xf32>,
        } {sc.loop_unroll_factor = 2 : i64, sc.parallel_access}
        %dma_start3A_100 = arith.constant 24 : i32
        %dma_start3A_101 = arith.constant 0 : i32
        %dma_start3A_102 = tpu.memref_slice %arg9[%dma_start3A_100, %dma_start3A_101] : memref<25x80xi32, #tpu.memory_space<vmem>> -> memref<1x80xi32, #tpu.memory_space<vmem>>
        %dma_start3A_103 = tpu.memref_squeeze %dma_start3A_102 : memref<1x80xi32, #tpu.memory_space<vmem>> -> memref<80xi32, #tpu.memory_space<vmem>>
        %dma_start3A_104 = arith.constant 0 : i32
        %dma_start3A_105 = arith.constant 0 : i32
        %dma_start3A_106 = tpu.memref_slice %arg16[%dma_start3A_104, %dma_start3A_105] : memref<10000x128xf32, #tpu.memory_space<vmem_shared>> -> memref<10000x128xf32, #tpu.memory_space<vmem_shared>>
        tpu.enqueue_indirect_dma source(%arg14 : memref<80x128xf32, #tpu.memory_space<vmem>>) target(%dma_start3A_106 : memref<10000x128xf32, #tpu.memory_space<vmem_shared>>) offsets(%dma_start3A_103 : memref<80xi32, #tpu.memory_space<vmem>>) semaphore(%arg19 : memref<!tpu.dma_semaphore, #tpu.memory_space<semaphore_mem>>) {add = true}
        %dma_wait3A_107 = arith.constant 23 : i32
        %dma_wait3A_108 = arith.constant 0 : i32
        %dma_wait3A_109 = tpu.memref_slice %arg9[%dma_wait3A_107, %dma_wait3A_108] : memref<25x80xi32, #tpu.memory_space<vmem>> -> memref<1x80xi32, #tpu.memory_space<vmem>>
        %dma_wait3A_110 = tpu.memref_squeeze %dma_wait3A_109 : memref<1x80xi32, #tpu.memory_space<vmem>> -> memref<80xi32, #tpu.memory_space<vmem>>
        %dma_wait3A_111 = arith.constant 0 : i32
        %dma_wait3A_112 = arith.constant 0 : i32
        %dma_wait3A_113 = tpu.memref_slice %arg16[%dma_wait3A_111, %dma_wait3A_112] : memref<10000x128xf32, #tpu.memory_space<vmem_shared>> -> memref<10000x128xf32, #tpu.memory_space<vmem_shared>>
        tpu.wait_indirect_dma semaphore(%arg20 : memref<!tpu.dma_semaphore, #tpu.memory_space<semaphore_mem>>) src(%arg15 : memref<80x128xf32, #tpu.memory_space<vmem>>) dst(%dma_wait3A_113 : memref<10000x128xf32, #tpu.memory_space<vmem_shared>>)
        %dma_wait3A_114 = arith.constant 24 : i32
        %dma_wait3A_115 = arith.constant 0 : i32
        %dma_wait3A_116 = tpu.memref_slice %arg9[%dma_wait3A_114, %dma_wait3A_115] : memref<25x80xi32, #tpu.memory_space<vmem>> -> memref<1x80xi32, #tpu.memory_space<vmem>>
        %dma_wait3A_117 = tpu.memref_squeeze %dma_wait3A_116 : memref<1x80xi32, #tpu.memory_space<vmem>> -> memref<80xi32, #tpu.memory_space<vmem>>
        %dma_wait3A_118 = arith.constant 0 : i32
        %dma_wait3A_119 = arith.constant 0 : i32
        %dma_wait3A_120 = tpu.memref_slice %arg16[%dma_wait3A_118, %dma_wait3A_119] : memref<10000x128xf32, #tpu.memory_space<vmem_shared>> -> memref<10000x128xf32, #tpu.memory_space<vmem_shared>>
        tpu.wait_indirect_dma semaphore(%arg19 : memref<!tpu.dma_semaphore, #tpu.memory_space<semaphore_mem>>) src(%arg14 : memref<80x128xf32, #tpu.memory_space<vmem>>) dst(%dma_wait3A_120 : memref<10000x128xf32, #tpu.memory_space<vmem_shared>>)
        %scan3A_121 = arith.constant 0 : i32
        scf.yield %scan3A_121 : i32
      }
      %scan3A_17 = arith.constant 5 : i32
      %barrier3A_18 = arith.constant 0 : index
      tpu.barrier barrier_id(%barrier3A_18)
      %lt3A_19 = arith.constant 5 : i32
      %lt3A_20 = arith.cmpi slt, %arg1, %lt3A_19 : i32
      %convert_element_type3A_21 = arith.extui %lt3A_20 : i1 to i32
      %cond3A_22 = arith.constant 0 : i32
      %cond3A_23 = arith.cmpi ne, %convert_element_type3A_21, %cond3A_22 : i32
      scf.if %cond3A_23 {
        %mul3A_26 = arith.constant 2000 : i32
        %mul3A_27 = arith.muli %arg1, %mul3A_26 : i32
        %mul3A_28 = arith.constant 32 : i32
        %mul3A_29 = arith.muli %mul3A_28, %add3A : i32
        "tpu.region"() ({
          %run_scoped3A = tpu.sem_alloc : memref<!tpu.dma_semaphore, #tpu.memory_space<semaphore_mem>>
          %dma_start3A = tpu.memref_slice %arg7[%mul3A_27, %mul3A_29] : memref<10000x512xf32, #tpu.memory_space<hbm>> -> memref<2000x32xf32, #tpu.memory_space<hbm>>
          %dma_start3A_34 = arith.constant 0 : i32
          %dma_start3A_35 = tpu.memref_slice %arg16[%mul3A_27, %dma_start3A_34] : memref<10000x128xf32, #tpu.memory_space<vmem_shared>> -> memref<2000x32xf32, #tpu.memory_space<vmem_shared>>
          tpu.enqueue_dma source(%dma_start3A_35 : memref<2000x32xf32, #tpu.memory_space<vmem_shared>>) target(%dma_start3A : memref<2000x32xf32, #tpu.memory_space<hbm>>) target_semaphore(%run_scoped3A : memref<!tpu.dma_semaphore, #tpu.memory_space<semaphore_mem>>)
          %dma_wait3A = tpu.memref_slice %arg7[%mul3A_27, %mul3A_29] : memref<10000x512xf32, #tpu.memory_space<hbm>> -> memref<2000x32xf32, #tpu.memory_space<hbm>>
          %dma_wait3A_36 = arith.constant 0 : i32
          %dma_wait3A_37 = tpu.memref_slice %arg16[%mul3A_27, %dma_wait3A_36] : memref<10000x128xf32, #tpu.memory_space<vmem_shared>> -> memref<2000x32xf32, #tpu.memory_space<vmem_shared>>
          tpu.wait_dma2 semaphore(%run_scoped3A : memref<!tpu.dma_semaphore, #tpu.memory_space<semaphore_mem>>) src(%dma_wait3A_37 : memref<2000x32xf32, #tpu.memory_space<vmem_shared>>) dst(%dma_wait3A : memref<2000x32xf32, #tpu.memory_space<hbm>>)
          tpu.yield
        }) : () -> ()
        %mul3A_30 = arith.constant 96 : i32
        %mul3A_31 = arith.muli %mul3A_30, %add3A : i32
        %add3A_32 = arith.constant 128 : i32
        %add3A_33 = arith.addi %add3A_32, %mul3A_31 : i32
        "tpu.region"() ({
          %run_scoped3A = tpu.sem_alloc : memref<!tpu.dma_semaphore, #tpu.memory_space<semaphore_mem>>
          %dma_start3A = tpu.memref_slice %arg7[%mul3A_27, %add3A_33] : memref<10000x512xf32, #tpu.memory_space<hbm>> -> memref<2000x96xf32, #tpu.memory_space<hbm>>
          %dma_start3A_34 = arith.constant 32 : i32
          %dma_start3A_35 = tpu.memref_slice %arg16[%mul3A_27, %dma_start3A_34] : memref<10000x128xf32, #tpu.memory_space<vmem_shared>> -> memref<2000x96xf32, #tpu.memory_space<vmem_shared>>
          tpu.enqueue_dma source(%dma_start3A_35 : memref<2000x96xf32, #tpu.memory_space<vmem_shared>>) target(%dma_start3A : memref<2000x96xf32, #tpu.memory_space<hbm>>) target_semaphore(%run_scoped3A : memref<!tpu.dma_semaphore, #tpu.memory_space<semaphore_mem>>)
          %dma_wait3A = tpu.memref_slice %arg7[%mul3A_27, %add3A_33] : memref<10000x512xf32, #tpu.memory_space<hbm>> -> memref<2000x96xf32, #tpu.memory_space<hbm>>
          %dma_wait3A_36 = arith.constant 32 : i32
          %dma_wait3A_37 = tpu.memref_slice %arg16[%mul3A_27, %dma_wait3A_36] : memref<10000x128xf32, #tpu.memory_space<vmem_shared>> -> memref<2000x96xf32, #tpu.memory_space<vmem_shared>>
          tpu.wait_dma2 semaphore(%run_scoped3A : memref<!tpu.dma_semaphore, #tpu.memory_space<semaphore_mem>>) src(%dma_wait3A_37 : memref<2000x96xf32, #tpu.memory_space<vmem_shared>>) dst(%dma_wait3A : memref<2000x96xf32, #tpu.memory_space<hbm>>)
          tpu.yield
        }) : () -> ()
      } else {
      }
      %barrier3A_24 = arith.constant 0 : index
      tpu.barrier barrier_id(%barrier3A_24)
      %scan3A_25 = arith.constant 0 : i32
      scf.yield %scan3A_25 : i32
    }
    %scan3A_5 = arith.constant 2 : i32
    return
  }
}

module attributes {stable_mosaic.version = 14 : i64} {
  func.func @_tc_weights_body(%arg0: i32, %arg1: memref<2000x3xf32, #tpu.memory_space<vmem>>, %arg2: memref<2000x8xf32, #tpu.memory_space<vmem>>, %arg3: memref<8x64xf32, #tpu.memory_space<vmem>>, %arg4: memref<64x64xf32, #tpu.memory_space<vmem>>, %arg5: memref<64x64xf32, #tpu.memory_space<vmem>>, %arg6: memref<64x64xf32, #tpu.memory_space<vmem>>, %arg7: memref<64x64xf32, #tpu.memory_space<vmem>>, %arg8: memref<64x192xf32, #tpu.memory_space<vmem>>, %arg9: memref<64x192xf32, #tpu.memory_space<vmem>>, %arg10: memref<3x192xf32, #tpu.memory_space<vmem>>, %arg11: memref<3x192xf32, #tpu.memory_space<vmem>>, %arg12: memref<4x2000x64xf32, #tpu.memory_space<vmem>>) attributes {dimension_semantics = [#tpu.dimension_semantics<arbitrary>], iteration_bounds = array<i64: 80>, scalar_prefetch = 0 : i64, scratch_operands = 0 : i64, tpu.core_type = #tpu.core_type<tc>, window_params = [{transform_indices = @transform_0, window_bounds = array<i64: 2000, 3>}, {transform_indices = @transform_1, window_bounds = array<i64: 2000, 8>}, {pipeline_mode = #tpu.pipeline_mode<synchronous>, transform_indices = @transform_2, window_bounds = array<i64: 8, 64>}, {pipeline_mode = #tpu.pipeline_mode<synchronous>, transform_indices = @transform_3, window_bounds = array<i64: 64, 64>}, {pipeline_mode = #tpu.pipeline_mode<synchronous>, transform_indices = @transform_4, window_bounds = array<i64: 64, 64>}, {pipeline_mode = #tpu.pipeline_mode<synchronous>, transform_indices = @transform_5, window_bounds = array<i64: 64, 64>}, {pipeline_mode = #tpu.pipeline_mode<synchronous>, transform_indices = @transform_6, window_bounds = array<i64: 64, 64>}, {pipeline_mode = #tpu.pipeline_mode<synchronous>, transform_indices = @transform_7, window_bounds = array<i64: 64, 192>}, {pipeline_mode = #tpu.pipeline_mode<synchronous>, transform_indices = @transform_8, window_bounds = array<i64: 64, 192>}, {pipeline_mode = #tpu.pipeline_mode<synchronous>, transform_indices = @transform_9, window_bounds = array<i64: 3, 192>}, {pipeline_mode = #tpu.pipeline_mode<synchronous>, transform_indices = @transform_10, window_bounds = array<i64: 3, 192>}, {transform_indices = @transform_11, window_bounds = array<i64: 4, 2000, 64>}]} {
    %get3A = arith.constant 0 : index
    %get3A_0 = arith.constant 0 : index
    %get3A_1 = vector.load %arg2[%get3A, %get3A_0] : memref<2000x8xf32, #tpu.memory_space<vmem>>, vector<2000x8xf32>
    %get3A_2 = arith.constant 0 : index
    %get3A_3 = arith.constant 0 : index
    %get3A_4 = vector.load %arg3[%get3A_2, %get3A_3] : memref<8x64xf32, #tpu.memory_space<vmem>>, vector<8x64xf32>
    %dot_general3A = arith.constant dense<0.000000e+00> : vector<2000x64xf32>
    %dot_general3A_5 = tpu.matmul %get3A_1, %get3A_4, %dot_general3A {dimension_numbers = #tpu.dot_dimension_numbers<[1], [0], [0], [1], [0, 0, 1, 1], [], []>, transpose_lhs_hint = false} : vector<2000x8xf32>, vector<8x64xf32>, vector<2000x64xf32> -> vector<2000x64xf32>
    %mul3A = arith.constant 0.353553385 : f32
    %mul3A_6 = vector.broadcast %mul3A : f32 to vector<2000x64xf32>
    %mul3A_7 = arith.mulf %dot_general3A_5, %mul3A_6 : vector<2000x64xf32>
    %logistic3A = arith.negf %mul3A_7 : vector<2000x64xf32>
    %logistic3A_8 = math.exp %logistic3A : vector<2000x64xf32>
    %logistic3A_9 = arith.constant 1.000000e+00 : f32
    %logistic3A_10 = vector.broadcast %logistic3A_9 : f32 to vector<2000x64xf32>
    %logistic3A_11 = arith.addf %logistic3A_10, %logistic3A_8 : vector<2000x64xf32>
    %logistic3A_12 = arith.divf %logistic3A_10, %logistic3A_11 : vector<2000x64xf32>
    %mul3A_13 = arith.mulf %mul3A_7, %logistic3A_12 : vector<2000x64xf32>
    %get3A_14 = arith.constant 0 : index
    %get3A_15 = arith.constant 0 : index
    %get3A_16 = vector.load %arg4[%get3A_14, %get3A_15] : memref<64x64xf32, #tpu.memory_space<vmem>>, vector<64x64xf32>
    %dot_general3A_17 = arith.constant dense<0.000000e+00> : vector<2000x64xf32>
    %dot_general3A_18 = tpu.matmul %mul3A_13, %get3A_16, %dot_general3A_17 {dimension_numbers = #tpu.dot_dimension_numbers<[1], [0], [0], [1], [0, 0, 1, 1], [], []>, transpose_lhs_hint = false} : vector<2000x64xf32>, vector<64x64xf32>, vector<2000x64xf32> -> vector<2000x64xf32>
    %mul3A_19 = arith.constant 1.250000e-01 : f32
    %mul3A_20 = vector.broadcast %mul3A_19 : f32 to vector<2000x64xf32>
    %mul3A_21 = arith.mulf %dot_general3A_18, %mul3A_20 : vector<2000x64xf32>
    %logistic3A_22 = arith.negf %mul3A_21 : vector<2000x64xf32>
    %logistic3A_23 = math.exp %logistic3A_22 : vector<2000x64xf32>
    %logistic3A_24 = arith.constant 1.000000e+00 : f32
    %logistic3A_25 = vector.broadcast %logistic3A_24 : f32 to vector<2000x64xf32>
    %logistic3A_26 = arith.addf %logistic3A_25, %logistic3A_23 : vector<2000x64xf32>
    %logistic3A_27 = arith.divf %logistic3A_25, %logistic3A_26 : vector<2000x64xf32>
    %mul3A_28 = arith.mulf %mul3A_21, %logistic3A_27 : vector<2000x64xf32>
    %get3A_29 = arith.constant 0 : index
    %get3A_30 = arith.constant 0 : index
    %get3A_31 = vector.load %arg5[%get3A_29, %get3A_30] : memref<64x64xf32, #tpu.memory_space<vmem>>, vector<64x64xf32>
    %dot_general3A_32 = arith.constant dense<0.000000e+00> : vector<2000x64xf32>
    %dot_general3A_33 = tpu.matmul %mul3A_28, %get3A_31, %dot_general3A_32 {dimension_numbers = #tpu.dot_dimension_numbers<[1], [0], [0], [1], [0, 0, 1, 1], [], []>, transpose_lhs_hint = false} : vector<2000x64xf32>, vector<64x64xf32>, vector<2000x64xf32> -> vector<2000x64xf32>
    %mul3A_34 = arith.constant 1.250000e-01 : f32
    %mul3A_35 = vector.broadcast %mul3A_34 : f32 to vector<2000x64xf32>
    %mul3A_36 = arith.mulf %dot_general3A_33, %mul3A_35 : vector<2000x64xf32>
    %logistic3A_37 = arith.negf %mul3A_36 : vector<2000x64xf32>
    %logistic3A_38 = math.exp %logistic3A_37 : vector<2000x64xf32>
    %logistic3A_39 = arith.constant 1.000000e+00 : f32
    %logistic3A_40 = vector.broadcast %logistic3A_39 : f32 to vector<2000x64xf32>
    %logistic3A_41 = arith.addf %logistic3A_40, %logistic3A_38 : vector<2000x64xf32>
    %logistic3A_42 = arith.divf %logistic3A_40, %logistic3A_41 : vector<2000x64xf32>
    %mul3A_43 = arith.mulf %mul3A_36, %logistic3A_42 : vector<2000x64xf32>
    %get3A_44 = arith.constant 0 : index
    %get3A_45 = arith.constant 0 : index
    %get3A_46 = vector.load %arg1[%get3A_44, %get3A_45] : memref<2000x3xf32, #tpu.memory_space<vmem>>, vector<2000x3xf32>
    %mul3A_47 = arith.mulf %get3A_46, %get3A_46 : vector<2000x3xf32>
    %reduce_sum3A = arith.constant dense<0.000000e+00> : vector<2000xf32>
    %reduce_sum3A_48 = vector.multi_reduction <add>, %mul3A_47, %reduce_sum3A [1] : vector<2000x3xf32> to vector<2000xf32>
    %broadcast_in_dim3A = vector.shape_cast %reduce_sum3A_48 : vector<2000xf32> to vector<2000x1xf32>
    %sqrt3A = math.sqrt %broadcast_in_dim3A : vector<2000x1xf32>
    %eq3A = arith.constant 0.000000e+00 : f32
    %eq3A_49 = vector.broadcast %eq3A : f32 to vector<2000x1xf32>
    %eq3A_50 = arith.cmpf oeq, %sqrt3A, %eq3A_49 : vector<2000x1xf32>
    %jit3A = arith.constant 1.000000e+00 : f32
    %broadcast_in_dim3A_51 = vector.broadcast %jit3A : f32 to vector<2000x1xf32>
    %select_n3A = arith.select %eq3A_50, %broadcast_in_dim3A_51, %sqrt3A : vector<2000x1xi1>, vector<2000x1xf32>
    %div3A = vector.broadcast %select_n3A : vector<2000x1xf32> to vector<2000x3xf32>
    %div3A_52 = arith.divf %get3A_46, %div3A : vector<2000x3xf32>
    %mul3A_53 = arith.constant 1.73205078 : f32
    %mul3A_54 = vector.broadcast %mul3A_53 : f32 to vector<2000x3xf32>
    %mul3A_55 = arith.mulf %div3A_52, %mul3A_54 : vector<2000x3xf32>
    %get3A_56 = arith.constant 0 : index
    %get3A_57 = arith.constant 0 : index
    %get3A_58 = vector.load %arg6[%get3A_56, %get3A_57] : memref<64x64xf32, #tpu.memory_space<vmem>>, vector<64x64xf32>
    %dot_general3A_59 = arith.constant dense<0.000000e+00> : vector<2000x64xf32>
    %dot_general3A_60 = tpu.matmul %mul3A_43, %get3A_58, %dot_general3A_59 {dimension_numbers = #tpu.dot_dimension_numbers<[1], [0], [0], [1], [0, 0, 1, 1], [], []>, transpose_lhs_hint = false} : vector<2000x64xf32>, vector<64x64xf32>, vector<2000x64xf32> -> vector<2000x64xf32>
    %get3A_61 = arith.constant 0 : index
    %get3A_62 = arith.constant 0 : index
    %get3A_63 = vector.load %arg7[%get3A_61, %get3A_62] : memref<64x64xf32, #tpu.memory_space<vmem>>, vector<64x64xf32>
    %dot_general3A_64 = arith.constant dense<0.000000e+00> : vector<2000x64xf32>
    %dot_general3A_65 = tpu.matmul %mul3A_43, %get3A_63, %dot_general3A_64 {dimension_numbers = #tpu.dot_dimension_numbers<[1], [0], [0], [1], [0, 0, 1, 1], [], []>, transpose_lhs_hint = false} : vector<2000x64xf32>, vector<64x64xf32>, vector<2000x64xf32> -> vector<2000x64xf32>
    %get3A_66 = arith.constant 0 : index
    %get3A_67 = arith.constant 0 : index
    %get3A_68 = vector.load %arg8[%get3A_66, %get3A_67] : memref<64x192xf32, #tpu.memory_space<vmem>>, vector<64x192xf32>
    %dot_general3A_69 = arith.constant dense<0.000000e+00> : vector<2000x192xf32>
    %dot_general3A_70 = tpu.matmul %mul3A_43, %get3A_68, %dot_general3A_69 {dimension_numbers = #tpu.dot_dimension_numbers<[1], [0], [0], [1], [0, 0, 1, 1], [], []>, transpose_lhs_hint = false} : vector<2000x64xf32>, vector<64x192xf32>, vector<2000x192xf32> -> vector<2000x192xf32>
    %get3A_71 = arith.constant 0 : index
    %get3A_72 = arith.constant 0 : index
    %get3A_73 = vector.load %arg10[%get3A_71, %get3A_72] : memref<3x192xf32, #tpu.memory_space<vmem>>, vector<3x192xf32>
    %dot_general3A_74 = arith.constant dense<0.000000e+00> : vector<2000x192xf32>
    %dot_general3A_75 = tpu.matmul %mul3A_55, %get3A_73, %dot_general3A_74 {dimension_numbers = #tpu.dot_dimension_numbers<[1], [0], [0], [1], [0, 0, 1, 1], [], []>, transpose_lhs_hint = false} : vector<2000x3xf32>, vector<3x192xf32>, vector<2000x192xf32> -> vector<2000x192xf32>
    %mul3A_76 = arith.mulf %dot_general3A_70, %dot_general3A_75 : vector<2000x192xf32>
    %get3A_77 = arith.constant 0 : index
    %get3A_78 = arith.constant 0 : index
    %get3A_79 = vector.load %arg9[%get3A_77, %get3A_78] : memref<64x192xf32, #tpu.memory_space<vmem>>, vector<64x192xf32>
    %dot_general3A_80 = arith.constant dense<0.000000e+00> : vector<2000x192xf32>
    %dot_general3A_81 = tpu.matmul %mul3A_43, %get3A_79, %dot_general3A_80 {dimension_numbers = #tpu.dot_dimension_numbers<[1], [0], [0], [1], [0, 0, 1, 1], [], []>, transpose_lhs_hint = false} : vector<2000x64xf32>, vector<64x192xf32>, vector<2000x192xf32> -> vector<2000x192xf32>
    %get3A_82 = arith.constant 0 : index
    %get3A_83 = arith.constant 0 : index
    %get3A_84 = vector.load %arg11[%get3A_82, %get3A_83] : memref<3x192xf32, #tpu.memory_space<vmem>>, vector<3x192xf32>
    %dot_general3A_85 = arith.constant dense<0.000000e+00> : vector<2000x192xf32>
    %dot_general3A_86 = tpu.matmul %mul3A_55, %get3A_84, %dot_general3A_85 {dimension_numbers = #tpu.dot_dimension_numbers<[1], [0], [0], [1], [0, 0, 1, 1], [], []>, transpose_lhs_hint = false} : vector<2000x3xf32>, vector<3x192xf32>, vector<2000x192xf32> -> vector<2000x192xf32>
    %mul3A_87 = arith.mulf %dot_general3A_81, %dot_general3A_86 : vector<2000x192xf32>
    %slice3A = vector.extract_strided_slice %dot_general3A_60 {offsets = [0, 0], sizes = [2000, 16], strides = [1, 1]} : vector<2000x64xf32> to vector<2000x16xf32>
    %slice3A_88 = vector.extract_strided_slice %mul3A_76 {offsets = [0, 0], sizes = [2000, 48], strides = [1, 1]} : vector<2000x192xf32> to vector<2000x48xf32>
    %concatenate3A = tpu.concatenate %slice3A, %slice3A_88 in 1 : vector<2000x16xf32>, vector<2000x48xf32> -> vector<2000x64xf32>
    %slice3A_89 = vector.extract_strided_slice %dot_general3A_65 {offsets = [0, 0], sizes = [2000, 16], strides = [1, 1]} : vector<2000x64xf32> to vector<2000x16xf32>
    %slice3A_90 = vector.extract_strided_slice %mul3A_87 {offsets = [0, 0], sizes = [2000, 48], strides = [1, 1]} : vector<2000x192xf32> to vector<2000x48xf32>
    %concatenate3A_91 = tpu.concatenate %slice3A_89, %slice3A_90 in 1 : vector<2000x16xf32>, vector<2000x48xf32> -> vector<2000x64xf32>
    %bitcast_convert_type3A = tpu.bitcast %concatenate3A : vector<2000x64xf32> -> vector<2000x64xi32>
    %bitcast_convert_type3A_92 = tpu.bitcast %concatenate3A_91 : vector<2000x64xf32> -> vector<2000x64xi32>
    %add3A = arith.constant 32767 : i32
    %add3A_93 = vector.broadcast %add3A : i32 to vector<2000x64xi32>
    %add3A_94 = arith.addi %bitcast_convert_type3A, %add3A_93 : vector<2000x64xi32>
    %shift_right_logical3A = arith.constant 16 : i32
    %shift_right_logical3A_95 = vector.broadcast %shift_right_logical3A : i32 to vector<2000x64xi32>
    %shift_right_logical3A_96 = arith.shrui %bitcast_convert_type3A, %shift_right_logical3A_95 : vector<2000x64xi32>
    %and3A = arith.constant 1 : i32
    %and3A_97 = vector.broadcast %and3A : i32 to vector<2000x64xi32>
    %and3A_98 = arith.andi %shift_right_logical3A_96, %and3A_97 : vector<2000x64xi32>
    %add3A_99 = arith.addi %add3A_94, %and3A_98 : vector<2000x64xi32>
    %shift_right_logical3A_100 = arith.constant 16 : i32
    %shift_right_logical3A_101 = vector.broadcast %shift_right_logical3A_100 : i32 to vector<2000x64xi32>
    %shift_right_logical3A_102 = arith.shrui %add3A_99, %shift_right_logical3A_101 : vector<2000x64xi32>
    %add3A_103 = arith.constant 32767 : i32
    %add3A_104 = vector.broadcast %add3A_103 : i32 to vector<2000x64xi32>
    %add3A_105 = arith.addi %bitcast_convert_type3A_92, %add3A_104 : vector<2000x64xi32>
    %shift_right_logical3A_106 = arith.constant 16 : i32
    %shift_right_logical3A_107 = vector.broadcast %shift_right_logical3A_106 : i32 to vector<2000x64xi32>
    %shift_right_logical3A_108 = arith.shrui %bitcast_convert_type3A_92, %shift_right_logical3A_107 : vector<2000x64xi32>
    %and3A_109 = arith.constant 1 : i32
    %and3A_110 = vector.broadcast %and3A_109 : i32 to vector<2000x64xi32>
    %and3A_111 = arith.andi %shift_right_logical3A_108, %and3A_110 : vector<2000x64xi32>
    %add3A_112 = arith.addi %add3A_105, %and3A_111 : vector<2000x64xi32>
    %and3A_113 = arith.constant -65536 : i32
    %and3A_114 = vector.broadcast %and3A_113 : i32 to vector<2000x64xi32>
    %and3A_115 = arith.andi %add3A_112, %and3A_114 : vector<2000x64xi32>
    %or3A = arith.ori %shift_right_logical3A_102, %and3A_115 : vector<2000x64xi32>
    %bitcast_convert_type3A_116 = tpu.bitcast %or3A : vector<2000x64xi32> -> vector<2000x64xf32>
    %swap3A = arith.constant 0 : index
    %swap3A_117 = arith.constant 0 : index
    %swap3A_118 = arith.constant 0 : index
    %swap3A_119 = vector.load %arg12[%swap3A, %swap3A_117, %swap3A_118] : memref<4x2000x64xf32, #tpu.memory_space<vmem>>, vector<1x2000x64xf32>
    %swap3A_120 = vector.shape_cast %swap3A_119 : vector<1x2000x64xf32> to vector<2000x64xf32>
    %swap3A_121 = vector.shape_cast %bitcast_convert_type3A_116 : vector<2000x64xf32> to vector<1x2000x64xf32>
    tpu.vector_store %arg12[%swap3A, %swap3A_117, %swap3A_118], %swap3A_121 {strides = array<i32>} : memref<4x2000x64xf32, #tpu.memory_space<vmem>>, vector<1x2000x64xf32>,
    %slice3A_122 = vector.extract_strided_slice %dot_general3A_60 {offsets = [0, 16], sizes = [2000, 16], strides = [1, 1]} : vector<2000x64xf32> to vector<2000x16xf32>
    %slice3A_123 = vector.extract_strided_slice %mul3A_76 {offsets = [0, 48], sizes = [2000, 48], strides = [1, 1]} : vector<2000x192xf32> to vector<2000x48xf32>
    %concatenate3A_124 = tpu.concatenate %slice3A_122, %slice3A_123 in 1 : vector<2000x16xf32>, vector<2000x48xf32> -> vector<2000x64xf32>
    %slice3A_125 = vector.extract_strided_slice %dot_general3A_65 {offsets = [0, 16], sizes = [2000, 16], strides = [1, 1]} : vector<2000x64xf32> to vector<2000x16xf32>
    %slice3A_126 = vector.extract_strided_slice %mul3A_87 {offsets = [0, 48], sizes = [2000, 48], strides = [1, 1]} : vector<2000x192xf32> to vector<2000x48xf32>
    %concatenate3A_127 = tpu.concatenate %slice3A_125, %slice3A_126 in 1 : vector<2000x16xf32>, vector<2000x48xf32> -> vector<2000x64xf32>
    %bitcast_convert_type3A_128 = tpu.bitcast %concatenate3A_124 : vector<2000x64xf32> -> vector<2000x64xi32>
    %bitcast_convert_type3A_129 = tpu.bitcast %concatenate3A_127 : vector<2000x64xf32> -> vector<2000x64xi32>
    %add3A_130 = arith.constant 32767 : i32
    %add3A_131 = vector.broadcast %add3A_130 : i32 to vector<2000x64xi32>
    %add3A_132 = arith.addi %bitcast_convert_type3A_128, %add3A_131 : vector<2000x64xi32>
    %shift_right_logical3A_133 = arith.constant 16 : i32
    %shift_right_logical3A_134 = vector.broadcast %shift_right_logical3A_133 : i32 to vector<2000x64xi32>
    %shift_right_logical3A_135 = arith.shrui %bitcast_convert_type3A_128, %shift_right_logical3A_134 : vector<2000x64xi32>
    %and3A_136 = arith.constant 1 : i32
    %and3A_137 = vector.broadcast %and3A_136 : i32 to vector<2000x64xi32>
    %and3A_138 = arith.andi %shift_right_logical3A_135, %and3A_137 : vector<2000x64xi32>
    %add3A_139 = arith.addi %add3A_132, %and3A_138 : vector<2000x64xi32>
    %shift_right_logical3A_140 = arith.constant 16 : i32
    %shift_right_logical3A_141 = vector.broadcast %shift_right_logical3A_140 : i32 to vector<2000x64xi32>
    %shift_right_logical3A_142 = arith.shrui %add3A_139, %shift_right_logical3A_141 : vector<2000x64xi32>
    %add3A_143 = arith.constant 32767 : i32
    %add3A_144 = vector.broadcast %add3A_143 : i32 to vector<2000x64xi32>
    %add3A_145 = arith.addi %bitcast_convert_type3A_129, %add3A_144 : vector<2000x64xi32>
    %shift_right_logical3A_146 = arith.constant 16 : i32
    %shift_right_logical3A_147 = vector.broadcast %shift_right_logical3A_146 : i32 to vector<2000x64xi32>
    %shift_right_logical3A_148 = arith.shrui %bitcast_convert_type3A_129, %shift_right_logical3A_147 : vector<2000x64xi32>
    %and3A_149 = arith.constant 1 : i32
    %and3A_150 = vector.broadcast %and3A_149 : i32 to vector<2000x64xi32>
    %and3A_151 = arith.andi %shift_right_logical3A_148, %and3A_150 : vector<2000x64xi32>
    %add3A_152 = arith.addi %add3A_145, %and3A_151 : vector<2000x64xi32>
    %and3A_153 = arith.constant -65536 : i32
    %and3A_154 = vector.broadcast %and3A_153 : i32 to vector<2000x64xi32>
    %and3A_155 = arith.andi %add3A_152, %and3A_154 : vector<2000x64xi32>
    %or3A_156 = arith.ori %shift_right_logical3A_142, %and3A_155 : vector<2000x64xi32>
    %bitcast_convert_type3A_157 = tpu.bitcast %or3A_156 : vector<2000x64xi32> -> vector<2000x64xf32>
    %swap3A_158 = arith.constant 1 : index
    %swap3A_159 = arith.constant 0 : index
    %swap3A_160 = arith.constant 0 : index
    %swap3A_161 = vector.load %arg12[%swap3A_158, %swap3A_159, %swap3A_160] : memref<4x2000x64xf32, #tpu.memory_space<vmem>>, vector<1x2000x64xf32>
    %swap3A_162 = vector.shape_cast %swap3A_161 : vector<1x2000x64xf32> to vector<2000x64xf32>
    %swap3A_163 = vector.shape_cast %bitcast_convert_type3A_157 : vector<2000x64xf32> to vector<1x2000x64xf32>
    tpu.vector_store %arg12[%swap3A_158, %swap3A_159, %swap3A_160], %swap3A_163 {strides = array<i32>} : memref<4x2000x64xf32, #tpu.memory_space<vmem>>, vector<1x2000x64xf32>,
    %slice3A_164 = vector.extract_strided_slice %dot_general3A_60 {offsets = [0, 32], sizes = [2000, 16], strides = [1, 1]} : vector<2000x64xf32> to vector<2000x16xf32>
    %slice3A_165 = vector.extract_strided_slice %mul3A_76 {offsets = [0, 96], sizes = [2000, 48], strides = [1, 1]} : vector<2000x192xf32> to vector<2000x48xf32>
    %concatenate3A_166 = tpu.concatenate %slice3A_164, %slice3A_165 in 1 : vector<2000x16xf32>, vector<2000x48xf32> -> vector<2000x64xf32>
    %slice3A_167 = vector.extract_strided_slice %dot_general3A_65 {offsets = [0, 32], sizes = [2000, 16], strides = [1, 1]} : vector<2000x64xf32> to vector<2000x16xf32>
    %slice3A_168 = vector.extract_strided_slice %mul3A_87 {offsets = [0, 96], sizes = [2000, 48], strides = [1, 1]} : vector<2000x192xf32> to vector<2000x48xf32>
    %concatenate3A_169 = tpu.concatenate %slice3A_167, %slice3A_168 in 1 : vector<2000x16xf32>, vector<2000x48xf32> -> vector<2000x64xf32>
    %bitcast_convert_type3A_170 = tpu.bitcast %concatenate3A_166 : vector<2000x64xf32> -> vector<2000x64xi32>
    %bitcast_convert_type3A_171 = tpu.bitcast %concatenate3A_169 : vector<2000x64xf32> -> vector<2000x64xi32>
    %add3A_172 = arith.constant 32767 : i32
    %add3A_173 = vector.broadcast %add3A_172 : i32 to vector<2000x64xi32>
    %add3A_174 = arith.addi %bitcast_convert_type3A_170, %add3A_173 : vector<2000x64xi32>
    %shift_right_logical3A_175 = arith.constant 16 : i32
    %shift_right_logical3A_176 = vector.broadcast %shift_right_logical3A_175 : i32 to vector<2000x64xi32>
    %shift_right_logical3A_177 = arith.shrui %bitcast_convert_type3A_170, %shift_right_logical3A_176 : vector<2000x64xi32>
    %and3A_178 = arith.constant 1 : i32
    %and3A_179 = vector.broadcast %and3A_178 : i32 to vector<2000x64xi32>
    %and3A_180 = arith.andi %shift_right_logical3A_177, %and3A_179 : vector<2000x64xi32>
    %add3A_181 = arith.addi %add3A_174, %and3A_180 : vector<2000x64xi32>
    %shift_right_logical3A_182 = arith.constant 16 : i32
    %shift_right_logical3A_183 = vector.broadcast %shift_right_logical3A_182 : i32 to vector<2000x64xi32>
    %shift_right_logical3A_184 = arith.shrui %add3A_181, %shift_right_logical3A_183 : vector<2000x64xi32>
    %add3A_185 = arith.constant 32767 : i32
    %add3A_186 = vector.broadcast %add3A_185 : i32 to vector<2000x64xi32>
    %add3A_187 = arith.addi %bitcast_convert_type3A_171, %add3A_186 : vector<2000x64xi32>
    %shift_right_logical3A_188 = arith.constant 16 : i32
    %shift_right_logical3A_189 = vector.broadcast %shift_right_logical3A_188 : i32 to vector<2000x64xi32>
    %shift_right_logical3A_190 = arith.shrui %bitcast_convert_type3A_171, %shift_right_logical3A_189 : vector<2000x64xi32>
    %and3A_191 = arith.constant 1 : i32
    %and3A_192 = vector.broadcast %and3A_191 : i32 to vector<2000x64xi32>
    %and3A_193 = arith.andi %shift_right_logical3A_190, %and3A_192 : vector<2000x64xi32>
    %add3A_194 = arith.addi %add3A_187, %and3A_193 : vector<2000x64xi32>
    %and3A_195 = arith.constant -65536 : i32
    %and3A_196 = vector.broadcast %and3A_195 : i32 to vector<2000x64xi32>
    %and3A_197 = arith.andi %add3A_194, %and3A_196 : vector<2000x64xi32>
    %or3A_198 = arith.ori %shift_right_logical3A_184, %and3A_197 : vector<2000x64xi32>
    %bitcast_convert_type3A_199 = tpu.bitcast %or3A_198 : vector<2000x64xi32> -> vector<2000x64xf32>
    %swap3A_200 = arith.constant 2 : index
    %swap3A_201 = arith.constant 0 : index
    %swap3A_202 = arith.constant 0 : index
    %swap3A_203 = vector.load %arg12[%swap3A_200, %swap3A_201, %swap3A_202] : memref<4x2000x64xf32, #tpu.memory_space<vmem>>, vector<1x2000x64xf32>
    %swap3A_204 = vector.shape_cast %swap3A_203 : vector<1x2000x64xf32> to vector<2000x64xf32>
    %swap3A_205 = vector.shape_cast %bitcast_convert_type3A_199 : vector<2000x64xf32> to vector<1x2000x64xf32>
    tpu.vector_store %arg12[%swap3A_200, %swap3A_201, %swap3A_202], %swap3A_205 {strides = array<i32>} : memref<4x2000x64xf32, #tpu.memory_space<vmem>>, vector<1x2000x64xf32>,
    %slice3A_206 = vector.extract_strided_slice %dot_general3A_60 {offsets = [0, 48], sizes = [2000, 16], strides = [1, 1]} : vector<2000x64xf32> to vector<2000x16xf32>
    %slice3A_207 = vector.extract_strided_slice %mul3A_76 {offsets = [0, 144], sizes = [2000, 48], strides = [1, 1]} : vector<2000x192xf32> to vector<2000x48xf32>
    %concatenate3A_208 = tpu.concatenate %slice3A_206, %slice3A_207 in 1 : vector<2000x16xf32>, vector<2000x48xf32> -> vector<2000x64xf32>
    %slice3A_209 = vector.extract_strided_slice %dot_general3A_65 {offsets = [0, 48], sizes = [2000, 16], strides = [1, 1]} : vector<2000x64xf32> to vector<2000x16xf32>
    %slice3A_210 = vector.extract_strided_slice %mul3A_87 {offsets = [0, 144], sizes = [2000, 48], strides = [1, 1]} : vector<2000x192xf32> to vector<2000x48xf32>
    %concatenate3A_211 = tpu.concatenate %slice3A_209, %slice3A_210 in 1 : vector<2000x16xf32>, vector<2000x48xf32> -> vector<2000x64xf32>
    %bitcast_convert_type3A_212 = tpu.bitcast %concatenate3A_208 : vector<2000x64xf32> -> vector<2000x64xi32>
    %bitcast_convert_type3A_213 = tpu.bitcast %concatenate3A_211 : vector<2000x64xf32> -> vector<2000x64xi32>
    %add3A_214 = arith.constant 32767 : i32
    %add3A_215 = vector.broadcast %add3A_214 : i32 to vector<2000x64xi32>
    %add3A_216 = arith.addi %bitcast_convert_type3A_212, %add3A_215 : vector<2000x64xi32>
    %shift_right_logical3A_217 = arith.constant 16 : i32
    %shift_right_logical3A_218 = vector.broadcast %shift_right_logical3A_217 : i32 to vector<2000x64xi32>
    %shift_right_logical3A_219 = arith.shrui %bitcast_convert_type3A_212, %shift_right_logical3A_218 : vector<2000x64xi32>
    %and3A_220 = arith.constant 1 : i32
    %and3A_221 = vector.broadcast %and3A_220 : i32 to vector<2000x64xi32>
    %and3A_222 = arith.andi %shift_right_logical3A_219, %and3A_221 : vector<2000x64xi32>
    %add3A_223 = arith.addi %add3A_216, %and3A_222 : vector<2000x64xi32>
    %shift_right_logical3A_224 = arith.constant 16 : i32
    %shift_right_logical3A_225 = vector.broadcast %shift_right_logical3A_224 : i32 to vector<2000x64xi32>
    %shift_right_logical3A_226 = arith.shrui %add3A_223, %shift_right_logical3A_225 : vector<2000x64xi32>
    %add3A_227 = arith.constant 32767 : i32
    %add3A_228 = vector.broadcast %add3A_227 : i32 to vector<2000x64xi32>
    %add3A_229 = arith.addi %bitcast_convert_type3A_213, %add3A_228 : vector<2000x64xi32>
    %shift_right_logical3A_230 = arith.constant 16 : i32
    %shift_right_logical3A_231 = vector.broadcast %shift_right_logical3A_230 : i32 to vector<2000x64xi32>
    %shift_right_logical3A_232 = arith.shrui %bitcast_convert_type3A_213, %shift_right_logical3A_231 : vector<2000x64xi32>
    %and3A_233 = arith.constant 1 : i32
    %and3A_234 = vector.broadcast %and3A_233 : i32 to vector<2000x64xi32>
    %and3A_235 = arith.andi %shift_right_logical3A_232, %and3A_234 : vector<2000x64xi32>
    %add3A_236 = arith.addi %add3A_229, %and3A_235 : vector<2000x64xi32>
    %and3A_237 = arith.constant -65536 : i32
    %and3A_238 = vector.broadcast %and3A_237 : i32 to vector<2000x64xi32>
    %and3A_239 = arith.andi %add3A_236, %and3A_238 : vector<2000x64xi32>
    %or3A_240 = arith.ori %shift_right_logical3A_226, %and3A_239 : vector<2000x64xi32>
    %bitcast_convert_type3A_241 = tpu.bitcast %or3A_240 : vector<2000x64xi32> -> vector<2000x64xf32>
    %swap3A_242 = arith.constant 3 : index
    %swap3A_243 = arith.constant 0 : index
    %swap3A_244 = arith.constant 0 : index
    %swap3A_245 = vector.load %arg12[%swap3A_242, %swap3A_243, %swap3A_244] : memref<4x2000x64xf32, #tpu.memory_space<vmem>>, vector<1x2000x64xf32>
    %swap3A_246 = vector.shape_cast %swap3A_245 : vector<1x2000x64xf32> to vector<2000x64xf32>
    %swap3A_247 = vector.shape_cast %bitcast_convert_type3A_241 : vector<2000x64xf32> to vector<1x2000x64xf32>
    tpu.vector_store %arg12[%swap3A_242, %swap3A_243, %swap3A_244], %swap3A_247 {strides = array<i32>} : memref<4x2000x64xf32, #tpu.memory_space<vmem>>, vector<1x2000x64xf32>,
    return
  }
  func.func @transform_0(%arg0: i32) -> (i32, i32) {
    %c0_i32 = arith.constant 0 : i32
    %c0_i32_0 = arith.constant 0 : i32
    return %arg0, %c0_i32 : i32, i32
  }
  func.func @transform_1(%arg0: i32) -> (i32, i32) {
    %c0_i32 = arith.constant 0 : i32
    %c0_i32_0 = arith.constant 0 : i32
    return %arg0, %c0_i32 : i32, i32
  }
  func.func @transform_2(%arg0: i32) -> (i32, i32) {
    %c0_i32 = arith.constant 0 : i32
    %c0_i32_0 = arith.constant 0 : i32
    %c0_i32_1 = arith.constant 0 : i32
    return %c0_i32, %c0_i32_0 : i32, i32
  }
  func.func @transform_3(%arg0: i32) -> (i32, i32) {
    %c0_i32 = arith.constant 0 : i32
    %c0_i32_0 = arith.constant 0 : i32
    %c0_i32_1 = arith.constant 0 : i32
    return %c0_i32, %c0_i32_0 : i32, i32
  }
  func.func @transform_4(%arg0: i32) -> (i32, i32) {
    %c0_i32 = arith.constant 0 : i32
    %c0_i32_0 = arith.constant 0 : i32
    %c0_i32_1 = arith.constant 0 : i32
    return %c0_i32, %c0_i32_0 : i32, i32
  }
  func.func @transform_5(%arg0: i32) -> (i32, i32) {
    %c0_i32 = arith.constant 0 : i32
    %c0_i32_0 = arith.constant 0 : i32
    %c0_i32_1 = arith.constant 0 : i32
    return %c0_i32, %c0_i32_0 : i32, i32
  }
  func.func @transform_6(%arg0: i32) -> (i32, i32) {
    %c0_i32 = arith.constant 0 : i32
    %c0_i32_0 = arith.constant 0 : i32
    %c0_i32_1 = arith.constant 0 : i32
    return %c0_i32, %c0_i32_0 : i32, i32
  }
  func.func @transform_7(%arg0: i32) -> (i32, i32) {
    %c0_i32 = arith.constant 0 : i32
    %c0_i32_0 = arith.constant 0 : i32
    %c0_i32_1 = arith.constant 0 : i32
    return %c0_i32, %c0_i32_0 : i32, i32
  }
  func.func @transform_8(%arg0: i32) -> (i32, i32) {
    %c0_i32 = arith.constant 0 : i32
    %c0_i32_0 = arith.constant 0 : i32
    %c0_i32_1 = arith.constant 0 : i32
    return %c0_i32, %c0_i32_0 : i32, i32
  }
  func.func @transform_9(%arg0: i32) -> (i32, i32) {
    %c0_i32 = arith.constant 0 : i32
    %c0_i32_0 = arith.constant 0 : i32
    %c0_i32_1 = arith.constant 0 : i32
    return %c0_i32, %c0_i32_0 : i32, i32
  }
  func.func @transform_10(%arg0: i32) -> (i32, i32) {
    %c0_i32 = arith.constant 0 : i32
    %c0_i32_0 = arith.constant 0 : i32
    %c0_i32_1 = arith.constant 0 : i32
    return %c0_i32, %c0_i32_0 : i32, i32
  }
  func.func @transform_11(%arg0: i32) -> (i32, i32, i32) {
    %c0_i32 = arith.constant 0 : i32
    %c0_i32_0 = arith.constant 0 : i32
    %c0_i32_1 = arith.constant 0 : i32
    return %c0_i32, %arg0, %c0_i32_0 : i32, i32, i32
  }
}

module attributes {stable_mosaic.version = 14 : i64} {
  func.func @_nf_table_body(%arg0: i32, %arg1: i32, %arg2: memref<2000x128xf32, #tpu.memory_space<vmem>>, %arg3: memref<1x128x64xf32, #tpu.memory_space<vmem>>, %arg4: memref<1x128x64xf32, #tpu.memory_space<vmem>>, %arg5: memref<2000x64xf32, #tpu.memory_space<vmem>>) attributes {dimension_semantics = [#tpu.dimension_semantics<arbitrary>, #tpu.dimension_semantics<arbitrary>], iteration_bounds = array<i64: 4, 5>, scalar_prefetch = 0 : i64, scratch_operands = 0 : i64, tpu.core_type = #tpu.core_type<tc>, window_params = [{transform_indices = @transform_0, window_bounds = array<i64: 2000, 128>}, {transform_indices = @transform_1, window_bounds = array<i64: 1, 128, 64>}, {transform_indices = @transform_2, window_bounds = array<i64: 1, 128, 64>}, {transform_indices = @transform_3, window_bounds = array<i64: 2000, 64>}]} {
    %get3A = arith.constant 0 : index
    %get3A_0 = arith.constant 0 : index
    %get3A_1 = vector.load %arg2[%get3A, %get3A_0] : memref<2000x128xf32, #tpu.memory_space<vmem>>, vector<2000x128xf32>
    %get3A_2 = arith.constant 0 : index
    %get3A_3 = arith.constant 0 : index
    %get3A_4 = arith.constant 0 : index
    %get3A_5 = vector.load %arg3[%get3A_2, %get3A_3, %get3A_4] : memref<1x128x64xf32, #tpu.memory_space<vmem>>, vector<1x128x64xf32>
    %get3A_6 = vector.shape_cast %get3A_5 : vector<1x128x64xf32> to vector<128x64xf32>
    %dot_general3A = arith.constant dense<0.000000e+00> : vector<2000x64xf32>
    %dot_general3A_7 = tpu.matmul %get3A_1, %get3A_6, %dot_general3A {dimension_numbers = #tpu.dot_dimension_numbers<[1], [0], [0], [1], [0, 0, 1, 1], [], []>, transpose_lhs_hint = false} : vector<2000x128xf32>, vector<128x64xf32>, vector<2000x64xf32> -> vector<2000x64xf32>
    %get3A_8 = arith.constant 0 : index
    %get3A_9 = arith.constant 0 : index
    %get3A_10 = arith.constant 0 : index
    %get3A_11 = vector.load %arg4[%get3A_8, %get3A_9, %get3A_10] : memref<1x128x64xf32, #tpu.memory_space<vmem>>, vector<1x128x64xf32>
    %get3A_12 = vector.shape_cast %get3A_11 : vector<1x128x64xf32> to vector<128x64xf32>
    %dot_general3A_13 = arith.constant dense<0.000000e+00> : vector<2000x64xf32>
    %dot_general3A_14 = tpu.matmul %get3A_1, %get3A_12, %dot_general3A_13 {dimension_numbers = #tpu.dot_dimension_numbers<[1], [0], [0], [1], [0, 0, 1, 1], [], []>, transpose_lhs_hint = false} : vector<2000x128xf32>, vector<128x64xf32>, vector<2000x64xf32> -> vector<2000x64xf32>
    %bitcast_convert_type3A = tpu.bitcast %dot_general3A_7 : vector<2000x64xf32> -> vector<2000x64xi32>
    %bitcast_convert_type3A_15 = tpu.bitcast %dot_general3A_14 : vector<2000x64xf32> -> vector<2000x64xi32>
    %add3A = arith.constant 32767 : i32
    %add3A_16 = vector.broadcast %add3A : i32 to vector<2000x64xi32>
    %add3A_17 = arith.addi %bitcast_convert_type3A, %add3A_16 : vector<2000x64xi32>
    %shift_right_logical3A = arith.constant 16 : i32
    %shift_right_logical3A_18 = vector.broadcast %shift_right_logical3A : i32 to vector<2000x64xi32>
    %shift_right_logical3A_19 = arith.shrui %bitcast_convert_type3A, %shift_right_logical3A_18 : vector<2000x64xi32>
    %and3A = arith.constant 1 : i32
    %and3A_20 = vector.broadcast %and3A : i32 to vector<2000x64xi32>
    %and3A_21 = arith.andi %shift_right_logical3A_19, %and3A_20 : vector<2000x64xi32>
    %add3A_22 = arith.addi %add3A_17, %and3A_21 : vector<2000x64xi32>
    %shift_right_logical3A_23 = arith.constant 16 : i32
    %shift_right_logical3A_24 = vector.broadcast %shift_right_logical3A_23 : i32 to vector<2000x64xi32>
    %shift_right_logical3A_25 = arith.shrui %add3A_22, %shift_right_logical3A_24 : vector<2000x64xi32>
    %add3A_26 = arith.constant 32767 : i32
    %add3A_27 = vector.broadcast %add3A_26 : i32 to vector<2000x64xi32>
    %add3A_28 = arith.addi %bitcast_convert_type3A_15, %add3A_27 : vector<2000x64xi32>
    %shift_right_logical3A_29 = arith.constant 16 : i32
    %shift_right_logical3A_30 = vector.broadcast %shift_right_logical3A_29 : i32 to vector<2000x64xi32>
    %shift_right_logical3A_31 = arith.shrui %bitcast_convert_type3A_15, %shift_right_logical3A_30 : vector<2000x64xi32>
    %and3A_32 = arith.constant 1 : i32
    %and3A_33 = vector.broadcast %and3A_32 : i32 to vector<2000x64xi32>
    %and3A_34 = arith.andi %shift_right_logical3A_31, %and3A_33 : vector<2000x64xi32>
    %add3A_35 = arith.addi %add3A_28, %and3A_34 : vector<2000x64xi32>
    %and3A_36 = arith.constant -65536 : i32
    %and3A_37 = vector.broadcast %and3A_36 : i32 to vector<2000x64xi32>
    %and3A_38 = arith.andi %add3A_35, %and3A_37 : vector<2000x64xi32>
    %or3A = arith.ori %shift_right_logical3A_25, %and3A_38 : vector<2000x64xi32>
    %bitcast_convert_type3A_39 = tpu.bitcast %or3A : vector<2000x64xi32> -> vector<2000x64xf32>
    %swap3A = arith.constant 0 : index
    %swap3A_40 = arith.constant 0 : index
    %swap3A_41 = vector.load %arg5[%swap3A, %swap3A_40] : memref<2000x64xf32, #tpu.memory_space<vmem>>, vector<2000x64xf32>
    tpu.vector_store %arg5[%swap3A, %swap3A_40], %bitcast_convert_type3A_39 {strides = array<i32>} : memref<2000x64xf32, #tpu.memory_space<vmem>>, vector<2000x64xf32>,
    return
  }
  func.func @transform_0(%arg0: i32, %arg1: i32) -> (i32, i32) {
    %c0_i32 = arith.constant 0 : i32
    %c0_i32_0 = arith.constant 0 : i32
    return %arg1, %c0_i32 : i32, i32
  }
  func.func @transform_1(%arg0: i32, %arg1: i32) -> (i32, i32, i32) {
    %c0_i32 = arith.constant 0 : i32
    %c0_i32_0 = arith.constant 0 : i32
    %c0_i32_1 = arith.constant 0 : i32
    return %arg0, %c0_i32, %c0_i32_0 : i32, i32, i32
  }
  func.func @transform_2(%arg0: i32, %arg1: i32) -> (i32, i32, i32) {
    %c0_i32 = arith.constant 0 : i32
    %c0_i32_0 = arith.constant 0 : i32
    %c0_i32_1 = arith.constant 0 : i32
    return %arg0, %c0_i32, %c0_i32_0 : i32, i32, i32
  }
  func.func @transform_3(%arg0: i32, %arg1: i32) -> (i32, i32) {
    %mul3A = arith.constant 5 : i32
    %mul3A_0 = arith.muli %arg0, %mul3A : i32
    %add3A = arith.addi %mul3A_0, %arg1 : i32
    %c0_i32 = arith.constant 0 : i32
    %c0_i32_1 = arith.constant 0 : i32
    return %add3A, %c0_i32 : i32, i32
  }
}

</mosaic_0001>

<sc_bundles>
// kernel: kernel.5.cloned.1.call-start
scs
__scs_entry_jumppad:
0x0: {  	(pc) =	sbr.rel $0x88, $3  }
0x1: {  	(tag) =	ssettag $0x0;
	lr =	simm.s32 $0x1  }
0x2: {  	[smem:$0x3F98] =	sst lr;
	_ =	strace $0xD0000000  }
0x3: {  	_ = 	snop  }
0x4: {  	_ = 	snop  }
0x5: {  	_ = 	snop  }
0x6: {  	_ = 	snop  }
0x7: {  	_ = 	snop  }
__scs_overlays_trampoline_lowered:
0x8: {  	[smem:$0x3FA7] =	sst s0  }
0x9: {  	[smem:$0x3FA8] =	sst s1  }
0xa: {  	[smem:$0x3FA9] =	sst s2  }
0xb: {  	[smem:$0x3FAA] =	sst s3  }
0xc: {  	[smem:$0x3FAB] =	sst s4  }
0xd: {  	[smem:$0x3FAC] =	sst s5  }
0xe: {  	[smem:$0x3FAD] =	sst s6  }
0xf: {  	[smem:$0x3FAE] =	sst s7  }
0x10: {  	[smem:$0x3FAF] =	sst s8  }
0x11: {  	[smem:$0x3FB0] =	sst s9;
	s0 =	simm.s32 @!p0 $0x0  }
0x12: {  	s1 =	sld [smem:$0x3F96];
	s0 =	simm.s32 @p0 $0x1  }
0x13: {  	[smem:$0x3FB1] =	sst s0;
	s0 =	simm.s32 @!p1 $0x0  }
0x14: {  	s2 =	sld [smem:$0x3F95];
	s0 =	simm.s32 @p1 $0x1  }
0x15: {  	[smem:$0x3FB2] =	sst s0;
	s0 =	simm.s32 @!p2 $0x0  }
0x16: {  	s3 =	sld [smem:$0x3FDB];
	s0 =	simm.s32 @p2 $0x1  }
0x17: {  	s4 =	simm.s32 $0x1BF5;
	[smem:$0x3FB4] =	sst s0  }
0x18: {  	s0 =	sld [smem:$0x3F97];
	_ =	swait.ge [sflag:s4], $0x0  }
0x19: {  	s7 =	sld [smem:$0x3F98]  }
0x1a: {  	s8 =	sadd.s32 $0xFFFFE003, lr  }
0x1b: {  	s9 =	sadd.s32 $0xFFFFFEF7, lr;
	s5 =	simm.s32 $0xFFFFFFFF;
	p2 =	slt.u32 s8, $0xFFFFF086  }
0x1c: {  	p1 =	slt.u32 s9, $0xF7A;
	s5 =	simm.s32 @!p2 $0x0  }
0x1d: {  	s5 =	simm.s32 @p1 $0x1;
	p0 =	seq.s32 s7, s2  }
0x1e: {  	s7 =	smul.u32 @!p0 $0xF7A, s2;
	p2 =	seq.s32 @!p0 s5, $0x0  }
0x1f: {  	s9 =	smul.u32 $0xF7A, s1;
	s8 =	simm.s32 @!p0 $0x1BF5;
	p2 =	por !p2, p0  }
0x20: {  	[sflag:s8] =	ssyncset.s32 @!p0 $0xFFFFF086;
	s6 =	sadd.s32 @!p0 s3, s7;
	s7 =	simm.s32 @!p0 $0x108  }
0x21: {  	s3 =	sadd.s32 s3, s9;
	s6 =	sadd.s32 @!p0 $0x88, s6;
	s7 =	simm.s32 @p2 $0x1082  }
0x22: {  	[simem:s7], [sflag:s8] =	dma.local @!p0 [hbm:s6], $0xF7A  }
0x23: {  	s9 =	sor.u32 $0xD0000000, s2;
	s6 =	simm.s32 $0x108;
	_ =	swait.ge @!p0 [sflag:s8], $0x0  }
0x24: {  	s3 =	sadd.s32 $0x88, s3;
	s6 =	simm.s32 @!p1 $0x1082;
	[sflag:s4] =	ssyncset.s32 $0xFFFFF086  }
0x25: {  	[simem:s6], [sflag:s4] =	dma.local [hbm:s3], $0xF7A  }
0x26: {  	[smem:$0x3F98] =	sst s1;
	(tag) =	ssettag s2;
	_ =	strace s9  }
0x27: {  	s1 =	sld [smem:$0x3FA8]  }
0x28: {  	s2 =	sld [smem:$0x3FA9]  }
0x29: {  	s4 =	sld [smem:$0x3FAB]  }
0x2a: {  	p0 =	seq.s32 s5, $0x0;
	s5 =	sld [smem:$0x3FAC]  }
0x2b: {  	s6 =	sld [smem:$0x3FAD]  }
0x2c: {  	s7 =	sld [smem:$0x3FAE]  }
0x2d: {  	s3 =	simm.s32 $0x108;
	s8 =	sld [smem:$0x3FAF]  }
0x2e: {  	s3 =	simm.s32 @!p0 $0x1082;
	s9 =	sld [smem:$0x3FB0]  }
0x2f: {  	lr =	sadd.s32 s0, s3;
	s0 =	sld [smem:$0x3FA7]  }
0x30: {  	s3 =	sld [smem:$0x3FAA]  }
0x31: {  	[smem:$0x3FB3] =	sst s10  }
0x32: {  	s10 =	sld [smem:$0x3FB1];
	_ =	sdelay $0x3  }
0x33: {  	p0 =	seq.s32 s10, $0x1;
	s10 =	sld [smem:$0x3FB3];
	_ =	sdelay $0x3  }
0x34: {  	[smem:$0x3FB3] =	sst s10  }
0x35: {  	s10 =	sld [smem:$0x3FB2];
	_ =	sdelay $0x3  }
0x36: {  	p1 =	seq.s32 s10, $0x1;
	s10 =	sld [smem:$0x3FB3];
	_ =	sdelay $0x3  }
0x37: {  	[smem:$0x3FB3] =	sst s10  }
0x38: {  	s10 =	sld [smem:$0x3FB4]  }
0x39: {  	_ = 	snop;
	(pc) =	sbr.ind lr, $3  }
0x3a: {  	_ = 	snop  }
0x3b: {  	_ = 	snop  }
0x3c: {  	p2 =	seq.s32 s10, $0x1;
	s10 =	sld [smem:$0x3FB3]  }
0x3d: {  	_ =	shalt  }
0x3e: {  	_ =	shalt  }
0x3f: {  	_ =	shalt  }
0x40: {  	_ =	shalt  }
0x41: {  	_ =	shalt  }
0x42: {  	_ =	shalt  }
0x43: {  	_ =	shalt  }
0x44: {  	_ =	shalt  }
0x45: {  	_ =	shalt  }
0x46: {  	_ =	shalt  }
0x47: {  	_ =	shalt  }
0x48: {  	_ =	shalt  }
0x49: {  	_ =	shalt  }
0x4a: {  	_ =	shalt  }
0x4b: {  	_ =	shalt  }
0x4c: {  	_ =	shalt  }
0x4d: {  	_ =	shalt  }
0x4e: {  	_ =	shalt  }
0x4f: {  	_ =	shalt  }
0x50: {  	_ =	shalt  }
0x51: {  	_ =	shalt  }
0x52: {  	_ =	shalt  }
0x53: {  	_ =	shalt  }
0x54: {  	_ =	shalt  }
0x55: {  	_ =	shalt  }
0x56: {  	_ =	shalt  }
0x57: {  	_ =	shalt  }
0x58: {  	_ =	shalt  }
0x59: {  	_ =	shalt  }
0x5a: {  	_ =	shalt  }
0x5b: {  	_ =	shalt  }
0x5c: {  	_ =	shalt  }
0x5d: {  	_ =	shalt  }
0x5e: {  	_ =	shalt  }
0x5f: {  	_ =	shalt  }
0x60: {  	_ =	shalt  }
0x61: {  	_ =	shalt  }
0x62: {  	_ =	shalt  }
0x63: {  	_ =	shalt  }
0x64: {  	_ =	shalt  }
0x65: {  	_ =	shalt  }
0x66: {  	_ =	shalt  }
0x67: {  	_ =	shalt  }
0x68: {  	_ =	shalt  }
0x69: {  	_ =	shalt  }
0x6a: {  	_ =	shalt  }
0x6b: {  	_ =	shalt  }
0x6c: {  	_ =	shalt  }
0x6d: {  	_ =	shalt  }
0x6e: {  	_ =	shalt  }
0x6f: {  	_ =	shalt  }
0x70: {  	_ =	shalt  }
0x71: {  	_ =	shalt  }
0x72: {  	_ =	shalt  }
0x73: {  	_ =	shalt  }
0x74: {  	_ =	shalt  }
0x75: {  	_ =	shalt  }
0x76: {  	_ =	shalt  }
0x77: {  	_ =	shalt  }
0x78: {  	_ =	shalt  }
0x79: {  	_ =	shalt  }
0x7a: {  	_ =	shalt  }
0x7b: {  	_ =	shalt  }
0x7c: {  	_ =	shalt  }
0x7d: {  	_ =	shalt  }
0x7e: {  	_ =	shalt  }
0x7f: {  	_ =	shalt  }
0x80: {  	_ =	shalt  }
0x81: {  	_ =	shalt  }
0x82: {  	_ =	shalt  }
0x83: {  	_ =	shalt  }
0x84: {  	_ =	shalt  }
0x85: {  	_ =	shalt  }
0x86: {  	_ =	shalt  }
0x87: {  	_ =	shalt  }
.Lfunc_end0:
.L_simem_size_0:
called_computation_lowered:
.L_overlay_start_0:
0x88: {  	s2 =	sld [smem:$0x3FD9]  }
0x89: {  	s3 =	sld [smem:$0x3FFE];
	_ =	sdelay $0x1  }
0x8a: {  	s1 =	srdreg.scid  }
0x8b: {  	s0 =	sand.u32 $0x1, s1  }
0x8c: {  	s17 =	sshll.u32 s0, $0xA;
	s2 =	sadd.s32 s3, s2  }
0x8d: {  	s2 =	sadd.s32 s2, s17  }
0x8e: {  	[smem:$0x3FBF] =	sst s2  }
0x8f: {  	_ = 	snop  }
0x90: {  	s2 =	sld [smem:$0x3FC6]  }
0x91: {  	s18 =	sld [smem:$0x3FC5]  }
0x92: {  	s4 =	sld [smem:$0x3FD0];
	(tm) =	ssettm $0x1  }
0x93: {  	s5 =	sld [smem:$0x3FFB];
	_ =	sdelay $0x3  }
0x94: {  	_ =	strace s5  }
0x95: {  	s5 =	sld [smem:$0x3FFC];
	_ =	sdelay $0x3  }
0x96: {  	_ =	strace s5  }
0x97: {  	s5 =	sld [smem:$0x3FFD];
	_ =	sdelay $0x3  }
0x98: {  	_ =	strace s5  }
0x99: {  	_ =	strace $0x8FFFFFFF  }
0x9a: {  	s19 =	sld [smem:$0x3FDB];
	_ =	sdelay $0x1  }
0x9b: {  	s6 =	simm.s32 $_scs_section_size  }
0x9c: {  	s7 =	simm.s32 $_size__tile_overlayer_lowered;
	s8 =	simm.s32 $_tile_overlayer_lowered  }
0x9d: {  	s22 =	simm.s32 $0x1BFF;
	s21 =	sshll.u32 s8, $0x1;
	s5 =	sadd.s32 s6, s19  }
0x9e: {  	s9 =	simm.s32 $0x0;
	s20 =	sshll.u32 s7, $0x1;
	s7 =	sadd.s32 s21, s5  }
0x9f: {  	[timem:s9], [sflag:s22] =	dma.local [hbm:s7], s20  }
0xa0: {  	_ =	swait.ge [sflag:s22], s20  }
0xa1: {  	s6 =	ssub.s32 $0x0, s20;
	[sflag:s22] =	ssyncset.done $0x0  }
0xa2: {  	[sflag:s22] =	ssyncadd.s32 s6;
	_ =	sdelay $0x1  }
0xa3: {  	s23 =	simm.s32 $0x1B8B  }
0xa4: {  	_ =	swait.ge [sflag:s23], $0x1  }
0xa5: {  	[sflag:s23] =	ssyncset.done $0x0  }
0xa6: {  	s25 =	simm.s32 $0x1B8E;
	s24 =	sld [smem:$0x3FFE];
	[sflag:s23] =	ssyncadd.s32 $0xFFFFFFFF  }
0xa7: {  	s26 =	simm.s32 $execute0_lowered;
	[smem:$0x3FD2] =	sst s25  }
0xa8: {  	s7 =	sshll.u32 s26, $0x1;
	_ =	strace $0x80000046;
	[dreg:$0x1] =	wrdreg $0xFFFFFFFF  }
0xa9: {  	s28 =	simm.s32 $_size_execute0_lowered;
	s5 =	sadd.s32 s5, s7;
	[dreg:$0x0] =	wrdreg $0x0  }
0xaa: {  	s7 =	sshll.u32 s28, $0x1;
	[dreg:$0x2] =	wrdreg s5  }
0xab: {  	[dreg:$0x3] =	wrdreg s7  }
0xac: {  	[dreg:$0x4] =	wrdreg $0xC0  }
0xad: {  	_ =	task [dreg:s9], $0x5FFFF  }
0xae: {  	[dreg:$0x1] =	wrdreg $0xFFFFFFFF  }
0xaf: {  	[dreg:$0x0] =	wrdreg $0x60  }
0xb0: {  	[dreg:$0x2] =	wrdreg s24  }
0xb1: {  	[dreg:$0x3] =	wrdreg s2  }
0xb2: {  	[dreg:$0x4] =	wrdreg s18  }
0xb3: {  	[dreg:$0x5] =	wrdreg s4  }
0xb4: {  	[dreg:$0x6] =	wrdreg $0xAFA00  }
0xb5: {  	[dreg:$0x7] =	wrdreg $0x9  }
0xb6: {  	_ =	task.clear_ibuf [dreg:s9], $0x8FFFF;
	_ =	strace $0x90000046  }
0xb7: {  	s29 =	simm.s32 $0x9;
	_ =	strace $0x80000048  }
0xb8: {  	_ =	swait.ge [sflag:s29], $0x1  }
0xb9: {  	[sflag:s29] =	ssyncadd.s32 $0xFFFFFFFF  }
0xba: {  	_ =	strace $0x90000048  }
0xbb: {  	_ =	sfence  }
0xbc: {  	s30 =	sld [smem:$0x0];
	_ =	sdelay $0x2  }
0xbd: {  	s31 =	sshll.u32 s1, $0xD;
	s1 =	sshrl.u32 s1, $0x2  }
0xbe: {  	s3 =	sand.u32 $0x4000, s31;
	s1 =	sadd.s32 s1, s30  }
0xbf: {  	s0 =	sor.u32 s3, s0;
	s1 =	sshll.u32 s1, $0x11  }
0xc0: {  	s0 =	sor.u32 s1, s0  }
0xc1: {  	s0 =	sadd.s32 $0x8F2B, s0  }
0xc2: {  	[sflag:s0] =	ssyncadd.remote.s32 $0x1  }
0xc3: {  	_ =	sfence.sel $0xFFFF  }
0xc4: {  	[dreg:$0x0] =	wrdreg $0xFFFFFFFF;
	(pc) =	sbr.abs _section_cstart, $3  }
0xc5: {  	[dreg:$0x1] =	wrdreg $0xFFFFFFFF  }
0xc6: {  	_ =	task.clear_ibuf [dreg:s9], $0x2FFFF;
	_ =	strace $0x9FFFFFFF  }
0xc7: {  	(tm) =	ssettm $0x7FFFFFFF  }
tec
execute0_lowered:
.L_overlay_start_1:
0x0: {  	(tag) =	ssettag $0x1  }
0x1: {  	s0 =	rddreg [dreg:$0x0]  }
0x2: {  	s4 =	rddreg [dreg:$0x4]  }
0x3: {  	s6 =	simm.s32 $0x0;
	s1 =	srdreg.scid;
	s5 =	stileid.u32  }
0x4: {  	s20 =	simm.s32 $0x50;
	s21 =	simm.s32 $0xFA0;
	s22 =	simm.s32 $0x23A0  }
0x5: {  	s23 =	simm.s32 $0x37A0;
	s24 =	simm.s32 $0x4BA0;
	s28 =	simm.s32 $0x5FA0  }
0x6: {  	s29 =	simm.s32 $0x2;
	[smem:$0x7FF] =	sst s6;
	s1 =	sand.u32 $0x1, s1  }
0x7: {  	s7 =	smul.u32 $0xFA000, s5;
	s9 =	sadd.s32 $0x4E4200, s0;
	s10 =	sadd.s32 $0x2200, s0  }
0x8: {  	s2 =	sadd.s32 $0x532400, s0;
	_ =	strace $0x80000047;
	[dreg:$0x6] =	wrdreg s1  }
0x9: {  	s26 =	smul.u32 $0x7D, s5;
	s0 =	sadd.s32 $0x2480, s0;
	[dreg:$0x8] =	wrdreg s2  }
0xa: {  	p0 =	sgt.u32 s5, $0x4;
	s1 =	ssub.s32 $0x2, s1;
	[dreg:$0xa] =	wrdreg s0  }
0xb: {  	s25 =	sshrl.u32 s1, $0x1;
	s3 =	sshrl.u32 s7, $0x2;
	[dreg:$0x9] =	wrdreg s26  }
0xc: {  	[dreg:$0x7] =	wrdreg s7;
	s31 =	sor.u32 $0x80, s7;
	s1 =	ssub.s32 s1, s25  }
0xd: {  	s2 =	sadd.s32 s3, s4;
	[dreg:$0xb] =	wrdreg s31;
	s1 =	smax.u32 s1, $0x1  }
0xe: {  	s0 =	sadd.s32 $0x20, s2;
	s12 =	sshrl.u32 @!p0 s2, $0x3;
	[dreg:$0xc] =	wrdreg s1  }
0xf: {  	s1 =	sshll.u32 @!p0 s5, $0x6;
	s0 =	sshrl.u32 @!p0 s0, $0x3;
	[dreg:$0xe] =	wrdreg s12  }
0x10: {  	s30 =	simm.s32 $0x87A0;
	s11 =	sor.u32 @!p0 $0x1C05, s1;
	[dreg:$0xf] =	wrdreg s0  }
0x11: {  	s26 =	simm.s32 $0x1;
	s1 =	simm.s32 $0x0;
	[dreg:$0xd] =	wrdreg s11  }
.LBB2_1:
0x12: {  	[dreg:$0x10] =	wrdreg s1;
	p2 =	por $0x1, $0x1;
	s0 =	simm.s32 $0x0  }
.LBB2_2:
0x13: {  	s1 =	rddreg [dreg:$0x3]  }
0x14: {  	[spmem:s12], [sflag:s11] =	dma.local @!p0 [hbm:s1], $0x7D00  }
0x15: {  	s1 =	simm.s32 @!p0 $0x5  }
0x16: {  	_ =	swait.ge @!p0 [sflag:s1], $0x7D00  }
0x17: {  	s2 =	rddreg [dreg:$0x6]  }
0x18: {  	[sflag:s1] =	ssyncset.done @!p0 $0x0;
	s2 =	sor.u32 s2, s0  }
0x19: {  	[sflag:s1] =	ssyncadd.s32 @!p0 $0xFFFF8300;
	s0 =	smul.u32 $0x2710, s2  }
0x1a: {  	[bflag:$0x0] =	sbarrier.arrive $0xFFFF;
	s31 =	smul.u32 $0x27100, s2  }
0x1b: {  	[dreg:$0x11] =	wrdreg s2  }
0x1c: {  	p1 =	por p2, p2;
	v0 =	vmov s0;
	[dreg:$0x12] =	wrdreg s31;
	s0 =	simm.s32 $0x0  }
.LBB2_3:
0x1d: {  	s18 =	smul.u32 $0x19, s0  }
0x1e: {  	s1 =	rddreg [dreg:$0x9]  }
0x1f: {  	[dreg:$0x13] =	wrdreg s0;
	s0 =	sadd.s32 s1, s18  }
0x20: {  	s0 =	smul.u32 $0x50, s0;
	_ =	sdelay $0x1  }
0x21: {  	s2 =	rddreg [dreg:$0x1];
	s19 =	sshrl.u32 s0, $0x3  }
0x22: {  	s5 =	simm.s32 $0x0;
	s3 =	simm.s32 $0x5;
	s2 =	sadd.s32 s2, s19  }
0x23: {  	[tilespmem:s5], [sflag:$0x5] =	stream.linear.gather [hbm4b:s2+s5], $0x7D0, $0x38;
	[tilespmem:$0x1E820] =	vst v63  }
0x24: {  	_ =	swait.ge [sflag:s3], $0x7D0  }
0x25: {  	[sflag:s3] =	ssyncset.done $0x0  }
0x26: {  	[sflag:s3] =	ssyncadd.s32 $0xFFFFF830  }
0x27: {  	s25 =	rddreg [dreg:$0x2]  }
0x28: {  	s31 =	simm.s32 $0x7D0;
	s1 =	sadd.s32 s25, s19  }
0x29: {  	[tilespmem:s31], [sflag:$0x5] =	stream.linear.gather [hbm4b:s1+s5], $0x7D0, $0x38;
	[tilespmem:$0x1E820] =	vst v63  }
0x2a: {  	_ =	swait.ge [sflag:s3], $0x7D0  }
0x2b: {  	[sflag:s3] =	ssyncset.done $0x0  }
0x2c: {  	s1 =	simm.s32 $0x0;
	[sflag:s3] =	ssyncadd.s32 $0xFFFFF830  }
0x2d: {  	v4 =	vld [tilespmem:s1+$0x40]  }
0x2e: {  	v5 =	vld [tilespmem:s1+$0x0]  }
0x2f: {  	v3 =	vld [tilespmem:s1+$0x10]  }
0x30: {  	v1 =	vld [tilespmem:s1+$0x20]  }
0x31: {  	s2 =	simm.s32 $0x140;
	v2 =	vld [tilespmem:s1+$0x30]  }
.LBB2_4:
0x32: {  	s3 =	sshra.s32 s2, $0x2;
	p2 =	sne.s32 s2, $0x1E00;
	s2 =	sadd.s32 $0x140, s2;
	v6 =	vadd.s32 v0, v4  }
.Ltmp0:
0x33: {  	v4 =	vld [tilespmem:s3+$0x40];
	v7 =	vadd.s32 v0, v5;
	[tilespmem:s1+$0x40] =	vst v6;
	(pc) =	sbr.rel @p2 .LBB2_4-.Ltmp0, $4  }
0x34: {  	v5 =	vld [tilespmem:s3+$0x0];
	[tilespmem:s1+$0x0] =	vst v7;
	v6 =	vadd.s32 v0, v3  }
0x35: {  	v3 =	vld [tilespmem:s3+$0x10];
	[tilespmem:s1+$0x10] =	vst v6;
	v6 =	vadd.s32 v0, v1  }
0x36: {  	v1 =	vld [tilespmem:s3+$0x20];
	[tilespmem:s1+$0x20] =	vst v6;
	v6 =	vadd.s32 v0, v2  }
0x37: {  	v2 =	vld [tilespmem:s3+$0x30];
	[tilespmem:s1+$0x30] =	vst v6;
	s1 =	smov.u32 s3  }
0x38: {  	v4 =	vadd.s32 v0, v4  }
0x39: {  	v5 =	vadd.s32 v0, v5;
	[tilespmem:s1+$0x40] =	vst v4  }
0x3a: {  	[tilespmem:s1+$0x0] =	vst v5;
	v3 =	vadd.s32 v0, v3  }
0x3b: {  	[tilespmem:s1+$0x10] =	vst v3;
	v1 =	vadd.s32 v0, v1  }
0x3c: {  	[tilespmem:s1+$0x20] =	vst v1;
	v1 =	vadd.s32 v0, v2  }
0x3d: {  	s14 =	simm.s32 $0x0;
	[tilespmem:s1+$0x30] =	vst v1  }
0x3e: {  	[tilespmem:s21], [sflag:$0x1] =	stream.indirect.gather [hbm4b:s9+s20], $0x40, s14, s20, $0xb8;
	[tilespmem:$0x1E820] =	vst v63  }
0x3f: {  	s1 =	rddreg [dreg:$0x12]  }
0x40: {  	s25 =	sadd.s32 s1, s0  }
0x41: {  	s0 =	sshll.u32 s25, $0x3  }
0x42: {  	s19 =	sadd.s32 s10, s0  }
0x43: {  	[tilespmem:s22], [sflag:$0x1] =	stream.linear.gather [hbm4b:s19+s14], $0x1400, $0x38;
	[tilespmem:$0x1E820] =	vst v63  }
0x44: {  	s31 =	rddreg [dreg:$0xa]  }
0x45: {  	[tilespmem:s23], [sflag:$0x2] =	stream.indirect.gather [hbm4b:s9+s20], $0x40, s20, s20, $0xb8;
	[tilespmem:$0x1E820] =	vst v63  }
0x46: {  	s0 =	sadd.s32 s0, s31  }
0x47: {  	[tilespmem:s24], [sflag:$0x2] =	stream.linear.gather [hbm4b:s0+s14], $0x1400, $0x38;
	[tilespmem:$0x1E820] =	vst v63  }
.LBB2_6:
0x48: {  	_ =	swait.ge [sflag:s26], $0x1400  }
0x49: {  	[sflag:s26] =	ssyncset.done $0x0  }
0x4a: {  	[sflag:s26] =	ssyncadd.s32 $0xFFFFEC00  }
0x4b: {  	_ =	swait.ge [sflag:s26], $0x1400  }
0x4c: {  	p2 =	seq.s32 s14, $0x0;
	[sflag:s26] =	ssyncset.done $0x0  }
0x4d: {  	s0 =	simm.s32 @!p2 $0x3;
	[sflag:s26] =	ssyncadd.s32 $0xFFFFEC00  }
0x4e: {  	_ =	swait.ge @!p2 [sflag:s0], $0x2800  }
0x4f: {  	[sflag:s0] =	ssyncset.done @!p2 $0x0  }
0x50: {  	s13 =	simm.s32 $0xFE0;
	[sflag:s0] =	ssyncadd.s32 @!p2 $0xFFFFD800  }
0x51: {  	s7 =	simm.s32 $0x23E0;
	v1 =	vld [tilespmem:s13+$0x0]  }
0x52: {  	v2 =	vld [tilespmem:s7+$0x0];
	_ =	sdelay $0x4  }
0x53: {  	v3 =	vunpack.i.l.bf16.f32 v1;
	v4 =	vunpack.i.l.bf16.f32 v2  }
0x54: {  	v1 =	vunpack.i.u.bf16.f32 v1;
	v2 =	vunpack.i.u.bf16.f32 v2;
	v3 =	vmul.f32 v4, v3  }
0x55: {  	s16 =	simm.s32 $0x6020;
	v1 =	vmul.f32 v2, v1  }
0x56: {  	[tilespmem:s16+$0x0] =	vst v3  }
0x57: {  	[tilespmem:s16+$0x10] =	vst v1  }
0x58: {  	v1 =	vld [tilespmem:s13+$0x10]  }
0x59: {  	v2 =	vld [tilespmem:s7+$0x10];
	_ =	sdelay $0x1  }
0x5a: {  	s3 =	simm.s32 $0x2460  }
0x5b: {  	s5 =	simm.s32 $0x1060;
	v4 =	vld [tilespmem:s3+$0x0]  }
0x5c: {  	v3 =	vld [tilespmem:s5+$0x0]  }
0x5d: {  	v5 =	vld [tilespmem:s7+$0xFFFFFFC0];
	v6 =	vunpack.i.l.bf16.f32 v1;
	v7 =	vunpack.i.l.bf16.f32 v2  }
0x5e: {  	v8 =	vld [tilespmem:s13+$0xFFFFFFC0];
	v1 =	vunpack.i.u.bf16.f32 v1;
	v2 =	vunpack.i.u.bf16.f32 v2;
	v6 =	vmul.f32 v7, v6  }
0x5f: {  	v7 =	vld [tilespmem:s3+$0xFFFFFFC0];
	v1 =	vmul.f32 v2, v1  }
0x60: {  	v2 =	vld [tilespmem:s5+$0xFFFFFFC0];
	[tilespmem:s16+$0x20] =	vst v6  }
0x61: {  	v9 =	vunpack.i.l.bf16.f32 v4;
	v6 =	vunpack.i.l.bf16.f32 v3;
	[tilespmem:s16+$0x30] =	vst v1  }
0x62: {  	v1 =	vunpack.i.u.bf16.f32 v3;
	v3 =	vunpack.i.u.bf16.f32 v4;
	v4 =	vmul.f32 v9, v6;
	v6 =	vld [tilespmem:s13+$0x20]  }
0x63: {  	s11 =	simm.s32 $0x6120;
	v10 =	vunpack.i.l.bf16.f32 v8;
	v9 =	vunpack.i.l.bf16.f32 v5;
	v1 =	vmul.f32 v3, v1;
	v3 =	vld [tilespmem:s7+$0x20]  }
0x64: {  	v8 =	vunpack.i.u.bf16.f32 v8;
	v5 =	vunpack.i.u.bf16.f32 v5;
	v9 =	vmul.f32 v9, v10;
	[tilespmem:s11+$0x0] =	vst v4  }
0x65: {  	v4 =	vmul.f32 v5, v8;
	v5 =	vunpack.i.l.bf16.f32 v7;
	v8 =	vunpack.i.l.bf16.f32 v2;
	[tilespmem:s11+$0x10] =	vst v1  }
0x66: {  	v1 =	vunpack.i.u.bf16.f32 v7;
	v2 =	vunpack.i.u.bf16.f32 v2;
	[tilespmem:s16+$0xFFFFFF80] =	vst v9;
	v5 =	vmul.f32 v5, v8;
	v7 =	vld [tilespmem:s5+$0x10]  }
0x67: {  	s2 =	simm.s32 $0x10E0;
	v1 =	vmul.f32 v1, v2;
	v2 =	vld [tilespmem:s3+$0x10];
	[tilespmem:s16+$0xFFFFFF90] =	vst v4  }
0x68: {  	v12 =	vld [tilespmem:s2+$0xFFFFFFC0];
	[tilespmem:s11+$0xFFFFFF80] =	vst v5;
	v5 =	vunpack.i.l.bf16.f32 v6;
	v8 =	vunpack.i.l.bf16.f32 v3  }
0x69: {  	v4 =	vld [tilespmem:s13+$0xFFFFFFD0];
	[tilespmem:s11+$0xFFFFFF90] =	vst v1;
	v1 =	vunpack.i.u.bf16.f32 v6;
	v3 =	vunpack.i.u.bf16.f32 v3;
	v5 =	vmul.f32 v8, v5  }
0x6a: {  	v9 =	vld [tilespmem:s7+$0xFFFFFFD0];
	v1 =	vmul.f32 v3, v1  }
0x6b: {  	s1 =	simm.s32 $0x24E0;
	v3 =	vld [tilespmem:s2+$0x0];
	[tilespmem:s16+$0x40] =	vst v5  }
0x6c: {  	v5 =	vld [tilespmem:s1+$0x0];
	[tilespmem:s16+$0x50] =	vst v1;
	v1 =	vunpack.i.l.bf16.f32 v7;
	v8 =	vunpack.i.l.bf16.f32 v2  }
0x6d: {  	v6 =	vld [tilespmem:s5+$0xFFFFFFD0];
	v7 =	vunpack.i.u.bf16.f32 v7;
	v2 =	vunpack.i.u.bf16.f32 v2;
	v1 =	vmul.f32 v8, v1  }
0x6e: {  	v10 =	vld [tilespmem:s13+$0x30];
	v2 =	vmul.f32 v2, v7  }
0x6f: {  	v8 =	vld [tilespmem:s1+$0xFFFFFFC0];
	v7 =	vunpack.i.l.bf16.f32 v4;
	v11 =	vunpack.i.l.bf16.f32 v9;
	[tilespmem:s11+$0x20] =	vst v1  }
0x70: {  	v1 =	vunpack.i.u.bf16.f32 v4;
	v4 =	vunpack.i.u.bf16.f32 v9;
	v7 =	vmul.f32 v11, v7;
	v9 =	vld [tilespmem:s7+$0x30];
	[tilespmem:s11+$0x30] =	vst v2  }
0x71: {  	v2 =	vunpack.i.l.bf16.f32 v3;
	v1 =	vmul.f32 v4, v1;
	v11 =	vld [tilespmem:s5+$0x20];
	v4 =	vunpack.i.l.bf16.f32 v5  }
0x72: {  	v3 =	vunpack.i.u.bf16.f32 v3;
	[tilespmem:s16+$0xFFFFFFA0] =	vst v7;
	v5 =	vunpack.i.u.bf16.f32 v5;
	v2 =	vmul.f32 v4, v2;
	v4 =	vld [tilespmem:s3+$0x20]  }
0x73: {  	s15 =	simm.s32 $0x6220;
	[tilespmem:s16+$0xFFFFFFB0] =	vst v1;
	v1 =	vmul.f32 v5, v3  }
0x74: {  	v3 =	vunpack.i.u.bf16.f32 v6;
	v5 =	vld [tilespmem:s3+$0xFFFFFFD0];
	v7 =	vunpack.i.l.bf16.f32 v8;
	[tilespmem:s15+$0x0] =	vst v2;
	v2 =	vunpack.i.l.bf16.f32 v12  }
0x75: {  	v8 =	vunpack.i.u.bf16.f32 v8;
	v13 =	vld [tilespmem:s13+$0xFFFFFFE0];
	v12 =	vunpack.i.u.bf16.f32 v12;
	[tilespmem:s15+$0x10] =	vst v1;
	v1 =	vmul.f32 v7, v2  }
0x76: {  	v2 =	vunpack.i.l.bf16.f32 v6;
	v6 =	vunpack.i.u.bf16.f32 v10;
	v7 =	vmul.f32 v8, v12;
	v8 =	vld [tilespmem:s2+$0x10]  }
0x77: {  	v12 =	vunpack.i.u.bf16.f32 v9;
	v14 =	vunpack.i.l.bf16.f32 v11;
	[tilespmem:s15+$0xFFFFFF80] =	vst v1;
	v1 =	vld [tilespmem:s1+$0x10];
	v15 =	vunpack.i.l.bf16.f32 v4  }
0x78: {  	v16 =	vld [tilespmem:s7+$0xFFFFFFE0];
	[tilespmem:s15+$0xFFFFFF90] =	vst v7;
	v7 =	vunpack.i.u.bf16.f32 v11;
	v4 =	vunpack.i.u.bf16.f32 v4;
	v11 =	vmul.f32 v15, v14  }
0x79: {  	s17 =	simm.s32 $0x1160;
	v9 =	vunpack.i.l.bf16.f32 v9;
	v6 =	vmul.f32 v12, v6;
	v14 =	vld [tilespmem:s2+$0xFFFFFFD0];
	v4 =	vmul.f32 v4, v7  }
0x7a: {  	s0 =	simm.s32 $0x2560;
	v12 =	vunpack.i.u.bf16.f32 v5;
	v5 =	vunpack.i.l.bf16.f32 v5;
	v7 =	vunpack.i.l.bf16.f32 v10;
	v10 =	vld [tilespmem:s17+$0x0];
	[tilespmem:s11+$0x40] =	vst v11  }
0x7b: {  	v3 =	vmul.f32 v12, v3;
	v2 =	vmul.f32 v5, v2;
	v5 =	vunpack.i.u.bf16.f32 v13;
	v11 =	vld [tilespmem:s0+$0x0];
	[tilespmem:s11+$0x50] =	vst v4  }
0x7c: {  	v4 =	vunpack.i.l.bf16.f32 v13;
	v12 =	vunpack.i.l.bf16.f32 v8;
	v15 =	vld [tilespmem:s5+$0x30];
	v13 =	vunpack.i.l.bf16.f32 v1  }
0x7d: {  	[tilespmem:s16+$0x70] =	vst v6;
	v7 =	vmul.f32 v9, v7;
	v6 =	vunpack.i.u.bf16.f32 v8;
	v8 =	vmul.f32 v13, v12;
	v12 =	vld [tilespmem:s3+$0x30]  }
0x7e: {  	[tilespmem:s11+$0xFFFFFFA0] =	vst v2;
	v2 =	vunpack.i.u.bf16.f32 v16;
	v1 =	vunpack.i.u.bf16.f32 v1;
	v13 =	vunpack.i.l.bf16.f32 v16;
	v16 =	vld [tilespmem:s0+$0xFFFFFFC0]  }
0x7f: {  	[tilespmem:s11+$0xFFFFFFB0] =	vst v3;
	v2 =	vmul.f32 v2, v5;
	v1 =	vmul.f32 v1, v6  }
0x80: {  	v5 =	vunpack.i.u.bf16.f32 v14;
	v6 =	vld [tilespmem:s17+$0xFFFFFFC0];
	v9 =	vunpack.i.l.bf16.f32 v10;
	v3 =	vunpack.i.u.bf16.f32 v10;
	[tilespmem:s15+$0x20] =	vst v8  }
0x81: {  	v4 =	vmul.f32 v13, v4;
	v13 =	vld [tilespmem:s1+$0xFFFFFFD0];
	[tilespmem:s15+$0x30] =	vst v1;
	v1 =	vunpack.i.l.bf16.f32 v11;
	v10 =	vunpack.i.u.bf16.f32 v11  }
0x82: {  	[tilespmem:s16+$0xFFFFFFD0] =	vst v2;
	v8 =	vunpack.i.l.bf16.f32 v14;
	v11 =	vld [tilespmem:s2+$0x20];
	v1 =	vmul.f32 v1, v9;
	v3 =	vmul.f32 v10, v3  }
0x83: {  	s12 =	simm.s32 $0x6320;
	[tilespmem:s16+$0xFFFFFFC0] =	vst v4;
	v4 =	vld [tilespmem:s1+$0x20];
	v9 =	vunpack.i.u.bf16.f32 v15;
	v2 =	vunpack.i.u.bf16.f32 v12;
	v10 =	vunpack.i.u.bf16.f32 v16  }
0x84: {  	v14 =	vunpack.i.l.bf16.f32 v16;
	v16 =	vld [tilespmem:s5+$0xFFFFFFE0];
	[tilespmem:s12+$0x10] =	vst v3;
	v3 =	vunpack.i.l.bf16.f32 v15;
	v12 =	vunpack.i.l.bf16.f32 v12  }
0x85: {  	[tilespmem:s12+$0x0] =	vst v1;
	v15 =	vld [tilespmem:s13+$0xFFFFFFF0];
	v1 =	vmul.f32 v2, v9;
	v2 =	vunpack.i.u.bf16.f32 v6;
	v6 =	vunpack.i.l.bf16.f32 v6  }
0x86: {  	v9 =	vld [tilespmem:s3+$0xFFFFFFE0];
	v12 =	vmul.f32 v12, v3;
	v6 =	vmul.f32 v14, v6  }
0x87: {  	v14 =	vunpack.i.u.bf16.f32 v13;
	v2 =	vmul.f32 v10, v2;
	v10 =	vld [tilespmem:s17+$0x10];
	[tilespmem:s11+$0x70] =	vst v1;
	v1 =	vunpack.i.l.bf16.f32 v13  }
0x88: {  	s18 =	simm.s32 $0x25E0;
	v5 =	vmul.f32 v14, v5;
	v13 =	vunpack.i.l.bf16.f32 v11;
	v14 =	vunpack.i.l.bf16.f32 v4;
	[tilespmem:s12+$0xFFFFFF80] =	vst v6;
	v6 =	vld [tilespmem:s0+$0x10]  }
0x89: {  	v17 =	vld [tilespmem:s18+$0x0];
	v4 =	vunpack.i.u.bf16.f32 v4;
	[tilespmem:s12+$0xFFFFFF90] =	vst v2;
	v2 =	vunpack.i.u.bf16.f32 v11;
	v11 =	vmul.f32 v14, v13  }
0x8a: {  	[tilespmem:s16+$0x60] =	vst v7;
	v13 =	vld [tilespmem:s7+$0xFFFFFFF0];
	v7 =	vmul.f32 v1, v8;
	v2 =	vmul.f32 v4, v2  }
0x8b: {  	s13 =	simm.s32 $0x11E0;
	v8 =	vld [tilespmem:s17+$0xFFFFFFD0];
	v14 =	vunpack.i.l.bf16.f32 v16;
	[tilespmem:s15+$0x40] =	vst v11;
	v11 =	vunpack.i.u.bf16.f32 v9;
	v9 =	vunpack.i.l.bf16.f32 v9  }
0x8c: {  	v4 =	vunpack.i.u.bf16.f32 v16;
	v16 =	vld [tilespmem:s13+$0x0];
	v1 =	vunpack.i.u.bf16.f32 v15;
	[tilespmem:s15+$0x50] =	vst v2;
	v2 =	vmul.f32 v9, v14  }
0x8d: {  	[tilespmem:s15+$0xFFFFFFB0] =	vst v5;
	v4 =	vmul.f32 v11, v4;
	v9 =	vunpack.i.l.bf16.f32 v10;
	v14 =	vld [tilespmem:s2+$0x30];
	v11 =	vunpack.i.l.bf16.f32 v6  }
0x8e: {  	[tilespmem:s15+$0xFFFFFFA0] =	vst v7;
	v5 =	vunpack.i.u.bf16.f32 v10;
	v10 =	vld [tilespmem:s1+$0x30];
	v6 =	vunpack.i.u.bf16.f32 v6;
	v9 =	vmul.f32 v11, v9  }
0x8f: {  	v7 =	vunpack.i.l.bf16.f32 v15;
	[tilespmem:s11+$0xFFFFFFC0] =	vst v2;
	v2 =	vunpack.i.u.bf16.f32 v13;
	v11 =	vld [tilespmem:s18+$0xFFFFFFC0];
	v5 =	vmul.f32 v6, v5  }
0x90: {  	v3 =	vunpack.i.l.bf16.f32 v13;
	v15 =	vunpack.i.u.bf16.f32 v8;
	v18 =	vunpack.i.l.bf16.f32 v8;
	v6 =	vld [tilespmem:s13+$0xFFFFFFC0];
	[tilespmem:s12+$0x20] =	vst v9  }
0x91: {  	v13 =	vld [tilespmem:s0+$0xFFFFFFD0];
	v8 =	vunpack.i.l.bf16.f32 v16;
	v3 =	vmul.f32 v3, v7;
	v9 =	vunpack.i.l.bf16.f32 v17;
	[tilespmem:s12+$0x30] =	vst v5  }
0x92: {  	[tilespmem:s11+$0xFFFFFFD0] =	vst v4;
	v4 =	vunpack.i.u.bf16.f32 v16;
	v5 =	vunpack.i.u.bf16.f32 v17;
	v7 =	vmul.f32 v9, v8;
	v16 =	vld [tilespmem:s17+$0x20]  }
0x93: {  	s7 =	simm.s32 $0x6420;
	[tilespmem:s16+$0xFFFFFFE0] =	vst v3;
	v4 =	vmul.f32 v5, v4;
	v17 =	vld [tilespmem:s0+$0x20];
	v5 =	vunpack.i.u.bf16.f32 v14;
	v8 =	vunpack.i.u.bf16.f32 v10  }
0x94: {  	v19 =	vld [tilespmem:s2+$0xFFFFFFE0];
	v3 =	vunpack.i.l.bf16.f32 v14;
	v5 =	vmul.f32 v8, v5;
	v9 =	vunpack.i.u.bf16.f32 v11;
	[tilespmem:s7+$0x0] =	vst v7  }
0x95: {  	v11 =	vunpack.i.l.bf16.f32 v11;
	v8 =	vunpack.i.u.bf16.f32 v6;
	v6 =	vunpack.i.l.bf16.f32 v6;
	[tilespmem:s7+$0x10] =	vst v4;
	v7 =	vld [tilespmem:s1+$0xFFFFFFE0]  }
0x96: {  	v4 =	vunpack.i.u.bf16.f32 v13;
	v13 =	vunpack.i.l.bf16.f32 v13;
	v6 =	vmul.f32 v11, v6;
	[tilespmem:s15+$0x70] =	vst v5;
	v5 =	vld [tilespmem:s5+$0xFFFFFFF0]  }
0x97: {  	[tilespmem:s11+$0x60] =	vst v12;
	v11 =	vmul.f32 v9, v8;
	v9 =	vld [tilespmem:s13+$0x10];
	v8 =	vmul.f32 v4, v15;
	v4 =	vunpack.i.l.bf16.f32 v10  }
0x98: {  	v10 =	vld [tilespmem:s18+$0x10];
	v12 =	vmul.f32 v13, v18;
	[tilespmem:s7+$0xFFFFFF80] =	vst v6;
	v6 =	vunpack.i.l.bf16.f32 v16;
	v13 =	vunpack.i.l.bf16.f32 v17  }
0x99: {  	[tilespmem:s7+$0xFFFFFF90] =	vst v11;
	v15 =	vunpack.i.u.bf16.f32 v16;
	v16 =	vunpack.i.u.bf16.f32 v17;
	v14 =	vmul.f32 v13, v6;
	v6 =	vld [tilespmem:s3+$0xFFFFFFF0]  }
0x9a: {  	s19 =	simm.s32 $0x1260;
	s5 =	simm.s32 $0x8;
	[tilespmem:s12+$0xFFFFFFA0] =	vst v12;
	v12 =	vunpack.i.u.bf16.f32 v19;
	v11 =	vld [tilespmem:s13+$0xFFFFFFD0];
	v15 =	vmul.f32 v16, v15;
	v13 =	vunpack.i.l.bf16.f32 v19;
	s3 =	simm.s32 $0x25E0  }
.LBB2_7:
0x9b: {  	v16 =	vld [tilespmem:s19+$0x0];
	s18 =	sadd.s32 $0x80, s18;
	[tilespmem:s12+$0x40] =	vst v14;
	v14 =	vunpack.i.u.bf16.f32 v7;
	v7 =	vunpack.i.l.bf16.f32 v7;
	v17 =	vunpack.i.u.bf16.f32 v5  }
0x9c: {  	v5 =	vunpack.i.l.bf16.f32 v5;
	v18 =	vld [tilespmem:s18+$0x0];
	[tilespmem:s12+$0x50] =	vst v15;
	v7 =	vmul.f32 v7, v13;
	v12 =	vmul.f32 v14, v12  }
0x9d: {  	v13 =	vunpack.i.l.bf16.f32 v9;
	v15 =	vmul.f32 v2, v1;
	v1 =	vmovc v17;
	v14 =	vunpack.i.l.bf16.f32 v10;
	[tilespmem:s12+$0xFFFFFFB0] =	vst v8;
	v8 =	vld [tilespmem:s17+$0x30]  }
0x9e: {  	v2 =	vunpack.i.u.bf16.f32 v9;
	v9 =	vunpack.i.u.bf16.f32 v10;
	v10 =	vmul.f32 v14, v13;
	v13 =	vld [tilespmem:s0+$0x30];
	[tilespmem:s15+$0xFFFFFFC0] =	vst v7  }
0x9f: {  	v9 =	vmul.f32 v9, v2;
	v7 =	vld [tilespmem:s18+$0xFFFFFFC0];
	v14 =	vunpack.i.u.bf16.f32 v11;
	v11 =	vunpack.i.l.bf16.f32 v11;
	[tilespmem:s15+$0xFFFFFFD0] =	vst v12  }
0xa0: {  	v2 =	vunpack.i.u.bf16.f32 v6;
	v12 =	vld [tilespmem:s19+$0xFFFFFFC0];
	[tilespmem:s7+$0x20] =	vst v10;
	v10 =	vmul.f32 v4, v3;
	v3 =	vunpack.i.l.bf16.f32 v6  }
0xa1: {  	v4 =	vunpack.i.l.bf16.f32 v16;
	v6 =	vunpack.i.l.bf16.f32 v18;
	v17 =	vld [tilespmem:s3+$0xFFFFFFD0];
	[tilespmem:s7+$0x30] =	vst v9;
	v3 =	vmul.f32 v3, v5  }
0xa2: {  	v5 =	vunpack.i.u.bf16.f32 v16;
	v9 =	vunpack.i.u.bf16.f32 v18;
	v4 =	vmul.f32 v6, v4;
	v6 =	vld [tilespmem:s13+$0x20];
	[tilespmem:s16+$0xFFFFFFF0] =	vst v15;
	s16 =	smov.u32 s11;
	s11 =	smov.u32 s15;
	s15 =	smov.u32 s12  }
0xa3: {  	s5 =	sadd.s32 $0x2, s5;
	v5 =	vmul.f32 v9, v5;
	v9 =	vunpack.i.u.bf16.f32 v8;
	s12 =	smov.u32 s7;
	s7 =	sadd.s32 $0x100, s7;
	v15 =	vld [tilespmem:s3+$0x20];
	v16 =	vunpack.i.u.bf16.f32 v13;
	[tilespmem:s16+$0xFFFFFFE0] =	vst v3  }
0xa4: {  	p3 =	slt.u32 s5, $0x4E;
	v18 =	vunpack.i.u.bf16.f32 v7;
	v19 =	vunpack.i.l.bf16.f32 v7;
	[tilespmem:s7+$0x0] =	vst v4;
	v20 =	vld [tilespmem:s17+$0xFFFFFFE0];
	v4 =	vmul.f32 v16, v9  }
0xa5: {  	v3 =	vunpack.i.l.bf16.f32 v8;
	v9 =	vunpack.i.u.bf16.f32 v12;
	v12 =	vunpack.i.l.bf16.f32 v12;
	[tilespmem:s7+$0x10] =	vst v5;
	v7 =	vld [tilespmem:s0+$0xFFFFFFE0]  }
.Ltmp1:
0xa6: {  	v12 =	vmul.f32 v19, v12;
	v16 =	vmul.f32 v18, v9;
	v8 =	vunpack.i.u.bf16.f32 v17;
	[tilespmem:s15+$0x70] =	vst v4;
	v5 =	vld [tilespmem:s2+$0xFFFFFFF0];
	s2 =	smov.u32 s17;
	s17 =	smov.u32 s13;
	(pc) =	sbr.rel @p3 .LBB2_7-.Ltmp1, $4  }
0xa7: {  	v17 =	vunpack.i.l.bf16.f32 v17;
	v4 =	vunpack.i.l.bf16.f32 v13;
	s13 =	smov.u32 s19;
	v9 =	vld [tilespmem:s19+$0x10];
	v8 =	vmul.f32 v8, v14;
	[tilespmem:s11+$0x60] =	vst v10  }
0xa8: {  	[tilespmem:s7+$0xFFFFFF80] =	vst v12;
	v10 =	vld [tilespmem:s18+$0x10];
	v12 =	vmul.f32 v17, v11;
	v11 =	vunpack.i.l.bf16.f32 v6;
	v13 =	vunpack.i.l.bf16.f32 v15  }
0xa9: {  	v15 =	vunpack.i.u.bf16.f32 v15;
	[tilespmem:s7+$0xFFFFFF90] =	vst v16;
	v16 =	vunpack.i.u.bf16.f32 v6;
	v14 =	vmul.f32 v13, v11;
	v6 =	vld [tilespmem:s1+$0xFFFFFFF0];
	s1 =	smov.u32 s0;
	s0 =	smov.u32 s3;
	s3 =	smov.u32 s18  }
0xaa: {  	s19 =	sadd.s32 $0x80, s19;
	v13 =	vunpack.i.l.bf16.f32 v20;
	v11 =	vld [tilespmem:s13+$0xFFFFFFD0];
	[tilespmem:s12+$0xFFFFFFA0] =	vst v12;
	v15 =	vmul.f32 v15, v16;
	v12 =	vunpack.i.u.bf16.f32 v20  }
0xab: {  	_ =	sdelay $0x1  }
0xac: {  	v16 =	vunpack.i.l.bf16.f32 v9;
	v17 =	vunpack.i.l.bf16.f32 v10  }
0xad: {  	v9 =	vunpack.i.u.bf16.f32 v9;
	v10 =	vunpack.i.u.bf16.f32 v10;
	v16 =	vmul.f32 v17, v16;
	v17 =	vld [tilespmem:s3+$0xFFFFFFD0]  }
0xae: {  	v9 =	vmul.f32 v10, v9  }
0xaf: {  	[tilespmem:s7+$0x20] =	vst v16  }
0xb0: {  	[tilespmem:s7+$0x30] =	vst v9  }
0xb1: {  	[tilespmem:s12+$0x40] =	vst v14;
	v9 =	vld [tilespmem:s13+$0x20]  }
0xb2: {  	[tilespmem:s12+$0x50] =	vst v15;
	v10 =	vunpack.i.l.bf16.f32 v11;
	v14 =	vld [tilespmem:s3+$0x20];
	v15 =	vunpack.i.l.bf16.f32 v17  }
0xb3: {  	[tilespmem:s12+$0xFFFFFFB0] =	vst v8;
	v8 =	vld [tilespmem:s17+$0x30];
	v11 =	vunpack.i.u.bf16.f32 v11;
	v16 =	vunpack.i.u.bf16.f32 v17;
	v10 =	vmul.f32 v15, v10  }
0xb4: {  	v17 =	vld [tilespmem:s17+$0xFFFFFFE0];
	v15 =	vunpack.i.l.bf16.f32 v7;
	v11 =	vmul.f32 v16, v11  }
0xb5: {  	v1 =	vmul.f32 v2, v1;
	v7 =	vunpack.i.u.bf16.f32 v7;
	v13 =	vmul.f32 v15, v13;
	v15 =	vld [tilespmem:s0+$0xFFFFFFE0];
	[tilespmem:s7+$0xFFFFFFA0] =	vst v10  }
0xb6: {  	v7 =	vmul.f32 v7, v12;
	v10 =	vld [tilespmem:s0+$0x30];
	[tilespmem:s7+$0xFFFFFFB0] =	vst v11  }
0xb7: {  	[tilespmem:s16+$0xFFFFFFF0] =	vst v1;
	v2 =	vunpack.i.l.bf16.f32 v9;
	v11 =	vunpack.i.l.bf16.f32 v14;
	v12 =	vld [tilespmem:s13+$0xFFFFFFE0]  }
0xb8: {  	[tilespmem:s15+$0xFFFFFFD0] =	vst v7;
	v7 =	vunpack.i.u.bf16.f32 v9;
	v9 =	vunpack.i.u.bf16.f32 v14;
	v2 =	vmul.f32 v11, v2;
	v11 =	vld [tilespmem:s3+$0xFFFFFFE0]  }
0xb9: {  	[tilespmem:s15+$0xFFFFFFC0] =	vst v13;
	v13 =	vunpack.i.l.bf16.f32 v5;
	v14 =	vunpack.i.l.bf16.f32 v6;
	v1 =	vmul.f32 v9, v7  }
0xba: {  	v7 =	vmul.f32 v14, v13;
	v9 =	vld [tilespmem:s2+$0xFFFFFFF0];
	v13 =	vunpack.i.l.bf16.f32 v17;
	[tilespmem:s7+$0x40] =	vst v2;
	v2 =	vunpack.i.l.bf16.f32 v15  }
0xbb: {  	v14 =	vld [tilespmem:s1+$0xFFFFFFF0];
	v16 =	vunpack.i.u.bf16.f32 v17;
	v15 =	vunpack.i.u.bf16.f32 v15;
	[tilespmem:s7+$0x50] =	vst v1;
	v1 =	vmul.f32 v2, v13  }
0xbc: {  	[tilespmem:s11+$0xFFFFFFE0] =	vst v7;
	v2 =	vunpack.i.u.bf16.f32 v8;
	v13 =	vunpack.i.u.bf16.f32 v10;
	v7 =	vmul.f32 v15, v16;
	v15 =	vld [tilespmem:s13+$0x30]  }
0xbd: {  	v2 =	vmul.f32 v13, v2;
	v13 =	vld [tilespmem:s3+$0x30];
	v16 =	vunpack.i.l.bf16.f32 v11;
	[tilespmem:s12+$0xFFFFFFC0] =	vst v1;
	v1 =	vunpack.i.l.bf16.f32 v12  }
0xbe: {  	v11 =	vunpack.i.u.bf16.f32 v11;
	[tilespmem:s12+$0xFFFFFFD0] =	vst v7;
	v7 =	vunpack.i.u.bf16.f32 v12;
	v1 =	vmul.f32 v16, v1  }
0xbf: {  	[tilespmem:s12+$0x70] =	vst v2;
	v2 =	vld [tilespmem:s17+$0xFFFFFFF0];
	v7 =	vmul.f32 v11, v7  }
0xc0: {  	v3 =	vmul.f32 v4, v3;
	v4 =	vunpack.i.u.bf16.f32 v6;
	v5 =	vunpack.i.u.bf16.f32 v5;
	v6 =	vld [tilespmem:s0+$0xFFFFFFF0];
	[tilespmem:s7+$0xFFFFFFC0] =	vst v1  }
0xc1: {  	v4 =	vmul.f32 v4, v5;
	v5 =	vunpack.i.l.bf16.f32 v14;
	v1 =	vunpack.i.l.bf16.f32 v9;
	[tilespmem:s7+$0xFFFFFFD0] =	vst v7  }
0xc2: {  	[tilespmem:s15+$0x60] =	vst v3;
	v3 =	vunpack.i.u.bf16.f32 v15;
	v1 =	vmul.f32 v5, v1;
	v5 =	vunpack.i.u.bf16.f32 v13;
	v7 =	vld [tilespmem:s13+$0xFFFFFFF0]  }
0xc3: {  	[tilespmem:s11+$0xFFFFFFF0] =	vst v4;
	v8 =	vunpack.i.l.bf16.f32 v8;
	v10 =	vunpack.i.l.bf16.f32 v10;
	v4 =	vld [tilespmem:s3+$0xFFFFFFF0];
	v3 =	vmul.f32 v5, v3  }
0xc4: {  	v8 =	vmul.f32 v10, v8;
	v5 =	vunpack.i.u.bf16.f32 v9;
	v9 =	vunpack.i.u.bf16.f32 v14;
	[tilespmem:s15+$0xFFFFFFE0] =	vst v1  }
0xc5: {  	v1 =	vunpack.i.l.bf16.f32 v2;
	[tilespmem:s7+$0x70] =	vst v3;
	v3 =	vmul.f32 v9, v5;
	v5 =	vunpack.i.l.bf16.f32 v6  }
0xc6: {  	[tilespmem:s12+$0x60] =	vst v8;
	v10 =	vunpack.i.l.bf16.f32 v13;
	v9 =	vunpack.i.l.bf16.f32 v15;
	v1 =	vmul.f32 v5, v1  }
0xc7: {  	v2 =	vunpack.i.u.bf16.f32 v2;
	v6 =	vunpack.i.u.bf16.f32 v6;
	v5 =	vmul.f32 v10, v9;
	[tilespmem:s15+$0xFFFFFFF0] =	vst v3  }
0xc8: {  	v2 =	vmul.f32 v6, v2;
	v3 =	vunpack.i.l.bf16.f32 v4;
	[tilespmem:s12+$0xFFFFFFE0] =	vst v1;
	v1 =	vunpack.i.l.bf16.f32 v7  }
0xc9: {  	s1 =	smul.u32 $0x280, s14;
	v4 =	vunpack.i.u.bf16.f32 v4;
	[tilespmem:s7+$0x60] =	vst v5;
	v5 =	vunpack.i.u.bf16.f32 v7;
	v1 =	vmul.f32 v3, v1  }
0xca: {  	s11 =	smul.u32 $0xA0, s14;
	[tilespmem:s12+$0xFFFFFFF0] =	vst v2;
	v2 =	vmul.f32 v4, v5  }
0xcb: {  	s17 =	sshra.s32 s1, $0x2;
	[tilespmem:s7+$0xFFFFFFE0] =	vst v1  }
0xcc: {  	s2 =	sadd.s32 $0xA0, s11;
	s0 =	sadd.s32 $0x7D0, s17;
	[tilespmem:s7+$0xFFFFFFF0] =	vst v2  }
0xcd: {  	[spmem:s4] =	stream.indirect.scatter.add.f32 [tilespmem:s28], [sflag:$0x3], $0x80, s0, s20, $0xb8;
	[tilespmem:$0x1E820] =	vst v63  }
0xce: {  	s0 =	sadd.s32 s25, s2  }
0xcf: {  	s0 =	sshll.u32 s0, $0x3  }
0xd0: {  	[tilespmem:s21], [sflag:$0x1] =	stream.indirect.gather [hbm4b:s9+s20], $0x40, s2, s20, $0xb8;
	[tilespmem:$0x1E820] =	vst v63  }
0xd1: {  	s0 =	sand.u32 $0x1FFFFF80, s0  }
0xd2: {  	s0 =	sadd.s32 s10, s0  }
0xd3: {  	[tilespmem:s22], [sflag:$0x1] =	stream.linear.gather [hbm4b:s0+s6], $0x1400, $0x38;
	[tilespmem:$0x1E820] =	vst v63  }
0xd4: {  	_ =	swait.ge [sflag:s29], $0x1400  }
0xd5: {  	[sflag:s29] =	ssyncset.done $0x0  }
0xd6: {  	[sflag:s29] =	ssyncadd.s32 $0xFFFFEC00  }
0xd7: {  	_ =	swait.ge [sflag:s29], $0x1400  }
0xd8: {  	[sflag:s29] =	ssyncset.done $0x0  }
0xd9: {  	s0 =	simm.s32 @!p2 $0x4;
	[sflag:s29] =	ssyncadd.s32 $0xFFFFEC00  }
0xda: {  	_ =	swait.ge @!p2 [sflag:s0], $0x2800  }
0xdb: {  	[sflag:s0] =	ssyncset.done @!p2 $0x0  }
0xdc: {  	s3 =	simm.s32 $0x37E0;
	[sflag:s0] =	ssyncadd.s32 @!p2 $0xFFFFD800  }
0xdd: {  	s8 =	simm.s32 $0x4BE0;
	v1 =	vld [tilespmem:s3+$0x0]  }
0xde: {  	v2 =	vld [tilespmem:s8+$0x0];
	_ =	sdelay $0x4  }
0xdf: {  	v3 =	vunpack.i.l.bf16.f32 v1;
	v4 =	vunpack.i.l.bf16.f32 v2  }
0xe0: {  	v1 =	vunpack.i.u.bf16.f32 v1;
	v2 =	vunpack.i.u.bf16.f32 v2;
	v3 =	vmul.f32 v4, v3  }
0xe1: {  	s15 =	simm.s32 $0x8820;
	v1 =	vmul.f32 v2, v1  }
0xe2: {  	[tilespmem:s15+$0x0] =	vst v3  }
0xe3: {  	[tilespmem:s15+$0x10] =	vst v1  }
0xe4: {  	v1 =	vld [tilespmem:s3+$0x10]  }
0xe5: {  	v2 =	vld [tilespmem:s8+$0x10];
	_ =	sdelay $0x1  }
0xe6: {  	s5 =	simm.s32 $0x4C60  }
0xe7: {  	s18 =	simm.s32 $0x3860;
	v4 =	vld [tilespmem:s5+$0x0]  }
0xe8: {  	v3 =	vld [tilespmem:s18+$0x0]  }
0xe9: {  	v5 =	vld [tilespmem:s8+$0xFFFFFFC0];
	v6 =	vunpack.i.l.bf16.f32 v1;
	v7 =	vunpack.i.l.bf16.f32 v2  }
0xea: {  	v8 =	vld [tilespmem:s3+$0xFFFFFFC0];
	v1 =	vunpack.i.u.bf16.f32 v1;
	v2 =	vunpack.i.u.bf16.f32 v2;
	v6 =	vmul.f32 v7, v6  }
0xeb: {  	v7 =	vld [tilespmem:s5+$0xFFFFFFC0];
	v1 =	vmul.f32 v2, v1  }
0xec: {  	v2 =	vld [tilespmem:s18+$0xFFFFFFC0];
	[tilespmem:s15+$0x20] =	vst v6  }
0xed: {  	v9 =	vunpack.i.l.bf16.f32 v4;
	v6 =	vunpack.i.l.bf16.f32 v3;
	[tilespmem:s15+$0x30] =	vst v1  }
0xee: {  	v1 =	vunpack.i.u.bf16.f32 v3;
	v3 =	vunpack.i.u.bf16.f32 v4;
	v4 =	vmul.f32 v9, v6;
	v6 =	vld [tilespmem:s3+$0x20]  }
0xef: {  	s16 =	simm.s32 $0x8920;
	v10 =	vunpack.i.l.bf16.f32 v8;
	v9 =	vunpack.i.l.bf16.f32 v5;
	v1 =	vmul.f32 v3, v1;
	v3 =	vld [tilespmem:s8+$0x20]  }
0xf0: {  	v8 =	vunpack.i.u.bf16.f32 v8;
	v5 =	vunpack.i.u.bf16.f32 v5;
	v9 =	vmul.f32 v9, v10;
	[tilespmem:s16+$0x0] =	vst v4  }
0xf1: {  	v4 =	vmul.f32 v5, v8;
	v5 =	vunpack.i.l.bf16.f32 v7;
	v8 =	vunpack.i.l.bf16.f32 v2;
	[tilespmem:s16+$0x10] =	vst v1  }
0xf2: {  	v1 =	vunpack.i.u.bf16.f32 v7;
	v2 =	vunpack.i.u.bf16.f32 v2;
	[tilespmem:s15+$0xFFFFFF80] =	vst v9;
	v5 =	vmul.f32 v5, v8;
	v7 =	vld [tilespmem:s18+$0x10]  }
0xf3: {  	s19 =	simm.s32 $0x38E0;
	v1 =	vmul.f32 v1, v2;
	v2 =	vld [tilespmem:s5+$0x10];
	[tilespmem:s15+$0xFFFFFF90] =	vst v4  }
0xf4: {  	v12 =	vld [tilespmem:s19+$0xFFFFFFC0];
	[tilespmem:s16+$0xFFFFFF80] =	vst v5;
	v5 =	vunpack.i.l.bf16.f32 v6;
	v8 =	vunpack.i.l.bf16.f32 v3  }
0xf5: {  	v4 =	vld [tilespmem:s3+$0xFFFFFFD0];
	[tilespmem:s16+$0xFFFFFF90] =	vst v1;
	v1 =	vunpack.i.u.bf16.f32 v6;
	v3 =	vunpack.i.u.bf16.f32 v3;
	v5 =	vmul.f32 v8, v5  }
0xf6: {  	v9 =	vld [tilespmem:s8+$0xFFFFFFD0];
	v1 =	vmul.f32 v3, v1  }
0xf7: {  	s2 =	simm.s32 $0x4CE0;
	v3 =	vld [tilespmem:s19+$0x0];
	[tilespmem:s15+$0x40] =	vst v5  }
0xf8: {  	v5 =	vld [tilespmem:s2+$0x0];
	[tilespmem:s15+$0x50] =	vst v1;
	v1 =	vunpack.i.l.bf16.f32 v7;
	v8 =	vunpack.i.l.bf16.f32 v2  }
0xf9: {  	v6 =	vld [tilespmem:s18+$0xFFFFFFD0];
	v7 =	vunpack.i.u.bf16.f32 v7;
	v2 =	vunpack.i.u.bf16.f32 v2;
	v1 =	vmul.f32 v8, v1  }
0xfa: {  	v10 =	vld [tilespmem:s3+$0x30];
	v2 =	vmul.f32 v2, v7  }
0xfb: {  	v8 =	vld [tilespmem:s2+$0xFFFFFFC0];
	v7 =	vunpack.i.l.bf16.f32 v4;
	v11 =	vunpack.i.l.bf16.f32 v9;
	[tilespmem:s16+$0x20] =	vst v1  }
0xfc: {  	v1 =	vunpack.i.u.bf16.f32 v4;
	v4 =	vunpack.i.u.bf16.f32 v9;
	v7 =	vmul.f32 v11, v7;
	v9 =	vld [tilespmem:s8+$0x30];
	[tilespmem:s16+$0x30] =	vst v2  }
0xfd: {  	v2 =	vunpack.i.l.bf16.f32 v3;
	v1 =	vmul.f32 v4, v1;
	v11 =	vld [tilespmem:s18+$0x20];
	v4 =	vunpack.i.l.bf16.f32 v5  }
0xfe: {  	v3 =	vunpack.i.u.bf16.f32 v3;
	[tilespmem:s15+$0xFFFFFFA0] =	vst v7;
	v5 =	vunpack.i.u.bf16.f32 v5;
	v2 =	vmul.f32 v4, v2;
	v4 =	vld [tilespmem:s5+$0x20]  }
0xff: {  	s1 =	simm.s32 $0x8A20;
	[tilespmem:s15+$0xFFFFFFB0] =	vst v1;
	v1 =	vmul.f32 v5, v3  }
0x100: {  	v3 =	vunpack.i.u.bf16.f32 v6;
	v5 =	vld [tilespmem:s5+$0xFFFFFFD0];
	v7 =	vunpack.i.l.bf16.f32 v8;
	[tilespmem:s1+$0x0] =	vst v2;
	v2 =	vunpack.i.l.bf16.f32 v12  }
0x101: {  	v8 =	vunpack.i.u.bf16.f32 v8;
	v13 =	vld [tilespmem:s3+$0xFFFFFFE0];
	v12 =	vunpack.i.u.bf16.f32 v12;
	[tilespmem:s1+$0x10] =	vst v1;
	v1 =	vmul.f32 v7, v2  }
0x102: {  	v2 =	vunpack.i.l.bf16.f32 v6;
	v6 =	vunpack.i.u.bf16.f32 v10;
	v7 =	vmul.f32 v8, v12;
	v8 =	vld [tilespmem:s19+$0x10]  }
0x103: {  	v12 =	vunpack.i.u.bf16.f32 v9;
	v14 =	vunpack.i.l.bf16.f32 v11;
	[tilespmem:s1+$0xFFFFFF80] =	vst v1;
	v1 =	vld [tilespmem:s2+$0x10];
	v15 =	vunpack.i.l.bf16.f32 v4  }
0x104: {  	v16 =	vld [tilespmem:s8+$0xFFFFFFE0];
	[tilespmem:s1+$0xFFFFFF90] =	vst v7;
	v7 =	vunpack.i.u.bf16.f32 v11;
	v4 =	vunpack.i.u.bf16.f32 v4;
	v11 =	vmul.f32 v15, v14  }
0x105: {  	s0 =	simm.s32 $0x3960;
	v9 =	vunpack.i.l.bf16.f32 v9;
	v6 =	vmul.f32 v12, v6;
	v14 =	vld [tilespmem:s19+$0xFFFFFFD0];
	v4 =	vmul.f32 v4, v7  }
0x106: {  	s12 =	simm.s32 $0x4D60;
	v12 =	vunpack.i.u.bf16.f32 v5;
	v5 =	vunpack.i.l.bf16.f32 v5;
	v7 =	vunpack.i.l.bf16.f32 v10;
	v10 =	vld [tilespmem:s0+$0x0];
	[tilespmem:s16+$0x40] =	vst v11  }
0x107: {  	v3 =	vmul.f32 v12, v3;
	v2 =	vmul.f32 v5, v2;
	v5 =	vunpack.i.u.bf16.f32 v13;
	v11 =	vld [tilespmem:s12+$0x0];
	[tilespmem:s16+$0x50] =	vst v4  }
0x108: {  	v4 =	vunpack.i.l.bf16.f32 v13;
	v12 =	vunpack.i.l.bf16.f32 v8;
	v15 =	vld [tilespmem:s18+$0x30];
	v13 =	vunpack.i.l.bf16.f32 v1  }
0x109: {  	[tilespmem:s15+$0x70] =	vst v6;
	v7 =	vmul.f32 v9, v7;
	v6 =	vunpack.i.u.bf16.f32 v8;
	v8 =	vmul.f32 v13, v12;
	v12 =	vld [tilespmem:s5+$0x30]  }
0x10a: {  	[tilespmem:s16+$0xFFFFFFA0] =	vst v2;
	v2 =	vunpack.i.u.bf16.f32 v16;
	v1 =	vunpack.i.u.bf16.f32 v1;
	v13 =	vunpack.i.l.bf16.f32 v16;
	v16 =	vld [tilespmem:s12+$0xFFFFFFC0]  }
0x10b: {  	[tilespmem:s16+$0xFFFFFFB0] =	vst v3;
	v2 =	vmul.f32 v2, v5;
	v1 =	vmul.f32 v1, v6  }
0x10c: {  	v5 =	vunpack.i.u.bf16.f32 v14;
	v6 =	vld [tilespmem:s0+$0xFFFFFFC0];
	v9 =	vunpack.i.l.bf16.f32 v10;
	v3 =	vunpack.i.u.bf16.f32 v10;
	[tilespmem:s1+$0x20] =	vst v8  }
0x10d: {  	v4 =	vmul.f32 v13, v4;
	v13 =	vld [tilespmem:s2+$0xFFFFFFD0];
	[tilespmem:s1+$0x30] =	vst v1;
	v1 =	vunpack.i.l.bf16.f32 v11;
	v10 =	vunpack.i.u.bf16.f32 v11  }
0x10e: {  	[tilespmem:s15+$0xFFFFFFD0] =	vst v2;
	v8 =	vunpack.i.l.bf16.f32 v14;
	v11 =	vld [tilespmem:s19+$0x20];
	v1 =	vmul.f32 v1, v9;
	v3 =	vmul.f32 v10, v3  }
0x10f: {  	s13 =	simm.s32 $0x8B20;
	[tilespmem:s15+$0xFFFFFFC0] =	vst v4;
	v4 =	vld [tilespmem:s2+$0x20];
	v9 =	vunpack.i.u.bf16.f32 v15;
	v2 =	vunpack.i.u.bf16.f32 v12;
	v10 =	vunpack.i.u.bf16.f32 v16  }
0x110: {  	v14 =	vunpack.i.l.bf16.f32 v16;
	v16 =	vld [tilespmem:s18+$0xFFFFFFE0];
	[tilespmem:s13+$0x10] =	vst v3;
	v3 =	vunpack.i.l.bf16.f32 v15;
	v12 =	vunpack.i.l.bf16.f32 v12  }
0x111: {  	[tilespmem:s13+$0x0] =	vst v1;
	v15 =	vld [tilespmem:s3+$0xFFFFFFF0];
	v1 =	vmul.f32 v2, v9;
	v2 =	vunpack.i.u.bf16.f32 v6;
	v6 =	vunpack.i.l.bf16.f32 v6  }
0x112: {  	v9 =	vld [tilespmem:s5+$0xFFFFFFE0];
	v12 =	vmul.f32 v12, v3;
	v6 =	vmul.f32 v14, v6  }
0x113: {  	v14 =	vunpack.i.u.bf16.f32 v13;
	v2 =	vmul.f32 v10, v2;
	v10 =	vld [tilespmem:s0+$0x10];
	[tilespmem:s16+$0x70] =	vst v1;
	v1 =	vunpack.i.l.bf16.f32 v13  }
0x114: {  	s31 =	simm.s32 $0x4DE0;
	v5 =	vmul.f32 v14, v5;
	v13 =	vunpack.i.l.bf16.f32 v11;
	v14 =	vunpack.i.l.bf16.f32 v4;
	[tilespmem:s13+$0xFFFFFF80] =	vst v6;
	v6 =	vld [tilespmem:s12+$0x10]  }
0x115: {  	v17 =	vld [tilespmem:s31+$0x0];
	v4 =	vunpack.i.u.bf16.f32 v4;
	[tilespmem:s13+$0xFFFFFF90] =	vst v2;
	v2 =	vunpack.i.u.bf16.f32 v11;
	v11 =	vmul.f32 v14, v13  }
0x116: {  	[tilespmem:s15+$0x60] =	vst v7;
	v13 =	vld [tilespmem:s8+$0xFFFFFFF0];
	v7 =	vmul.f32 v1, v8;
	v2 =	vmul.f32 v4, v2  }
0x117: {  	s7 =	simm.s32 $0x39E0;
	v8 =	vld [tilespmem:s0+$0xFFFFFFD0];
	v14 =	vunpack.i.l.bf16.f32 v16;
	[tilespmem:s1+$0x40] =	vst v11;
	v11 =	vunpack.i.u.bf16.f32 v9;
	v9 =	vunpack.i.l.bf16.f32 v9  }
0x118: {  	v4 =	vunpack.i.u.bf16.f32 v16;
	v16 =	vld [tilespmem:s7+$0x0];
	v1 =	vunpack.i.u.bf16.f32 v15;
	[tilespmem:s1+$0x50] =	vst v2;
	v2 =	vmul.f32 v9, v14  }
0x119: {  	[tilespmem:s1+$0xFFFFFFB0] =	vst v5;
	v4 =	vmul.f32 v11, v4;
	v9 =	vunpack.i.l.bf16.f32 v10;
	v14 =	vld [tilespmem:s19+$0x30];
	v11 =	vunpack.i.l.bf16.f32 v6  }
0x11a: {  	[tilespmem:s1+$0xFFFFFFA0] =	vst v7;
	v5 =	vunpack.i.u.bf16.f32 v10;
	v10 =	vld [tilespmem:s2+$0x30];
	v6 =	vunpack.i.u.bf16.f32 v6;
	v9 =	vmul.f32 v11, v9  }
0x11b: {  	v7 =	vunpack.i.l.bf16.f32 v15;
	[tilespmem:s16+$0xFFFFFFC0] =	vst v2;
	v2 =	vunpack.i.u.bf16.f32 v13;
	v11 =	vld [tilespmem:s31+$0xFFFFFFC0];
	v5 =	vmul.f32 v6, v5  }
0x11c: {  	v3 =	vunpack.i.l.bf16.f32 v13;
	v15 =	vunpack.i.u.bf16.f32 v8;
	v18 =	vunpack.i.l.bf16.f32 v8;
	v6 =	vld [tilespmem:s7+$0xFFFFFFC0];
	[tilespmem:s13+$0x20] =	vst v9  }
0x11d: {  	v13 =	vld [tilespmem:s12+$0xFFFFFFD0];
	v8 =	vunpack.i.l.bf16.f32 v16;
	v3 =	vmul.f32 v3, v7;
	v9 =	vunpack.i.l.bf16.f32 v17;
	[tilespmem:s13+$0x30] =	vst v5  }
0x11e: {  	[tilespmem:s16+$0xFFFFFFD0] =	vst v4;
	v4 =	vunpack.i.u.bf16.f32 v16;
	v5 =	vunpack.i.u.bf16.f32 v17;
	v7 =	vmul.f32 v9, v8;
	v16 =	vld [tilespmem:s0+$0x20]  }
0x11f: {  	s3 =	simm.s32 $0x8C20;
	[tilespmem:s15+$0xFFFFFFE0] =	vst v3;
	v4 =	vmul.f32 v5, v4;
	v17 =	vld [tilespmem:s12+$0x20];
	v5 =	vunpack.i.u.bf16.f32 v14;
	v8 =	vunpack.i.u.bf16.f32 v10  }
0x120: {  	v19 =	vld [tilespmem:s19+$0xFFFFFFE0];
	v3 =	vunpack.i.l.bf16.f32 v14;
	v5 =	vmul.f32 v8, v5;
	v9 =	vunpack.i.u.bf16.f32 v11;
	[tilespmem:s3+$0x0] =	vst v7  }
0x121: {  	v11 =	vunpack.i.l.bf16.f32 v11;
	v8 =	vunpack.i.u.bf16.f32 v6;
	v6 =	vunpack.i.l.bf16.f32 v6;
	[tilespmem:s3+$0x10] =	vst v4;
	v7 =	vld [tilespmem:s2+$0xFFFFFFE0]  }
0x122: {  	v4 =	vunpack.i.u.bf16.f32 v13;
	v13 =	vunpack.i.l.bf16.f32 v13;
	v6 =	vmul.f32 v11, v6;
	[tilespmem:s1+$0x70] =	vst v5;
	v5 =	vld [tilespmem:s18+$0xFFFFFFF0]  }
0x123: {  	[tilespmem:s16+$0x60] =	vst v12;
	v11 =	vmul.f32 v9, v8;
	v9 =	vld [tilespmem:s7+$0x10];
	v8 =	vmul.f32 v4, v15;
	v4 =	vunpack.i.l.bf16.f32 v10  }
0x124: {  	v10 =	vld [tilespmem:s31+$0x10];
	v12 =	vmul.f32 v13, v18;
	[tilespmem:s3+$0xFFFFFF80] =	vst v6;
	v6 =	vunpack.i.l.bf16.f32 v16;
	v13 =	vunpack.i.l.bf16.f32 v17  }
0x125: {  	[tilespmem:s3+$0xFFFFFF90] =	vst v11;
	v15 =	vunpack.i.u.bf16.f32 v16;
	v16 =	vunpack.i.u.bf16.f32 v17;
	v14 =	vmul.f32 v13, v6;
	v6 =	vld [tilespmem:s5+$0xFFFFFFF0]  }
0x126: {  	s8 =	simm.s32 $0x3A60;
	s18 =	simm.s32 $0x8;
	[tilespmem:s13+$0xFFFFFFA0] =	vst v12;
	v12 =	vunpack.i.u.bf16.f32 v19;
	v11 =	vld [tilespmem:s7+$0xFFFFFFD0];
	v15 =	vmul.f32 v16, v15;
	v13 =	vunpack.i.l.bf16.f32 v19;
	s5 =	simm.s32 $0x4DE0  }
.LBB2_9:
0x127: {  	v16 =	vld [tilespmem:s8+$0x0];
	s31 =	sadd.s32 $0x80, s31;
	[tilespmem:s13+$0x40] =	vst v14;
	v14 =	vunpack.i.u.bf16.f32 v7;
	v7 =	vunpack.i.l.bf16.f32 v7;
	v17 =	vunpack.i.u.bf16.f32 v5  }
0x128: {  	v5 =	vunpack.i.l.bf16.f32 v5;
	v18 =	vld [tilespmem:s31+$0x0];
	[tilespmem:s13+$0x50] =	vst v15;
	v7 =	vmul.f32 v7, v13;
	v12 =	vmul.f32 v14, v12  }
0x129: {  	v13 =	vunpack.i.l.bf16.f32 v9;
	v15 =	vmul.f32 v2, v1;
	v1 =	vmovc v17;
	v14 =	vunpack.i.l.bf16.f32 v10;
	[tilespmem:s13+$0xFFFFFFB0] =	vst v8;
	v8 =	vld [tilespmem:s0+$0x30]  }
0x12a: {  	v2 =	vunpack.i.u.bf16.f32 v9;
	v9 =	vunpack.i.u.bf16.f32 v10;
	v10 =	vmul.f32 v14, v13;
	v13 =	vld [tilespmem:s12+$0x30];
	[tilespmem:s1+$0xFFFFFFC0] =	vst v7  }
0x12b: {  	v9 =	vmul.f32 v9, v2;
	v7 =	vld [tilespmem:s31+$0xFFFFFFC0];
	v14 =	vunpack.i.u.bf16.f32 v11;
	v11 =	vunpack.i.l.bf16.f32 v11;
	[tilespmem:s1+$0xFFFFFFD0] =	vst v12  }
0x12c: {  	v2 =	vunpack.i.u.bf16.f32 v6;
	v12 =	vld [tilespmem:s8+$0xFFFFFFC0];
	[tilespmem:s3+$0x20] =	vst v10;
	v10 =	vmul.f32 v4, v3;
	v3 =	vunpack.i.l.bf16.f32 v6  }
0x12d: {  	v4 =	vunpack.i.l.bf16.f32 v16;
	v6 =	vunpack.i.l.bf16.f32 v18;
	v17 =	vld [tilespmem:s5+$0xFFFFFFD0];
	[tilespmem:s3+$0x30] =	vst v9;
	v3 =	vmul.f32 v3, v5  }
0x12e: {  	v5 =	vunpack.i.u.bf16.f32 v16;
	v9 =	vunpack.i.u.bf16.f32 v18;
	v4 =	vmul.f32 v6, v4;
	v6 =	vld [tilespmem:s7+$0x20];
	[tilespmem:s15+$0xFFFFFFF0] =	vst v15;
	s15 =	smov.u32 s16;
	s16 =	smov.u32 s1;
	s1 =	smov.u32 s13  }
0x12f: {  	s18 =	sadd.s32 $0x2, s18;
	v5 =	vmul.f32 v9, v5;
	v9 =	vunpack.i.u.bf16.f32 v8;
	s13 =	smov.u32 s3;
	s3 =	sadd.s32 $0x100, s3;
	v15 =	vld [tilespmem:s5+$0x20];
	v16 =	vunpack.i.u.bf16.f32 v13;
	[tilespmem:s15+$0xFFFFFFE0] =	vst v3  }
0x130: {  	p2 =	slt.u32 s18, $0x4E;
	v18 =	vunpack.i.u.bf16.f32 v7;
	v19 =	vunpack.i.l.bf16.f32 v7;
	[tilespmem:s3+$0x0] =	vst v4;
	v20 =	vld [tilespmem:s0+$0xFFFFFFE0];
	v4 =	vmul.f32 v16, v9  }
0x131: {  	v3 =	vunpack.i.l.bf16.f32 v8;
	v9 =	vunpack.i.u.bf16.f32 v12;
	v12 =	vunpack.i.l.bf16.f32 v12;
	[tilespmem:s3+$0x10] =	vst v5;
	v7 =	vld [tilespmem:s12+$0xFFFFFFE0]  }
.Ltmp2:
0x132: {  	v12 =	vmul.f32 v19, v12;
	v16 =	vmul.f32 v18, v9;
	v8 =	vunpack.i.u.bf16.f32 v17;
	[tilespmem:s1+$0x70] =	vst v4;
	v5 =	vld [tilespmem:s19+$0xFFFFFFF0];
	s19 =	smov.u32 s0;
	s0 =	smov.u32 s7;
	(pc) =	sbr.rel @p2 .LBB2_9-.Ltmp2, $4  }
0x133: {  	v17 =	vunpack.i.l.bf16.f32 v17;
	v4 =	vunpack.i.l.bf16.f32 v13;
	s7 =	smov.u32 s8;
	v9 =	vld [tilespmem:s8+$0x10];
	v8 =	vmul.f32 v8, v14;
	[tilespmem:s16+$0x60] =	vst v10  }
0x134: {  	[tilespmem:s3+$0xFFFFFF80] =	vst v12;
	v10 =	vld [tilespmem:s31+$0x10];
	v12 =	vmul.f32 v17, v11;
	v11 =	vunpack.i.l.bf16.f32 v6;
	v13 =	vunpack.i.l.bf16.f32 v15  }
0x135: {  	v15 =	vunpack.i.u.bf16.f32 v15;
	[tilespmem:s3+$0xFFFFFF90] =	vst v16;
	v16 =	vunpack.i.u.bf16.f32 v6;
	v14 =	vmul.f32 v13, v11;
	v6 =	vld [tilespmem:s2+$0xFFFFFFF0];
	s2 =	smov.u32 s12;
	s12 =	smov.u32 s5;
	s5 =	smov.u32 s31  }
0x136: {  	s8 =	sadd.s32 $0x80, s8;
	v13 =	vunpack.i.l.bf16.f32 v20;
	v11 =	vld [tilespmem:s7+$0xFFFFFFD0];
	[tilespmem:s13+$0xFFFFFFA0] =	vst v12;
	v15 =	vmul.f32 v15, v16;
	v12 =	vunpack.i.u.bf16.f32 v20  }
0x137: {  	_ =	sdelay $0x1  }
0x138: {  	v16 =	vunpack.i.l.bf16.f32 v9;
	v17 =	vunpack.i.l.bf16.f32 v10  }
0x139: {  	v22 =	vld [tilespmem:s5+$0xFFFFFFD0];
	v20 =	vunpack.i.u.bf16.f32 v9;
	v21 =	vunpack.i.u.bf16.f32 v10;
	v16 =	vmul.f32 v17, v16  }
0x13a: {  	v9 =	vmul.f32 v21, v20  }
0x13b: {  	[tilespmem:s3+$0x20] =	vst v16  }
0x13c: {  	[tilespmem:s3+$0x30] =	vst v9  }
0x13d: {  	v9 =	vld [tilespmem:s7+$0x20]  }
0x13e: {  	[tilespmem:s13+$0xFFFFFFB0] =	vst v8;
	v23 =	vunpack.i.l.bf16.f32 v11;
	v25 =	vunpack.i.l.bf16.f32 v22;
	v24 =	vld [tilespmem:s5+$0x20]  }
0x13f: {  	[tilespmem:s13+$0x40] =	vst v14;
	v30 =	vld [tilespmem:s0+$0xFFFFFFE0];
	v27 =	vunpack.i.u.bf16.f32 v11;
	v28 =	vunpack.i.u.bf16.f32 v22;
	v10 =	vmul.f32 v25, v23  }
0x140: {  	[tilespmem:s13+$0x50] =	vst v15;
	v32 =	vld [tilespmem:s12+$0xFFFFFFE0];
	v11 =	vmul.f32 v28, v27  }
0x141: {  	v29 =	vunpack.i.l.bf16.f32 v7;
	v1 =	vmul.f32 v2, v1;
	v26 =	vld [tilespmem:s0+$0x30];
	[tilespmem:s3+$0xFFFFFFA0] =	vst v10  }
0x142: {  	v31 =	vunpack.i.u.bf16.f32 v7;
	v13 =	vmul.f32 v29, v13;
	v33 =	vld [tilespmem:s12+$0x30];
	[tilespmem:s3+$0xFFFFFFB0] =	vst v11  }
0x143: {  	v7 =	vmul.f32 v31, v12;
	[tilespmem:s15+$0xFFFFFFF0] =	vst v1;
	v35 =	vld [tilespmem:s7+$0xFFFFFFE0];
	v2 =	vunpack.i.l.bf16.f32 v9;
	v34 =	vunpack.i.l.bf16.f32 v24  }
0x144: {  	[tilespmem:s1+$0xFFFFFFC0] =	vst v13;
	v38 =	vld [tilespmem:s5+$0xFFFFFFE0];
	v36 =	vunpack.i.u.bf16.f32 v9;
	v37 =	vunpack.i.u.bf16.f32 v24;
	v2 =	vmul.f32 v34, v2  }
0x145: {  	[tilespmem:s1+$0xFFFFFFD0] =	vst v7;
	v1 =	vmul.f32 v37, v36  }
0x146: {  	v3 =	vmul.f32 v4, v3;
	v42 =	vld [tilespmem:s19+$0xFFFFFFF0];
	v16 =	vunpack.i.u.bf16.f32 v30;
	v15 =	vunpack.i.u.bf16.f32 v32;
	[tilespmem:s3+$0x40] =	vst v2  }
0x147: {  	v44 =	vld [tilespmem:s2+$0xFFFFFFF0];
	v43 =	vunpack.i.l.bf16.f32 v30;
	v46 =	vmul.f32 v15, v16;
	v2 =	vunpack.i.l.bf16.f32 v32;
	[tilespmem:s3+$0x50] =	vst v1  }
0x148: {  	[tilespmem:s1+$0x60] =	vst v3;
	v45 =	vunpack.i.u.bf16.f32 v33;
	v1 =	vmul.f32 v2, v43;
	v2 =	vunpack.i.u.bf16.f32 v26;
	v47 =	vld [tilespmem:s7+$0x30]  }
0x149: {  	[tilespmem:s13+$0xFFFFFFD0] =	vst v46;
	v50 =	vunpack.i.u.bf16.f32 v35;
	v11 =	vunpack.i.u.bf16.f32 v38;
	v48 =	vld [tilespmem:s5+$0x30];
	v2 =	vmul.f32 v45, v2  }
0x14a: {  	v49 =	vunpack.i.l.bf16.f32 v38;
	v7 =	vmul.f32 v11, v50;
	[tilespmem:s13+$0xFFFFFFC0] =	vst v1;
	v1 =	vunpack.i.l.bf16.f32 v35  }
0x14b: {  	v39 =	vunpack.i.l.bf16.f32 v5;
	v40 =	vunpack.i.l.bf16.f32 v6;
	v1 =	vmul.f32 v49, v1;
	[tilespmem:s13+$0x70] =	vst v2;
	v2 =	vld [tilespmem:s0+$0xFFFFFFF0]  }
0x14c: {  	v51 =	vunpack.i.u.bf16.f32 v5;
	v52 =	vunpack.i.u.bf16.f32 v6;
	v41 =	vmul.f32 v40, v39;
	[tilespmem:s3+$0xFFFFFFD0] =	vst v7;
	v53 =	vld [tilespmem:s12+$0xFFFFFFF0]  }
0x14d: {  	v4 =	vmul.f32 v52, v51;
	v54 =	vunpack.i.l.bf16.f32 v44;
	[tilespmem:s3+$0xFFFFFFC0] =	vst v1;
	v1 =	vunpack.i.l.bf16.f32 v42  }
0x14e: {  	[tilespmem:s16+$0xFFFFFFE0] =	vst v41;
	v3 =	vunpack.i.u.bf16.f32 v47;
	v55 =	vunpack.i.u.bf16.f32 v48;
	v1 =	vmul.f32 v54, v1;
	v7 =	vld [tilespmem:s7+$0xFFFFFFF0]  }
0x14f: {  	[tilespmem:s16+$0xFFFFFFF0] =	vst v4;
	v8 =	vunpack.i.l.bf16.f32 v26;
	v10 =	vunpack.i.l.bf16.f32 v33;
	v3 =	vmul.f32 v55, v3;
	v56 =	vld [tilespmem:s5+$0xFFFFFFF0]  }
0x150: {  	v57 =	vunpack.i.u.bf16.f32 v42;
	v8 =	vmul.f32 v10, v8;
	v58 =	vunpack.i.u.bf16.f32 v44;
	[tilespmem:s1+$0xFFFFFFE0] =	vst v1  }
0x151: {  	[tilespmem:s3+$0x70] =	vst v3;
	v1 =	vunpack.i.l.bf16.f32 v2;
	v3 =	vmul.f32 v58, v57;
	v59 =	vunpack.i.l.bf16.f32 v53  }
0x152: {  	[tilespmem:s13+$0x60] =	vst v8;
	v60 =	vunpack.i.l.bf16.f32 v47;
	v61 =	vunpack.i.l.bf16.f32 v48;
	v1 =	vmul.f32 v59, v1  }
0x153: {  	v62 =	vmul.f32 v61, v60;
	v2 =	vunpack.i.u.bf16.f32 v2;
	v6 =	vunpack.i.u.bf16.f32 v53;
	[tilespmem:s1+$0xFFFFFFF0] =	vst v3  }
0x154: {  	p2 =	seq.s32 s14, $0xB;
	v2 =	vmul.f32 v6, v2;
	[tilespmem:s13+$0xFFFFFFE0] =	vst v1;
	v1 =	vunpack.i.l.bf16.f32 v7;
	v3 =	vunpack.i.l.bf16.f32 v56  }
.Ltmp3:
0x155: {  	[tilespmem:s3+$0x60] =	vst v62;
	v63 =	vunpack.i.u.bf16.f32 v7;
	v4 =	vunpack.i.u.bf16.f32 v56;
	v1 =	vmul.f32 v3, v1;
	(pc) =	sbr.rel @p2 .LBB2_12-.Ltmp3, $4  }
0x156: {  	[tilespmem:s13+$0xFFFFFFF0] =	vst v2;
	v2 =	vmul.f32 v4, v63  }
0x157: {  	[tilespmem:s3+$0xFFFFFFE0] =	vst v1  }
0x158: {  	s31 =	sadd.s32 $0x820, s17;
	[tilespmem:s3+$0xFFFFFFF0] =	vst v2  }
0x159: {  	[spmem:s4] =	stream.indirect.scatter.add.f32 [tilespmem:s30], [sflag:$0x4], $0x80, s31, s20, $0xb8;
	[tilespmem:$0x1E820] =	vst v63  }
0x15a: {  	s0 =	sadd.s32 $0xF0, s11  }
0x15b: {  	[tilespmem:s23], [sflag:$0x2] =	stream.indirect.gather [hbm4b:s9+s20], $0x40, s0, s20, $0xb8;
	[tilespmem:$0x1E820] =	vst v63  }
.Ltmp4:
0x15c: {  	s0 =	sadd.s32 s25, s0;
	(pc) =	sbr.rel .LBB2_6-.Ltmp4, $4  }
0x15d: {  	s0 =	sshll.u32 s0, $0x3  }
0x15e: {  	s0 =	sand.u32 $0x1FFFFF80, s0  }
0x15f: {  	s14 =	sadd.s32 $0x1, s14;
	s0 =	sadd.s32 s10, s0  }
0x160: {  	[tilespmem:s24], [sflag:$0x2] =	stream.linear.gather [hbm4b:s0+s6], $0x1400, $0x38;
	[tilespmem:$0x1E820] =	vst v63  }
.LBB2_12:
0x161: {  	_ =	swait.ge [sflag:s26], $0x1400  }
0x162: {  	[sflag:s26] =	ssyncset.done $0x0  }
0x163: {  	[sflag:s26] =	ssyncadd.s32 $0xFFFFEC00  }
0x164: {  	_ =	swait.ge [sflag:s26], $0x1400  }
0x165: {  	[sflag:s26] =	ssyncset.done $0x0  }
0x166: {  	s18 =	simm.s32 $0x3;
	[sflag:s26] =	ssyncadd.s32 $0xFFFFEC00  }
0x167: {  	_ =	swait.ge [sflag:s18], $0x2800  }
0x168: {  	[sflag:s18] =	ssyncset.done $0x0  }
0x169: {  	s7 =	simm.s32 $0xFE0;
	[sflag:s18] =	ssyncadd.s32 $0xFFFFD800  }
0x16a: {  	s3 =	simm.s32 $0x23E0;
	v1 =	vld [tilespmem:s7+$0x0]  }
0x16b: {  	v2 =	vld [tilespmem:s3+$0x0];
	_ =	sdelay $0x4  }
0x16c: {  	v3 =	vunpack.i.l.bf16.f32 v1;
	v4 =	vunpack.i.l.bf16.f32 v2  }
0x16d: {  	v1 =	vunpack.i.u.bf16.f32 v1;
	v2 =	vunpack.i.u.bf16.f32 v2;
	v3 =	vmul.f32 v4, v3  }
0x16e: {  	s14 =	simm.s32 $0x6020;
	v1 =	vmul.f32 v2, v1  }
0x16f: {  	[tilespmem:s14+$0x0] =	vst v3  }
0x170: {  	[tilespmem:s14+$0x10] =	vst v1  }
0x171: {  	v1 =	vld [tilespmem:s7+$0x10]  }
0x172: {  	v2 =	vld [tilespmem:s3+$0x10];
	_ =	sdelay $0x1  }
0x173: {  	s5 =	simm.s32 $0x2460  }
0x174: {  	s16 =	simm.s32 $0x1060;
	v4 =	vld [tilespmem:s5+$0x0]  }
0x175: {  	v3 =	vld [tilespmem:s16+$0x0]  }
0x176: {  	v5 =	vld [tilespmem:s3+$0xFFFFFFC0];
	v6 =	vunpack.i.l.bf16.f32 v1;
	v7 =	vunpack.i.l.bf16.f32 v2  }
0x177: {  	v8 =	vld [tilespmem:s7+$0xFFFFFFC0];
	v1 =	vunpack.i.u.bf16.f32 v1;
	v2 =	vunpack.i.u.bf16.f32 v2;
	v6 =	vmul.f32 v7, v6  }
0x178: {  	v7 =	vld [tilespmem:s5+$0xFFFFFFC0];
	v1 =	vmul.f32 v2, v1  }
0x179: {  	v2 =	vld [tilespmem:s16+$0xFFFFFFC0];
	[tilespmem:s14+$0x20] =	vst v6  }
0x17a: {  	v9 =	vunpack.i.l.bf16.f32 v4;
	v6 =	vunpack.i.l.bf16.f32 v3;
	[tilespmem:s14+$0x30] =	vst v1  }
0x17b: {  	v1 =	vunpack.i.u.bf16.f32 v3;
	v3 =	vunpack.i.u.bf16.f32 v4;
	v4 =	vmul.f32 v9, v6;
	v6 =	vld [tilespmem:s7+$0x20]  }
0x17c: {  	s11 =	simm.s32 $0x6120;
	v10 =	vunpack.i.l.bf16.f32 v8;
	v9 =	vunpack.i.l.bf16.f32 v5;
	v1 =	vmul.f32 v3, v1;
	v3 =	vld [tilespmem:s3+$0x20]  }
0x17d: {  	v8 =	vunpack.i.u.bf16.f32 v8;
	v5 =	vunpack.i.u.bf16.f32 v5;
	v9 =	vmul.f32 v9, v10;
	[tilespmem:s11+$0x0] =	vst v4  }
0x17e: {  	v4 =	vmul.f32 v5, v8;
	v5 =	vunpack.i.l.bf16.f32 v7;
	v8 =	vunpack.i.l.bf16.f32 v2;
	[tilespmem:s11+$0x10] =	vst v1  }
0x17f: {  	v1 =	vunpack.i.u.bf16.f32 v7;
	v2 =	vunpack.i.u.bf16.f32 v2;
	[tilespmem:s14+$0xFFFFFF80] =	vst v9;
	v5 =	vmul.f32 v5, v8;
	v7 =	vld [tilespmem:s16+$0x10]  }
0x180: {  	s15 =	simm.s32 $0x10E0;
	v1 =	vmul.f32 v1, v2;
	v2 =	vld [tilespmem:s5+$0x10];
	[tilespmem:s14+$0xFFFFFF90] =	vst v4  }
0x181: {  	v12 =	vld [tilespmem:s15+$0xFFFFFFC0];
	[tilespmem:s11+$0xFFFFFF80] =	vst v5;
	v5 =	vunpack.i.l.bf16.f32 v6;
	v8 =	vunpack.i.l.bf16.f32 v3  }
0x182: {  	v4 =	vld [tilespmem:s7+$0xFFFFFFD0];
	[tilespmem:s11+$0xFFFFFF90] =	vst v1;
	v1 =	vunpack.i.u.bf16.f32 v6;
	v3 =	vunpack.i.u.bf16.f32 v3;
	v5 =	vmul.f32 v8, v5  }
0x183: {  	v9 =	vld [tilespmem:s3+$0xFFFFFFD0];
	v1 =	vmul.f32 v3, v1  }
0x184: {  	s2 =	simm.s32 $0x24E0;
	v3 =	vld [tilespmem:s15+$0x0];
	[tilespmem:s14+$0x40] =	vst v5  }
0x185: {  	v5 =	vld [tilespmem:s2+$0x0];
	[tilespmem:s14+$0x50] =	vst v1;
	v1 =	vunpack.i.l.bf16.f32 v7;
	v8 =	vunpack.i.l.bf16.f32 v2  }
0x186: {  	v6 =	vld [tilespmem:s16+$0xFFFFFFD0];
	v7 =	vunpack.i.u.bf16.f32 v7;
	v2 =	vunpack.i.u.bf16.f32 v2;
	v1 =	vmul.f32 v8, v1  }
0x187: {  	v10 =	vld [tilespmem:s7+$0x30];
	v2 =	vmul.f32 v2, v7  }
0x188: {  	v8 =	vld [tilespmem:s2+$0xFFFFFFC0];
	v7 =	vunpack.i.l.bf16.f32 v4;
	v11 =	vunpack.i.l.bf16.f32 v9;
	[tilespmem:s11+$0x20] =	vst v1  }
0x189: {  	v1 =	vunpack.i.u.bf16.f32 v4;
	v4 =	vunpack.i.u.bf16.f32 v9;
	v7 =	vmul.f32 v11, v7;
	v9 =	vld [tilespmem:s3+$0x30];
	[tilespmem:s11+$0x30] =	vst v2  }
0x18a: {  	v2 =	vunpack.i.l.bf16.f32 v3;
	v1 =	vmul.f32 v4, v1;
	v11 =	vld [tilespmem:s16+$0x20];
	v4 =	vunpack.i.l.bf16.f32 v5  }
0x18b: {  	v3 =	vunpack.i.u.bf16.f32 v3;
	[tilespmem:s14+$0xFFFFFFA0] =	vst v7;
	v5 =	vunpack.i.u.bf16.f32 v5;
	v2 =	vmul.f32 v4, v2;
	v4 =	vld [tilespmem:s5+$0x20]  }
0x18c: {  	s1 =	simm.s32 $0x6220;
	[tilespmem:s14+$0xFFFFFFB0] =	vst v1;
	v1 =	vmul.f32 v5, v3  }
0x18d: {  	v3 =	vunpack.i.u.bf16.f32 v6;
	v5 =	vld [tilespmem:s5+$0xFFFFFFD0];
	v7 =	vunpack.i.l.bf16.f32 v8;
	[tilespmem:s1+$0x0] =	vst v2;
	v2 =	vunpack.i.l.bf16.f32 v12  }
0x18e: {  	v8 =	vunpack.i.u.bf16.f32 v8;
	v13 =	vld [tilespmem:s7+$0xFFFFFFE0];
	v12 =	vunpack.i.u.bf16.f32 v12;
	[tilespmem:s1+$0x10] =	vst v1;
	v1 =	vmul.f32 v7, v2  }
0x18f: {  	v2 =	vunpack.i.l.bf16.f32 v6;
	v6 =	vunpack.i.u.bf16.f32 v10;
	v7 =	vmul.f32 v8, v12;
	v8 =	vld [tilespmem:s15+$0x10]  }
0x190: {  	v12 =	vunpack.i.u.bf16.f32 v9;
	v14 =	vunpack.i.l.bf16.f32 v11;
	[tilespmem:s1+$0xFFFFFF80] =	vst v1;
	v1 =	vld [tilespmem:s2+$0x10];
	v15 =	vunpack.i.l.bf16.f32 v4  }
0x191: {  	v16 =	vld [tilespmem:s3+$0xFFFFFFE0];
	[tilespmem:s1+$0xFFFFFF90] =	vst v7;
	v7 =	vunpack.i.u.bf16.f32 v11;
	v4 =	vunpack.i.u.bf16.f32 v4;
	v11 =	vmul.f32 v15, v14  }
0x192: {  	s0 =	simm.s32 $0x1160;
	v9 =	vunpack.i.l.bf16.f32 v9;
	v6 =	vmul.f32 v12, v6;
	v14 =	vld [tilespmem:s15+$0xFFFFFFD0];
	v4 =	vmul.f32 v4, v7  }
0x193: {  	s12 =	simm.s32 $0x2560;
	v12 =	vunpack.i.u.bf16.f32 v5;
	v5 =	vunpack.i.l.bf16.f32 v5;
	v7 =	vunpack.i.l.bf16.f32 v10;
	v10 =	vld [tilespmem:s0+$0x0];
	[tilespmem:s11+$0x40] =	vst v11  }
0x194: {  	v3 =	vmul.f32 v12, v3;
	v2 =	vmul.f32 v5, v2;
	v5 =	vunpack.i.u.bf16.f32 v13;
	v11 =	vld [tilespmem:s12+$0x0];
	[tilespmem:s11+$0x50] =	vst v4  }
0x195: {  	v4 =	vunpack.i.l.bf16.f32 v13;
	v12 =	vunpack.i.l.bf16.f32 v8;
	v15 =	vld [tilespmem:s16+$0x30];
	v13 =	vunpack.i.l.bf16.f32 v1  }
0x196: {  	[tilespmem:s14+$0x70] =	vst v6;
	v7 =	vmul.f32 v9, v7;
	v6 =	vunpack.i.u.bf16.f32 v8;
	v8 =	vmul.f32 v13, v12;
	v12 =	vld [tilespmem:s5+$0x30]  }
0x197: {  	[tilespmem:s11+$0xFFFFFFA0] =	vst v2;
	v2 =	vunpack.i.u.bf16.f32 v16;
	v1 =	vunpack.i.u.bf16.f32 v1;
	v13 =	vunpack.i.l.bf16.f32 v16;
	v16 =	vld [tilespmem:s12+$0xFFFFFFC0]  }
0x198: {  	[tilespmem:s11+$0xFFFFFFB0] =	vst v3;
	v2 =	vmul.f32 v2, v5;
	v1 =	vmul.f32 v1, v6  }
0x199: {  	v5 =	vunpack.i.u.bf16.f32 v14;
	v6 =	vld [tilespmem:s0+$0xFFFFFFC0];
	v9 =	vunpack.i.l.bf16.f32 v10;
	v3 =	vunpack.i.u.bf16.f32 v10;
	[tilespmem:s1+$0x20] =	vst v8  }
0x19a: {  	v4 =	vmul.f32 v13, v4;
	v13 =	vld [tilespmem:s2+$0xFFFFFFD0];
	[tilespmem:s1+$0x30] =	vst v1;
	v1 =	vunpack.i.l.bf16.f32 v11;
	v10 =	vunpack.i.u.bf16.f32 v11  }
0x19b: {  	[tilespmem:s14+$0xFFFFFFD0] =	vst v2;
	v8 =	vunpack.i.l.bf16.f32 v14;
	v11 =	vld [tilespmem:s15+$0x20];
	v1 =	vmul.f32 v1, v9;
	v3 =	vmul.f32 v10, v3  }
0x19c: {  	s13 =	simm.s32 $0x6320;
	[tilespmem:s14+$0xFFFFFFC0] =	vst v4;
	v4 =	vld [tilespmem:s2+$0x20];
	v9 =	vunpack.i.u.bf16.f32 v15;
	v2 =	vunpack.i.u.bf16.f32 v12;
	v10 =	vunpack.i.u.bf16.f32 v16  }
0x19d: {  	v14 =	vunpack.i.l.bf16.f32 v16;
	v16 =	vld [tilespmem:s16+$0xFFFFFFE0];
	[tilespmem:s13+$0x10] =	vst v3;
	v3 =	vunpack.i.l.bf16.f32 v15;
	v12 =	vunpack.i.l.bf16.f32 v12  }
0x19e: {  	[tilespmem:s13+$0x0] =	vst v1;
	v15 =	vld [tilespmem:s7+$0xFFFFFFF0];
	v1 =	vmul.f32 v2, v9;
	v2 =	vunpack.i.u.bf16.f32 v6;
	v6 =	vunpack.i.l.bf16.f32 v6  }
0x19f: {  	v9 =	vld [tilespmem:s5+$0xFFFFFFE0];
	v12 =	vmul.f32 v12, v3;
	v6 =	vmul.f32 v14, v6  }
0x1a0: {  	v14 =	vunpack.i.u.bf16.f32 v13;
	v2 =	vmul.f32 v10, v2;
	v10 =	vld [tilespmem:s0+$0x10];
	[tilespmem:s11+$0x70] =	vst v1;
	v1 =	vunpack.i.l.bf16.f32 v13  }
0x1a1: {  	s17 =	simm.s32 $0x25E0;
	v5 =	vmul.f32 v14, v5;
	v13 =	vunpack.i.l.bf16.f32 v11;
	v14 =	vunpack.i.l.bf16.f32 v4;
	[tilespmem:s13+$0xFFFFFF80] =	vst v6;
	v6 =	vld [tilespmem:s12+$0x10]  }
0x1a2: {  	v17 =	vld [tilespmem:s17+$0x0];
	v4 =	vunpack.i.u.bf16.f32 v4;
	[tilespmem:s13+$0xFFFFFF90] =	vst v2;
	v2 =	vunpack.i.u.bf16.f32 v11;
	v11 =	vmul.f32 v14, v13  }
0x1a3: {  	[tilespmem:s14+$0x60] =	vst v7;
	v13 =	vld [tilespmem:s3+$0xFFFFFFF0];
	v7 =	vmul.f32 v1, v8;
	v2 =	vmul.f32 v4, v2  }
0x1a4: {  	s7 =	simm.s32 $0x11E0;
	v8 =	vld [tilespmem:s0+$0xFFFFFFD0];
	v14 =	vunpack.i.l.bf16.f32 v16;
	[tilespmem:s1+$0x40] =	vst v11;
	v11 =	vunpack.i.u.bf16.f32 v9;
	v9 =	vunpack.i.l.bf16.f32 v9  }
0x1a5: {  	v4 =	vunpack.i.u.bf16.f32 v16;
	v16 =	vld [tilespmem:s7+$0x0];
	v1 =	vunpack.i.u.bf16.f32 v15;
	[tilespmem:s1+$0x50] =	vst v2;
	v2 =	vmul.f32 v9, v14  }
0x1a6: {  	[tilespmem:s1+$0xFFFFFFB0] =	vst v5;
	v4 =	vmul.f32 v11, v4;
	v9 =	vunpack.i.l.bf16.f32 v10;
	v14 =	vld [tilespmem:s15+$0x30];
	v11 =	vunpack.i.l.bf16.f32 v6  }
0x1a7: {  	[tilespmem:s1+$0xFFFFFFA0] =	vst v7;
	v5 =	vunpack.i.u.bf16.f32 v10;
	v10 =	vld [tilespmem:s2+$0x30];
	v6 =	vunpack.i.u.bf16.f32 v6;
	v9 =	vmul.f32 v11, v9  }
0x1a8: {  	v7 =	vunpack.i.l.bf16.f32 v15;
	[tilespmem:s11+$0xFFFFFFC0] =	vst v2;
	v2 =	vunpack.i.u.bf16.f32 v13;
	v11 =	vld [tilespmem:s17+$0xFFFFFFC0];
	v5 =	vmul.f32 v6, v5  }
0x1a9: {  	v3 =	vunpack.i.l.bf16.f32 v13;
	v15 =	vunpack.i.u.bf16.f32 v8;
	v18 =	vunpack.i.l.bf16.f32 v8;
	v6 =	vld [tilespmem:s7+$0xFFFFFFC0];
	[tilespmem:s13+$0x20] =	vst v9  }
0x1aa: {  	v13 =	vld [tilespmem:s12+$0xFFFFFFD0];
	v8 =	vunpack.i.l.bf16.f32 v16;
	v3 =	vmul.f32 v3, v7;
	v9 =	vunpack.i.l.bf16.f32 v17;
	[tilespmem:s13+$0x30] =	vst v5  }
0x1ab: {  	[tilespmem:s11+$0xFFFFFFD0] =	vst v4;
	v4 =	vunpack.i.u.bf16.f32 v16;
	v5 =	vunpack.i.u.bf16.f32 v17;
	v7 =	vmul.f32 v9, v8;
	v16 =	vld [tilespmem:s0+$0x20]  }
0x1ac: {  	s3 =	simm.s32 $0x6420;
	[tilespmem:s14+$0xFFFFFFE0] =	vst v3;
	v4 =	vmul.f32 v5, v4;
	v17 =	vld [tilespmem:s12+$0x20];
	v5 =	vunpack.i.u.bf16.f32 v14;
	v8 =	vunpack.i.u.bf16.f32 v10  }
0x1ad: {  	v19 =	vld [tilespmem:s15+$0xFFFFFFE0];
	v3 =	vunpack.i.l.bf16.f32 v14;
	v5 =	vmul.f32 v8, v5;
	v9 =	vunpack.i.u.bf16.f32 v11;
	[tilespmem:s3+$0x0] =	vst v7  }
0x1ae: {  	v11 =	vunpack.i.l.bf16.f32 v11;
	v8 =	vunpack.i.u.bf16.f32 v6;
	v6 =	vunpack.i.l.bf16.f32 v6;
	[tilespmem:s3+$0x10] =	vst v4;
	v7 =	vld [tilespmem:s2+$0xFFFFFFE0]  }
0x1af: {  	v4 =	vunpack.i.u.bf16.f32 v13;
	v13 =	vunpack.i.l.bf16.f32 v13;
	v6 =	vmul.f32 v11, v6;
	[tilespmem:s1+$0x70] =	vst v5;
	v5 =	vld [tilespmem:s16+$0xFFFFFFF0]  }
0x1b0: {  	[tilespmem:s11+$0x60] =	vst v12;
	v11 =	vmul.f32 v9, v8;
	v9 =	vld [tilespmem:s7+$0x10];
	v8 =	vmul.f32 v4, v15;
	v4 =	vunpack.i.l.bf16.f32 v10  }
0x1b1: {  	v10 =	vld [tilespmem:s17+$0x10];
	v12 =	vmul.f32 v13, v18;
	[tilespmem:s3+$0xFFFFFF80] =	vst v6;
	v6 =	vunpack.i.l.bf16.f32 v16;
	v13 =	vunpack.i.l.bf16.f32 v17  }
0x1b2: {  	[tilespmem:s3+$0xFFFFFF90] =	vst v11;
	v15 =	vunpack.i.u.bf16.f32 v16;
	v16 =	vunpack.i.u.bf16.f32 v17;
	v14 =	vmul.f32 v13, v6;
	v6 =	vld [tilespmem:s5+$0xFFFFFFF0]  }
0x1b3: {  	s8 =	simm.s32 $0x1260;
	s16 =	simm.s32 $0x8;
	[tilespmem:s13+$0xFFFFFFA0] =	vst v12;
	v12 =	vunpack.i.u.bf16.f32 v19;
	v11 =	vld [tilespmem:s7+$0xFFFFFFD0];
	v15 =	vmul.f32 v16, v15;
	v13 =	vunpack.i.l.bf16.f32 v19;
	s5 =	simm.s32 $0x25E0  }
.LBB2_13:
0x1b4: {  	v16 =	vld [tilespmem:s8+$0x0];
	s17 =	sadd.s32 $0x80, s17;
	[tilespmem:s13+$0x40] =	vst v14;
	v14 =	vunpack.i.u.bf16.f32 v7;
	v7 =	vunpack.i.l.bf16.f32 v7;
	v17 =	vunpack.i.u.bf16.f32 v5  }
0x1b5: {  	v5 =	vunpack.i.l.bf16.f32 v5;
	v18 =	vld [tilespmem:s17+$0x0];
	[tilespmem:s13+$0x50] =	vst v15;
	v7 =	vmul.f32 v7, v13;
	v12 =	vmul.f32 v14, v12  }
0x1b6: {  	v13 =	vunpack.i.l.bf16.f32 v9;
	v15 =	vmul.f32 v2, v1;
	v1 =	vmovc v17;
	v14 =	vunpack.i.l.bf16.f32 v10;
	[tilespmem:s13+$0xFFFFFFB0] =	vst v8;
	v8 =	vld [tilespmem:s0+$0x30]  }
0x1b7: {  	v2 =	vunpack.i.u.bf16.f32 v9;
	v9 =	vunpack.i.u.bf16.f32 v10;
	v10 =	vmul.f32 v14, v13;
	v13 =	vld [tilespmem:s12+$0x30];
	[tilespmem:s1+$0xFFFFFFC0] =	vst v7  }
0x1b8: {  	v9 =	vmul.f32 v9, v2;
	v7 =	vld [tilespmem:s17+$0xFFFFFFC0];
	v14 =	vunpack.i.u.bf16.f32 v11;
	v11 =	vunpack.i.l.bf16.f32 v11;
	[tilespmem:s1+$0xFFFFFFD0] =	vst v12  }
0x1b9: {  	v2 =	vunpack.i.u.bf16.f32 v6;
	v12 =	vld [tilespmem:s8+$0xFFFFFFC0];
	[tilespmem:s3+$0x20] =	vst v10;
	v10 =	vmul.f32 v4, v3;
	v3 =	vunpack.i.l.bf16.f32 v6  }
0x1ba: {  	v4 =	vunpack.i.l.bf16.f32 v16;
	v6 =	vunpack.i.l.bf16.f32 v18;
	v17 =	vld [tilespmem:s5+$0xFFFFFFD0];
	[tilespmem:s3+$0x30] =	vst v9;
	v3 =	vmul.f32 v3, v5  }
0x1bb: {  	v5 =	vunpack.i.u.bf16.f32 v16;
	v9 =	vunpack.i.u.bf16.f32 v18;
	v4 =	vmul.f32 v6, v4;
	v6 =	vld [tilespmem:s7+$0x20];
	[tilespmem:s14+$0xFFFFFFF0] =	vst v15;
	s14 =	smov.u32 s11;
	s11 =	smov.u32 s1;
	s1 =	smov.u32 s13  }
0x1bc: {  	s16 =	sadd.s32 $0x2, s16;
	v5 =	vmul.f32 v9, v5;
	v9 =	vunpack.i.u.bf16.f32 v8;
	s13 =	smov.u32 s3;
	s3 =	sadd.s32 $0x100, s3;
	v15 =	vld [tilespmem:s5+$0x20];
	v16 =	vunpack.i.u.bf16.f32 v13;
	[tilespmem:s14+$0xFFFFFFE0] =	vst v3  }
0x1bd: {  	p2 =	slt.u32 s16, $0x4E;
	v18 =	vunpack.i.u.bf16.f32 v7;
	v19 =	vunpack.i.l.bf16.f32 v7;
	[tilespmem:s3+$0x0] =	vst v4;
	v20 =	vld [tilespmem:s0+$0xFFFFFFE0];
	v4 =	vmul.f32 v16, v9  }
0x1be: {  	v3 =	vunpack.i.l.bf16.f32 v8;
	v9 =	vunpack.i.u.bf16.f32 v12;
	v12 =	vunpack.i.l.bf16.f32 v12;
	[tilespmem:s3+$0x10] =	vst v5;
	v7 =	vld [tilespmem:s12+$0xFFFFFFE0]  }
.Ltmp5:
0x1bf: {  	v12 =	vmul.f32 v19, v12;
	v16 =	vmul.f32 v18, v9;
	v8 =	vunpack.i.u.bf16.f32 v17;
	[tilespmem:s1+$0x70] =	vst v4;
	v5 =	vld [tilespmem:s15+$0xFFFFFFF0];
	s15 =	smov.u32 s0;
	s0 =	smov.u32 s7;
	(pc) =	sbr.rel @p2 .LBB2_13-.Ltmp5, $4  }
0x1c0: {  	v17 =	vunpack.i.l.bf16.f32 v17;
	v4 =	vunpack.i.l.bf16.f32 v13;
	s7 =	smov.u32 s8;
	v9 =	vld [tilespmem:s8+$0x10];
	v8 =	vmul.f32 v8, v14;
	[tilespmem:s11+$0x60] =	vst v10  }
0x1c1: {  	[tilespmem:s3+$0xFFFFFF80] =	vst v12;
	v10 =	vld [tilespmem:s17+$0x10];
	v12 =	vmul.f32 v17, v11;
	v11 =	vunpack.i.l.bf16.f32 v6;
	v13 =	vunpack.i.l.bf16.f32 v15  }
0x1c2: {  	v15 =	vunpack.i.u.bf16.f32 v15;
	[tilespmem:s3+$0xFFFFFF90] =	vst v16;
	v16 =	vunpack.i.u.bf16.f32 v6;
	v14 =	vmul.f32 v13, v11;
	v6 =	vld [tilespmem:s2+$0xFFFFFFF0];
	s2 =	smov.u32 s12;
	s12 =	smov.u32 s5;
	s5 =	smov.u32 s17  }
0x1c3: {  	s8 =	sadd.s32 $0x80, s8;
	v13 =	vunpack.i.l.bf16.f32 v20;
	v11 =	vld [tilespmem:s7+$0xFFFFFFD0];
	[tilespmem:s13+$0xFFFFFFA0] =	vst v12;
	v15 =	vmul.f32 v15, v16;
	v12 =	vunpack.i.u.bf16.f32 v20  }
0x1c4: {  	_ =	sdelay $0x1  }
0x1c5: {  	v16 =	vunpack.i.l.bf16.f32 v9;
	v17 =	vunpack.i.l.bf16.f32 v10  }
0x1c6: {  	v22 =	vld [tilespmem:s5+$0xFFFFFFD0];
	v20 =	vunpack.i.u.bf16.f32 v9;
	v21 =	vunpack.i.u.bf16.f32 v10;
	v16 =	vmul.f32 v17, v16  }
0x1c7: {  	v9 =	vmul.f32 v21, v20  }
0x1c8: {  	[tilespmem:s3+$0x20] =	vst v16  }
0x1c9: {  	[tilespmem:s3+$0x30] =	vst v9  }
0x1ca: {  	v9 =	vld [tilespmem:s7+$0x20]  }
0x1cb: {  	[tilespmem:s13+$0xFFFFFFB0] =	vst v8;
	v23 =	vunpack.i.l.bf16.f32 v11;
	v25 =	vunpack.i.l.bf16.f32 v22;
	v24 =	vld [tilespmem:s5+$0x20]  }
0x1cc: {  	[tilespmem:s13+$0x40] =	vst v14;
	v30 =	vld [tilespmem:s0+$0xFFFFFFE0];
	v27 =	vunpack.i.u.bf16.f32 v11;
	v28 =	vunpack.i.u.bf16.f32 v22;
	v10 =	vmul.f32 v25, v23  }
0x1cd: {  	[tilespmem:s13+$0x50] =	vst v15;
	v32 =	vld [tilespmem:s12+$0xFFFFFFE0];
	v11 =	vmul.f32 v28, v27  }
0x1ce: {  	v29 =	vunpack.i.l.bf16.f32 v7;
	v1 =	vmul.f32 v2, v1;
	v26 =	vld [tilespmem:s0+$0x30];
	[tilespmem:s3+$0xFFFFFFA0] =	vst v10  }
0x1cf: {  	v31 =	vunpack.i.u.bf16.f32 v7;
	v13 =	vmul.f32 v29, v13;
	v33 =	vld [tilespmem:s12+$0x30];
	[tilespmem:s3+$0xFFFFFFB0] =	vst v11  }
0x1d0: {  	v7 =	vmul.f32 v31, v12;
	[tilespmem:s14+$0xFFFFFFF0] =	vst v1;
	v35 =	vld [tilespmem:s7+$0xFFFFFFE0];
	v2 =	vunpack.i.l.bf16.f32 v9;
	v34 =	vunpack.i.l.bf16.f32 v24  }
0x1d1: {  	[tilespmem:s1+$0xFFFFFFC0] =	vst v13;
	v38 =	vld [tilespmem:s5+$0xFFFFFFE0];
	v36 =	vunpack.i.u.bf16.f32 v9;
	v37 =	vunpack.i.u.bf16.f32 v24;
	v2 =	vmul.f32 v34, v2  }
0x1d2: {  	[tilespmem:s1+$0xFFFFFFD0] =	vst v7;
	v1 =	vmul.f32 v37, v36  }
0x1d3: {  	v3 =	vmul.f32 v4, v3;
	v42 =	vld [tilespmem:s15+$0xFFFFFFF0];
	v16 =	vunpack.i.u.bf16.f32 v30;
	v15 =	vunpack.i.u.bf16.f32 v32;
	[tilespmem:s3+$0x40] =	vst v2  }
0x1d4: {  	v44 =	vld [tilespmem:s2+$0xFFFFFFF0];
	v43 =	vunpack.i.l.bf16.f32 v30;
	v46 =	vmul.f32 v15, v16;
	v2 =	vunpack.i.l.bf16.f32 v32;
	[tilespmem:s3+$0x50] =	vst v1  }
0x1d5: {  	[tilespmem:s1+$0x60] =	vst v3;
	v45 =	vunpack.i.u.bf16.f32 v33;
	v1 =	vmul.f32 v2, v43;
	v2 =	vunpack.i.u.bf16.f32 v26;
	v47 =	vld [tilespmem:s7+$0x30]  }
0x1d6: {  	[tilespmem:s13+$0xFFFFFFD0] =	vst v46;
	v50 =	vunpack.i.u.bf16.f32 v35;
	v11 =	vunpack.i.u.bf16.f32 v38;
	v48 =	vld [tilespmem:s5+$0x30];
	v2 =	vmul.f32 v45, v2  }
0x1d7: {  	v49 =	vunpack.i.l.bf16.f32 v38;
	v7 =	vmul.f32 v11, v50;
	[tilespmem:s13+$0xFFFFFFC0] =	vst v1;
	v1 =	vunpack.i.l.bf16.f32 v35  }
0x1d8: {  	v39 =	vunpack.i.l.bf16.f32 v5;
	v40 =	vunpack.i.l.bf16.f32 v6;
	v1 =	vmul.f32 v49, v1;
	[tilespmem:s13+$0x70] =	vst v2;
	v2 =	vld [tilespmem:s0+$0xFFFFFFF0]  }
0x1d9: {  	v51 =	vunpack.i.u.bf16.f32 v5;
	v52 =	vunpack.i.u.bf16.f32 v6;
	v41 =	vmul.f32 v40, v39;
	[tilespmem:s3+$0xFFFFFFD0] =	vst v7;
	v53 =	vld [tilespmem:s12+$0xFFFFFFF0]  }
0x1da: {  	v4 =	vmul.f32 v52, v51;
	v54 =	vunpack.i.l.bf16.f32 v44;
	[tilespmem:s3+$0xFFFFFFC0] =	vst v1;
	v1 =	vunpack.i.l.bf16.f32 v42  }
0x1db: {  	[tilespmem:s11+$0xFFFFFFE0] =	vst v41;
	v3 =	vunpack.i.u.bf16.f32 v47;
	v55 =	vunpack.i.u.bf16.f32 v48;
	v1 =	vmul.f32 v54, v1;
	v7 =	vld [tilespmem:s7+$0xFFFFFFF0]  }
0x1dc: {  	[tilespmem:s11+$0xFFFFFFF0] =	vst v4;
	v8 =	vunpack.i.l.bf16.f32 v26;
	v10 =	vunpack.i.l.bf16.f32 v33;
	v3 =	vmul.f32 v55, v3;
	v56 =	vld [tilespmem:s5+$0xFFFFFFF0]  }
0x1dd: {  	v57 =	vunpack.i.u.bf16.f32 v42;
	v8 =	vmul.f32 v10, v8;
	v58 =	vunpack.i.u.bf16.f32 v44;
	[tilespmem:s1+$0xFFFFFFE0] =	vst v1  }
0x1de: {  	[tilespmem:s3+$0x70] =	vst v3;
	v1 =	vunpack.i.l.bf16.f32 v2;
	v3 =	vmul.f32 v58, v57;
	v59 =	vunpack.i.l.bf16.f32 v53  }
0x1df: {  	[tilespmem:s13+$0x60] =	vst v8;
	v60 =	vunpack.i.l.bf16.f32 v47;
	v61 =	vunpack.i.l.bf16.f32 v48;
	v1 =	vmul.f32 v59, v1  }
0x1e0: {  	v62 =	vmul.f32 v61, v60;
	v2 =	vunpack.i.u.bf16.f32 v2;
	v6 =	vunpack.i.u.bf16.f32 v53;
	[tilespmem:s1+$0xFFFFFFF0] =	vst v3  }
0x1e1: {  	v2 =	vmul.f32 v6, v2;
	[tilespmem:s13+$0xFFFFFFE0] =	vst v1;
	v1 =	vunpack.i.l.bf16.f32 v7;
	v3 =	vunpack.i.l.bf16.f32 v56  }
0x1e2: {  	[tilespmem:s3+$0x60] =	vst v62;
	v63 =	vunpack.i.u.bf16.f32 v7;
	v4 =	vunpack.i.u.bf16.f32 v56;
	v1 =	vmul.f32 v3, v1  }
0x1e3: {  	[tilespmem:s13+$0xFFFFFFF0] =	vst v2;
	v2 =	vmul.f32 v4, v63  }
0x1e4: {  	[tilespmem:s3+$0xFFFFFFE0] =	vst v1  }
0x1e5: {  	s19 =	simm.s32 $0xF50;
	s25 =	simm.s32 $0x4;
	[tilespmem:s3+$0xFFFFFFF0] =	vst v2  }
0x1e6: {  	[spmem:s4] =	stream.indirect.scatter.add.f32 [tilespmem:s28], [sflag:$0x3], $0x80, s19, s20, $0xb8;
	[tilespmem:$0x1E820] =	vst v63  }
0x1e7: {  	_ =	swait.ge [sflag:s25], $0x2800  }
0x1e8: {  	[sflag:s25] =	ssyncset.done $0x0  }
0x1e9: {  	[sflag:s25] =	ssyncadd.s32 $0xFFFFD800  }
0x1ea: {  	_ =	swait.ge [sflag:s18], $0x2800  }
0x1eb: {  	s31 =	rddreg [dreg:$0x13]  }
0x1ec: {  	s0 =	sadd.s32 $0x1, s31  }
0x1ed: {  	p2 =	sne.s32 s0, $0x5  }
.Ltmp6:
0x1ee: {  	_ = 	snop;
	(pc) =	sbr.rel @p2 .LBB2_3-.Ltmp6, $3  }
0x1ef: {  	_ =	sdelay $0x1  }
0x1f0: {  	[sflag:s18] =	ssyncset.done $0x0  }
0x1f1: {  	[sflag:s18] =	ssyncadd.s32 $0xFFFFD800  }
0x1f2: {  	s5 =	rddreg [dreg:$0x11]  }
0x1f3: {  	s1 =	rddreg [dreg:$0x7];
	[bflag:$0x0] =	sbarrier.arrive $0xFFFF;
	s0 =	sshll.u32 @!p0 s5, $0x5  }
0x1f4: {  	s2 =	simm.s32 @!p0 $0x40;
	s7 =	rddreg [dreg:$0x8];
	s0 =	sor.u32 @!p0 s1, s0  }
0x1f5: {  	s3 =	simm.s32 @!p0 $0x10;
	s11 =	rddreg [dreg:$0xd];
	s0 =	sshrl.u32 @!p0 s0, $0x3  }
0x1f6: {  	s12 =	rddreg [dreg:$0xe];
	s1 =	simm.s32 @!p0 $0x1;
	s0 =	sadd.s32 @!p0 s7, s0  }
0x1f7: {  	[hbm:s0@s2], [sflag:s11] =	dma.strided @!p0 [spmem:s12@s3], $0x1F40, s1, $0x4   }
0x1f8: {  	s0 =	smul.u32 @!p0 $0x60, s5;
	s5 =	simm.s32 @!p0 $0x5  }
0x1f9: {  	_ =	swait.ge @!p0 [sflag:s5], $0x1F40  }
0x1fa: {  	s8 =	rddreg [dreg:$0xb]  }
0x1fb: {  	s0 =	sadd.s32 @!p0 s8, s0  }
0x1fc: {  	[sflag:s5] =	ssyncset.done @!p0 $0x0;
	s0 =	sshrl.u32 @!p0 s0, $0x3  }
0x1fd: {  	[sflag:s5] =	ssyncadd.s32 @!p0 $0xFFFFE0C0;
	s0 =	sadd.s32 @!p0 s7, s0;
	s7 =	rddreg [dreg:$0xf]  }
0x1fe: {  	[hbm:s0@s2], [sflag:s11] =	dma.strided @!p0 [spmem:s7@s3], $0x5DC0, s1, $0xc   }
.Ltmp7:
0x1ff: {  	_ =	swait.ge @!p0 [sflag:s5], $0x5DC0;
	(pc) =	sbr.rel @p1 .LBB2_2-.Ltmp7, $4  }
0x200: {  	[sflag:s5] =	ssyncset.done @!p0 $0x0  }
0x201: {  	[sflag:s5] =	ssyncadd.s32 @!p0 $0xFFFFA240  }
0x202: {  	[bflag:$0x0] =	sbarrier.arrive $0xFFFF  }
0x203: {  	p2 =	por $0x0, $0x0;
	s0 =	simm.s32 $0x2  }
0x204: {  	s1 =	rddreg [dreg:$0x10]  }
0x205: {  	s0 =	rddreg [dreg:$0xc];
	s1 =	sadd.s32 $0x1, s1  }
0x206: {  	p1 =	sne.s32 s1, s0  }
.Ltmp8:
0x207: {  	_ = 	snop;
	(pc) =	sbr.rel @p1 .LBB2_1-.Ltmp8, $1  }
0x208: {  	_ =	sdelay $0x3  }
0x209: {  	_ =	sfence.sel $0x180000  }
0x20a: {  	[bflag:$0x0] =	sbarrier.arrive $0xFFFF  }
0x20b: {  	_ =	strace $0x90000047  }
0x20c: {  	s0 =	stileid.u32;
	[bflag:$0x2] =	sbarrier.arrive $0xFFFF  }
0x20d: {  	p0 =	sne.s32 s0, $0x0;
	s0 =	rddreg [dreg:$0x5]  }
0x20e: {  	s0 =	sadd.s32 @!p0 $0x100000, s0  }
0x20f: {  	[sflag:s0] =	ssyncadd.tile.s32 @!p0 $0x1;
	_ =	shalt  }
.Lfunc_end2:
_tile_overlayer_lowered:
.L_overlay_start_2:
0x210: {  	(tag) =	ssettag $0x2  }
0x211: {  	s0 =	rddreg [dreg:$0x0];
	s2 =	stileid.u32  }
0x212: {  	s1 =	rddreg [dreg:$0x1];
	p0 =	sne.s32 s2, $0x0  }
0x213: {  	s3 =	rddreg [dreg:$0x2];
	[bflag:$0x3] =	sbarrier.arrive $0xFFFF;
	s2 =	simm.s32 @!p0 $0x1C05  }
0x214: {  	[timem:s3], [sflag:s2] =	dma.local @!p0 [hbm:s0], s1  }
0x215: {  	s0 =	simm.s32 @!p0 $0x5  }
0x216: {  	_ =	swait.ge @!p0 [sflag:s0], s1  }
0x217: {  	s1 =	ssub.s32 @!p0 $0x0, s1;
	[sflag:s0] =	ssyncset.done @!p0 $0x0  }
0x218: {  	[sflag:s0] =	ssyncadd.s32 @!p0 s1  }
0x219: {  	[bflag:$0x3] =	sbarrier.arrive $0xFFFF  }
0x21a: {  	_ =	shalt  }

</sc_bundles>
